<compile_context>
chip_gen: v7x
topology: tpu7x:2x2x1
jax: 0.10.2.dev20260603
libtpu: 0.0.44.dev20260713+nightly
codegen_flags: <defaults>
</compile_context>

<pallas_src>
import functools

import jax
import jax.numpy as jnp
from jax import lax
from jax.experimental import pallas as pl
from jax.experimental.pallas import tpu as pltpu
from jax.experimental.pallas import tpu_sc as plsc

_NPOINT = 512
_RADIUS = 0.2
_K = 32
_DOUT = 256
_BIGF = 3.0e38


def _fps_body(x_ref, y_ref, z_ref, nx_ref, ny_ref, nz_ref, dm_ref):
    B, N = x_ref.shape
    x = x_ref[...]
    y = y_ref[...]
    z = z_ref[...]
    lanes = lax.broadcasted_iota(jnp.int32, (B, N), 1)

    fx0 = x[:, 0:1]
    fy0 = y[:, 0:1]
    fz0 = z[:, 0:1]
    dx = x - fx0
    dy = y - fy0
    dz = z - fz0
    dm_ref[...] = dx * dx + dy * dy + dz * dz

    tcols = lax.broadcasted_iota(jnp.int32, (B, 128), 1)

    def body(i, carry):
        tx, ty, tz = carry
        d = dm_ref[...]
        m = jnp.max(d, axis=1, keepdims=True)
        far = jnp.min(jnp.where(d == m, lanes, N), axis=1, keepdims=True)
        sel = lanes == far
        fx = jnp.sum(jnp.where(sel, x, 0.0), axis=1, keepdims=True)
        fy = jnp.sum(jnp.where(sel, y, 0.0), axis=1, keepdims=True)
        fz = jnp.sum(jnp.where(sel, z, 0.0), axis=1, keepdims=True)
        ddx = x - fx
        ddy = y - fy
        ddz = z - fz
        nd = ddx * ddx + ddy * ddy + ddz * ddz
        dm_ref[...] = jnp.minimum(d, nd)
        here = tcols == (i % 128)
        return (jnp.where(here, fx, tx), jnp.where(here, fy, ty),
                jnp.where(here, fz, tz))

    zt = jnp.zeros((B, 128), jnp.float32)
    for p in range(_NPOINT // 128):
        lo = max(p * 128, 1)
        tx, ty, tz = lax.fori_loop(lo, (p + 1) * 128, body, (zt, zt, zt))
        if p == 0:
            first = tcols == 0
            tx = jnp.where(first, fx0, tx)
            ty = jnp.where(first, fy0, ty)
            tz = jnp.where(first, fz0, tz)
        nx_ref[:, p * 128:(p + 1) * 128] = tx
        ny_ref[:, p * 128:(p + 1) * 128] = ty
        nz_ref[:, p * 128:(p + 1) * 128] = tz


def _run_fps(x, y, z):
    B, N = x.shape
    out = jax.ShapeDtypeStruct((B, _NPOINT), jnp.float32)
    return pl.pallas_call(
        _fps_body,
        out_shape=[out, out, out],
        scratch_shapes=[pltpu.VMEM((B, N), jnp.float32)],
    )(x, y, z)


_L = 16
_BIGI = 1 << 30


def _blane(v, lane):
    idx = jnp.full((_L,), lane, jnp.int32)
    return lax.gather(
        v, idx[:, None],
        lax.GatherDimensionNumbers(offset_dims=(), collapsed_slice_dims=(0,),
                                   start_index_map=(0,)),
        (1,), mode=lax.GatherScatterMode.PROMISE_IN_BOUNDS)


_CAP = 1024
_PCAP = 96


def _run_ball_query_sc(xp, yp, zp, nxp, nyp, nzp):
    B, N = xp.shape
    rows_per_w = (B * _NPOINT) // _NW
    per_batch = _NPOINT // rows_per_w
    ngroup = rows_per_w // _L
    nchunk = N // _L
    mesh = plsc.VectorSubcoreMesh(core_axis_name="c", subcore_axis_name="s")
    r2 = _RADIUS ** 2

    @functools.partial(
        pl.kernel,
        out_type=jax.ShapeDtypeStruct((B * _NPOINT * _K,), jnp.int32),
        mesh=mesh,
        scratch_types=[
            pltpu.VMEM((N,), jnp.float32),
            pltpu.VMEM((N,), jnp.float32),
            pltpu.VMEM((N,), jnp.float32),
            pltpu.VMEM((rows_per_w,), jnp.float32),
            pltpu.VMEM((rows_per_w,), jnp.float32),
            pltpu.VMEM((rows_per_w,), jnp.float32),
            pltpu.VMEM((_L * _CAP + _L,), jnp.float32),
            pltpu.VMEM((_L * _CAP + _L,), jnp.int32),
            pltpu.VMEM((_L * _PCAP,), jnp.int32),
            pltpu.VMEM((rows_per_w * _K,), jnp.int32),
            pltpu.SemaphoreType.DMA,
        ],
        compiler_params=pltpu.CompilerParams(needs_layout_passes=False),
    )
    def k(x_hbm, y_hbm, z_hbm, cx_hbm, cy_hbm, cz_hbm, out_hbm,
          xv, yv, zv, cxv, cyv, czv, dbuf, ibuf, pbuf, obuf, sem):
        iota = lax.iota(jnp.int32, _L)
        lane0 = iota == 0
        c = lax.axis_index("c")
        s = lax.axis_index("s")
        wid = s * 2 + c
        b = wid // per_batch
        soff = (wid % per_batch) * rows_per_w
        pltpu.sync_copy(x_hbm.at[b], xv)
        pltpu.sync_copy(y_hbm.at[b], yv)
        pltpu.sync_copy(z_hbm.at[b], zv)
        pltpu.sync_copy(cx_hbm.at[b, pl.ds(soff, rows_per_w)], cxv)
        pltpu.sync_copy(cy_hbm.at[b, pl.ds(soff, rows_per_w)], cyv)
        pltpu.sync_copy(cz_hbm.at[b, pl.ds(soff, rows_per_w)], czv)
        gbase = b * N
        lane_base = iota * _CAP
        plane_base = iota * _PCAP

        def group_body(g, _):
            cx16 = cxv[pl.ds(g * _L, _L)]
            cy16 = cyv[pl.ds(g * _L, _L)]
            cz16 = czv[pl.ds(g * _L, _L)]

            def cand_chunk(t, offv):
                xa = xv[pl.ds(t * _L, _L)]
                ya = yv[pl.ds(t * _L, _L)]
                za = zv[pl.ds(t * _L, _L)]
                for l2 in range(_L):
                    xs = _blane(xa, l2)
                    ys = _blane(ya, l2)
                    zs = _blane(za, l2)
                    dx = cx16 - xs
                    dy = cy16 - ys
                    dz = cz16 - zs
                    d = dx * dx + dy * dy + dz * dz
                    m = d <= r2
                    pos = lane_base + offv
                    jsplat = jnp.full((_L,), t * _L + l2, jnp.int32)
                    plsc.store_scatter(dbuf, [pos], d, mask=m)
                    plsc.store_scatter(ibuf, [pos], jsplat, mask=m)
                    offv = offv + m.astype(jnp.int32)
                return offv

            offv = lax.fori_loop(0, nchunk, cand_chunk,
                                 jnp.zeros((_L,), jnp.int32))

            def pad_chunk(t, offp):
                xa = xv[pl.ds(t * _L, _L)]
                ya = yv[pl.ds(t * _L, _L)]
                za = zv[pl.ds(t * _L, _L)]
                for l2 in range(_L):
                    xs = _blane(xa, l2)
                    ys = _blane(ya, l2)
                    zs = _blane(za, l2)
                    dx = cx16 - xs
                    dy = cy16 - ys
                    dz = cz16 - zs
                    d = dx * dx + dy * dy + dz * dz
                    m = d > r2
                    pos = plane_base + offp
                    jsplat = jnp.full((_L,), t * _L + l2, jnp.int32)
                    plsc.store_scatter(pbuf, [pos], jsplat, mask=m)
                    offp = offp + m.astype(jnp.int32)
                return offp

            lax.fori_loop(0, 4, pad_chunk, jnp.zeros((_L,), jnp.int32))

            def row_fin(r2i, _):
                r = g * _L + r2i
                cnt = jnp.max(_blane(offv, r2i))
                rbase = r2i * _CAP
                pbase = r2i * _PCAP
                obase = r * _K
                plsc.store_scatter(dbuf, [rbase + cnt + iota],
                                   jnp.full((_L,), _BIGF, jnp.float32))

                def few():
                    iv0 = ibuf[pl.ds(rbase, _L)] + gbase
                    iv1 = ibuf[pl.ds(rbase + _L, _L)] + gbase
                    obuf[pl.ds(obase, _L)] = iv0
                    obuf[pl.ds(obase + _L, _L)] = iv1
                    for t in range(2):
                        pv = pbuf[pl.ds(pbase + t * _L, _L)] + gbase
                        ppos = cnt + iota + t * _L
                        plsc.store_scatter(obuf, [ppos + obase], pv,
                                           mask=ppos < _K)

                def many():
                    nch = (cnt + _L) // _L

                    def extract(kk, _):
                        def scan(j, carry):
                            vbest, vpos = carry
                            v = dbuf[pl.ds(rbase + j * _L, _L)]
                            better = v < vbest
                            return (jnp.where(better, v, vbest),
                                    jnp.where(better, j * _L + iota, vpos))

                        vbest, vpos = lax.fori_loop(
                            0, nch, scan,
                            (jnp.full((_L,), _BIGF, jnp.float32),
                             jnp.full((_L,), _BIGI, jnp.int32)))
                        m = jnp.min(vbest)
                        p = jnp.min(jnp.where(vbest == m, vpos, _BIGI))
                        psplat = jnp.full((_L,), p, jnp.int32) + rbase
                        gv = plsc.load_gather(ibuf, [psplat]) + gbase
                        plsc.store_scatter(
                            obuf, [jnp.full((_L,), obase + kk, jnp.int32)],
                            gv, mask=lane0)
                        plsc.store_scatter(
                            dbuf, [psplat],
                            jnp.full((_L,), _BIGF, jnp.float32), mask=lane0)
                        return 0

                    lax.fori_loop(0, _K, extract, 0)

                lax.cond(cnt > _K, many, few)
                return 0

            lax.fori_loop(0, _L, row_fin, 0)
            return 0

        lax.fori_loop(0, ngroup, group_body, 0)
        pltpu.sync_copy(obuf, out_hbm.at[pl.ds(wid * rows_per_w * _K,
                                               rows_per_w * _K)])

    return k(xp, yp, zp, nxp, nyp, nzp)


_NW = 32
_GROWS = 128


def _run_gather(table, idx2d):
    n_idx_rows = idx2d.shape[0]
    rows_per_w = n_idx_rows // _NW
    total = n_idx_rows * _GROWS
    width = table.shape[1]
    mesh = plsc.VectorSubcoreMesh(core_axis_name="c", subcore_axis_name="s")

    @functools.partial(
        pl.kernel,
        out_type=jax.ShapeDtypeStruct((total, width), jnp.float32),
        mesh=mesh,
        scratch_types=[
            pltpu.VMEM((rows_per_w, _GROWS), jnp.int32),
            pltpu.VMEM((_GROWS, width), jnp.float32),
            pltpu.SemaphoreType.DMA,
        ],
    )
    def k(table_hbm, idx_hbm, out_hbm, idx_v, rows_v, sem):
        c = lax.axis_index("c")
        s = lax.axis_index("s")
        wid = s * 2 + c
        base = wid * rows_per_w
        pltpu.sync_copy(idx_hbm.at[pl.ds(base, rows_per_w)], idx_v)

        def body(j, _):
            pltpu.async_copy(table_hbm.at[idx_v.at[j]], rows_v, sem).wait()
            pltpu.sync_copy(rows_v, out_hbm.at[pl.ds((base + j) * _GROWS, _GROWS)])
            return 0

        lax.fori_loop(0, rows_per_w, body, 0, unroll=False)

    return k(table, idx2d)


_SMLP = 128
_RML = _SMLP * _K


def _mlp_body(g_ref, cxyz_ref, w1a_ref, w1a3_ref, b1a_ref, w1b_ref, b1b_ref,
              wwaf_ref, wwa3_ref, bwa_ref, wwb_ref, bwb_ref, out_ref):
    g = g_ref[...]
    cxyz = cxyz_ref[...]
    ctr1 = jnp.dot(cxyz, w1a3_ref[...], preferred_element_type=jnp.float32)
    ctr2 = jnp.dot(cxyz, wwa3_ref[...], preferred_element_type=jnp.float32)

    def rep(a):
        return jnp.reshape(
            jnp.broadcast_to(a[:, None, :], (_SMLP, _K, a.shape[-1])),
            (_RML, a.shape[-1]))

    t1 = jnp.dot(g, w1a_ref[...], preferred_element_type=jnp.float32)
    h = jnp.maximum(t1 + b1a_ref[...] - rep(ctr1), 0.0)
    fp = jnp.maximum(
        jnp.dot(h, w1b_ref[...], preferred_element_type=jnp.float32) + b1b_ref[...], 0.0)
    fm = jnp.sum(jnp.reshape(fp, (_SMLP, _K, _DOUT)), axis=1) * (1.0 / _K)
    xyzp = g[:, 0:8]
    t2 = (jnp.dot(fp - rep(fm), wwaf_ref[...], preferred_element_type=jnp.float32)
          + jnp.dot(xyzp, wwa3_ref[...], preferred_element_type=jnp.float32)
          - rep(ctr2))
    hw = jnp.maximum(t2 + bwa_ref[...], 0.0)
    logit = jnp.dot(hw, wwb_ref[...], preferred_element_type=jnp.float32) + bwb_ref[...]
    alpha = jax.nn.sigmoid(logit)
    out_ref[...] = jnp.sum(jnp.reshape(alpha * fp, (_SMLP, _K, _DOUT)), axis=1)


def _run_mlp(g, cxyz, w1a, w1a3, b1a, w1b, b1b, wwaf, wwa3, bwa, wwb, bwb):
    n_rows = g.shape[0]
    grid = (n_rows // _RML,)

    def const(shape):
        return pl.BlockSpec(shape, lambda i: tuple(0 for _ in shape))

    return pl.pallas_call(
        _mlp_body,
        grid=grid,
        in_specs=[
            pl.BlockSpec((_RML, 128), lambda i: (i, 0)),
            pl.BlockSpec((_SMLP, 8), lambda i: (i, 0)),
            const(w1a.shape), const(w1a3.shape), const(b1a.shape),
            const(w1b.shape), const(b1b.shape), const(wwaf.shape),
            const(wwa3.shape), const(bwa.shape), const(wwb.shape),
            const(bwb.shape),
        ],
        out_specs=pl.BlockSpec((_SMLP, _DOUT), lambda i: (i, 0)),
        out_shape=jax.ShapeDtypeStruct((n_rows // _K, _DOUT), jnp.float32),
    )(g, cxyz, w1a, w1a3, b1a, w1b, b1b, wwaf, wwa3, bwa, wwb, bwb)


def kernel(xyz, features, W1a, b1a, W1b, b1b, Wwa, bwa, Wwb, bwb):
    B, N, _ = xyz.shape
    C = features.shape[-1]
    x = xyz[:, :, 0]
    y = xyz[:, :, 1]
    z = xyz[:, :, 2]

    nx, ny, nz = _run_fps(x, y, z)
    new_xyz = jnp.stack([nx, ny, nz], axis=-1)

    idx_flat = _run_ball_query_sc(x, y, z, nx, ny, nz)
    idx2d = idx_flat.reshape(-1, _GROWS)

    table = jnp.concatenate(
        [xyz, features, jnp.zeros((B, N, 128 - 3 - C), jnp.float32)],
        axis=-1).reshape(B * N, 128)
    g = _run_gather(table, idx2d)

    cxyz = jnp.concatenate(
        [new_xyz, jnp.zeros((B, _NPOINT, 5), jnp.float32)], axis=-1
    ).reshape(B * _NPOINT, 8)
    w1a = jnp.concatenate([W1a, jnp.zeros((128 - W1a.shape[0], _DOUT), jnp.float32)])
    w1a3 = jnp.concatenate([W1a[:3], jnp.zeros((5, _DOUT), jnp.float32)])
    wwa3 = jnp.concatenate([Wwa[:3], jnp.zeros((5, _DOUT), jnp.float32)])
    wwaf = Wwa[3:]
    f_out = _run_mlp(g, cxyz, w1a, w1a3, b1a[None, :], W1b, b1b[None, :],
                     wwaf, wwa3, bwa[None, :], Wwb, bwb[None, :])
    return (new_xyz, f_out.reshape(B, _NPOINT, _DOUT))

# --- scband reference (transcript-rebuilt; emitter-appended) ---
"""Pipeline reference for scband-set-abstraction-22531398435368 (READ-ONLY COPY).

The authoritative reference and input builder live on the scoring server;
editing this copy changes nothing except your own understanding.
"""

import jax, jax.numpy as jnp
import numpy as np

NPOINT = 512
RADIUS = 0.2
NSAMPLE = 32
MLP_OUT = 256


def index_points2(points, idx):
    # points (B,N,D), idx (B,S) -> (B,S,D)
    return points[jnp.arange(points.shape[0])[:, None], idx]


def index_points3(points, idx):
    # points (B,N,D), idx (B,S,K) -> (B,S,K,D)
    return points[jnp.arange(points.shape[0])[:, None, None], idx]


def farthest_point_sampling(xyz, npoint):
    # deterministic variant: first point is index 0 (original TF uses a random first index)
    B, N, _ = xyz.shape
    first = jnp.zeros((B,), dtype=jnp.int32)
    chosen = jnp.zeros((B, npoint), dtype=jnp.int32).at[:, 0].set(first)
    chosen_xyz = xyz[jnp.arange(B), first]  # (B,3)
    dist_min = jnp.sum((xyz - chosen_xyz[:, None, :]) ** 2, axis=-1)  # (B,N)

    def body(i, carry):
        chosen, dist_min = carry
        farthest = jnp.argmax(dist_min, axis=-1).astype(jnp.int32)  # (B,)
        far_xyz = xyz[jnp.arange(B), farthest]  # (B,3)
        d = jnp.sum((xyz - far_xyz[:, None, :]) ** 2, axis=-1)
        dist_min = jnp.minimum(dist_min, d)
        chosen = chosen.at[:, i].set(farthest)
        return (chosen, dist_min)

    chosen, _ = jax.lax.fori_loop(1, npoint, body, (chosen, dist_min))
    return chosen


def query_ball_point(radius, nsample, xyz, new_xyz):
    # xyz (B,N,3), new_xyz (B,S,3) -> idx (B,S,nsample)
    dist = jnp.sum((new_xyz[:, :, None, :] - xyz[:, None, :, :]) ** 2, axis=-1)  # (B,S,N)
    mask = dist <= radius ** 2
    dist_masked = jnp.where(mask, dist, jnp.full_like(dist, jnp.inf))
    idx = jnp.argsort(dist_masked, axis=-1)[:, :, :nsample]
    return idx


def setup_inputs(seed: int = 0) -> dict:
    key = jax.random.key(seed)
    ks = jax.random.split(key, 12)
    B, N, C = 8, 4096, 64
    xyz = jax.random.uniform(ks[0], (B, N, 3), dtype=jnp.float32)
    features = jax.random.normal(ks[1], (B, N, C), dtype=jnp.float32)
    d_in1 = 3 + C            # grouped_xyz_norm (3) + grouped_feats (C)
    d_inw = 3 + MLP_OUT      # grouped_xyz_norm (3) + (f_prime - f_mean)
    s1 = 1.0 / np.sqrt(d_in1)
    s2 = 1.0 / np.sqrt(MLP_OUT)
    sw = 1.0 / np.sqrt(d_inw)
    W1a = jax.random.uniform(ks[2], (d_in1, MLP_OUT), jnp.float32, -s1, s1)
    b1a = jnp.zeros((MLP_OUT,), jnp.float32)
    W1b = jax.random.uniform(ks[3], (MLP_OUT, MLP_OUT), jnp.float32, -s2, s2)
    b1b = jnp.zeros((MLP_OUT,), jnp.float32)
    Wwa = jax.random.uniform(ks[4], (d_inw, MLP_OUT), jnp.float32, -sw, sw)
    bwa = jnp.zeros((MLP_OUT,), jnp.float32)
    Wwb = jax.random.uniform(ks[5], (MLP_OUT, MLP_OUT), jnp.float32, -s2, s2)
    bwb = jnp.zeros((MLP_OUT,), jnp.float32)
    return {"xyz": xyz, "features": features, "W1a": W1a, "b1a": b1a,
            "W1b": W1b, "b1b": b1b, "Wwa": Wwa, "bwa": bwa, "Wwb": Wwb, "bwb": bwb}


def reference(xyz, features, W1a, b1a, W1b, b1b, Wwa, bwa, Wwb, bwb):
    fps_idx = farthest_point_sampling(xyz, NPOINT)          # (B,S)
    new_xyz = index_points2(xyz, fps_idx)                   # (B,S,3)
    group_idx = query_ball_point(RADIUS, NSAMPLE, xyz, new_xyz)  # (B,S,K)
    grouped_xyz = index_points3(xyz, group_idx)             # (B,S,K,3)
    grouped_xyz_norm = grouped_xyz - new_xyz[:, :, None, :]
    grouped_feats = index_points3(features, group_idx)      # (B,S,K,C)
    f_in = jnp.concatenate([grouped_xyz_norm, grouped_feats], axis=-1)
    h = jax.nn.relu(f_in @ W1a + b1a)
    f_prime = jax.nn.relu(h @ W1b + b1b)                    # (B,S,K,mlp_out)
    f_mean = jnp.mean(f_prime, axis=2, keepdims=True)
    w_in = jnp.concatenate([grouped_xyz_norm, f_prime - f_mean], axis=-1)
    hw = jax.nn.relu(w_in @ Wwa + bwa)
    alpha = jax.nn.sigmoid(hw @ Wwb + bwb)
    f_weighted = alpha * f_prime
    f_out = jnp.sum(f_weighted, axis=2)                     # (B,S,mlp_out)
    return (new_xyz, f_out)

if __name__ == "__main__":
    import jax
    _d = setup_inputs()
    print(jax.jit(kernel)(*tuple(_d.values())))

</pallas_src>

<mosaic_0001>
#map = affine_map<(d0, d1) -> (0, 0)>
#map1 = affine_map<(d0, d1) -> (0)>
module attributes {stable_mosaic.version = 14 : i64} {
  func.func @k(%arg0: i32, %arg1: i32, %arg2: memref<8x4096xf32, #tpu.memory_space<hbm>>, %arg3: memref<8x4096xf32, #tpu.memory_space<hbm>>, %arg4: memref<8x4096xf32, #tpu.memory_space<hbm>>, %arg5: memref<8x512xf32, #tpu.memory_space<hbm>>, %arg6: memref<8x512xf32, #tpu.memory_space<hbm>>, %arg7: memref<8x512xf32, #tpu.memory_space<hbm>>, %arg8: memref<131072xi32, #tpu.memory_space<hbm>>, %arg9: memref<4096xf32, #tpu.memory_space<vmem>>, %arg10: memref<4096xf32, #tpu.memory_space<vmem>>, %arg11: memref<4096xf32, #tpu.memory_space<vmem>>, %arg12: memref<128xf32, #tpu.memory_space<vmem>>, %arg13: memref<128xf32, #tpu.memory_space<vmem>>, %arg14: memref<128xf32, #tpu.memory_space<vmem>>, %arg15: memref<16400xf32, #tpu.memory_space<vmem>>, %arg16: memref<16400xi32, #tpu.memory_space<vmem>>, %arg17: memref<1536xi32, #tpu.memory_space<vmem>>, %arg18: memref<4096xi32, #tpu.memory_space<vmem>>, %arg19: memref<!tpu.dma_semaphore, #tpu.memory_space<semaphore_mem>>) attributes {dimension_semantics = [#tpu.dimension_semantics<core_parallel>, #tpu.dimension_semantics<subcore_parallel>], iteration_bounds = array<i64: 2, 16>, scalar_prefetch = 0 : i64, scratch_operands = 11 : i64, tpu.core_type = #tpu.core_type<sc_vector_subcore>, window_params = [{transform_indices = #map}, {transform_indices = #map}, {transform_indices = #map}, {transform_indices = #map}, {transform_indices = #map}, {transform_indices = #map}, {transform_indices = #map1}]} {
    %iota3A = tpu.iota {dimensions = array<i32: 0>} : vector<16xi32>
    %eq3A = arith.constant 0 : i32
    %eq3A_0 = vector.broadcast %eq3A : i32 to vector<16xi32>
    %eq3A_1 = arith.cmpi eq, %iota3A, %eq3A_0 : vector<16xi32>
    %mul3A = arith.constant 2 : i32
    %mul3A_2 = arith.muli %arg1, %mul3A : i32
    %add3A = arith.addi %mul3A_2, %arg0 : i32
    %jit3A = arith.constant 4 : i32
    %div3A = arith.divsi %add3A, %jit3A : i32
    %sign3A = arith.constant 0 : i32
    %sign3A_3 = arith.cmpi sgt, %add3A, %sign3A : i32
    %sign3A_4 = arith.extui %sign3A_3 : i1 to i32
    %sign3A_5 = arith.constant 0 : i32
    %sign3A_6 = arith.cmpi slt, %add3A, %sign3A_5 : i32
    %sign3A_7 = arith.extui %sign3A_6 : i1 to i32
    %sign3A_8 = arith.subi %sign3A_4, %sign3A_7 : i32
    %sign3A_9 = arith.constant 0 : i32
    %sign3A_10 = arith.cmpi sgt, %jit3A, %sign3A_9 : i32
    %sign3A_11 = arith.extui %sign3A_10 : i1 to i32
    %sign3A_12 = arith.constant 0 : i32
    %sign3A_13 = arith.cmpi slt, %jit3A, %sign3A_12 : i32
    %sign3A_14 = arith.extui %sign3A_13 : i1 to i32
    %sign3A_15 = arith.subi %sign3A_11, %sign3A_14 : i32
    %ne3A = arith.cmpi ne, %sign3A_8, %sign3A_15 : i32
    %rem3A = arith.remsi %add3A, %jit3A : i32
    %ne3A_16 = arith.constant 0 : i32
    %ne3A_17 = arith.cmpi ne, %rem3A, %ne3A_16 : i32
    %and3A = arith.andi %ne3A, %ne3A_17 : i1
    %sub3A = arith.constant 1 : i32
    %sub3A_18 = arith.subi %div3A, %sub3A : i32
    %select_n3A = arith.select %and3A, %sub3A_18, %div3A : i32
    %jit3A_19 = arith.constant 4 : i32
    %eq3A_20 = arith.constant 0 : i32
    %eq3A_21 = arith.cmpi eq, %jit3A_19, %eq3A_20 : i32
    %jit3A_22 = arith.constant 1 : i32
    %select_n3A_23 = arith.select %eq3A_21, %jit3A_22, %jit3A_19 : i32
    %rem3A_24 = arith.remsi %add3A, %select_n3A_23 : i32
    %ne3A_25 = arith.constant 0 : i32
    %ne3A_26 = arith.cmpi ne, %rem3A_24, %ne3A_25 : i32
    %lt3A = arith.constant 0 : i32
    %lt3A_27 = arith.cmpi slt, %rem3A_24, %lt3A : i32
    %lt3A_28 = arith.constant 0 : i32
    %lt3A_29 = arith.cmpi slt, %select_n3A_23, %lt3A_28 : i32
    %ne3A_30 = arith.xori %lt3A_27, %lt3A_29 : i1
    %and3A_31 = arith.andi %ne3A_30, %ne3A_26 : i1
    %add3A_32 = arith.addi %rem3A_24, %select_n3A_23 : i32
    %select_n3A_33 = arith.select %and3A_31, %add3A_32, %rem3A_24 : i32
    %mul3A_34 = arith.constant 128 : i32
    %mul3A_35 = arith.muli %select_n3A_33, %mul3A_34 : i32
    "tpu.region"() ({
      %run_scoped3A = tpu.sem_alloc : memref<!tpu.dma_semaphore, #tpu.memory_space<semaphore_mem>>
      %dma_start3A = arith.constant 0 : i32
      %dma_start3A_54 = tpu.memref_slice %arg2[%select_n3A, %dma_start3A] : memref<8x4096xf32, #tpu.memory_space<hbm>> -> memref<1x4096xf32, #tpu.memory_space<hbm>>
      %dma_start3A_55 = tpu.memref_squeeze %dma_start3A_54 : memref<1x4096xf32, #tpu.memory_space<hbm>> -> memref<4096xf32, #tpu.memory_space<hbm>>
      %dma_start3A_56 = arith.constant 0 : i32
      %dma_start3A_57 = tpu.memref_slice %arg2[%select_n3A, %dma_start3A_56] : memref<8x4096xf32, #tpu.memory_space<hbm>> -> memref<1x4096xf32, #tpu.memory_space<hbm>>
      %dma_start3A_58 = tpu.memref_squeeze %dma_start3A_57 : memref<1x4096xf32, #tpu.memory_space<hbm>> -> memref<4096xf32, #tpu.memory_space<hbm>>
      tpu.enqueue_dma source(%dma_start3A_58 : memref<4096xf32, #tpu.memory_space<hbm>>) target(%arg9 : memref<4096xf32, #tpu.memory_space<vmem>>) target_semaphore(%run_scoped3A : memref<!tpu.dma_semaphore, #tpu.memory_space<semaphore_mem>>)
      %dma_wait3A = arith.constant 0 : i32
      %dma_wait3A_59 = tpu.memref_slice %arg2[%select_n3A, %dma_wait3A] : memref<8x4096xf32, #tpu.memory_space<hbm>> -> memref<1x4096xf32, #tpu.memory_space<hbm>>
      %dma_wait3A_60 = tpu.memref_squeeze %dma_wait3A_59 : memref<1x4096xf32, #tpu.memory_space<hbm>> -> memref<4096xf32, #tpu.memory_space<hbm>>
      %dma_wait3A_61 = arith.constant 0 : i32
      %dma_wait3A_62 = tpu.memref_slice %arg2[%select_n3A, %dma_wait3A_61] : memref<8x4096xf32, #tpu.memory_space<hbm>> -> memref<1x4096xf32, #tpu.memory_space<hbm>>
      %dma_wait3A_63 = tpu.memref_squeeze %dma_wait3A_62 : memref<1x4096xf32, #tpu.memory_space<hbm>> -> memref<4096xf32, #tpu.memory_space<hbm>>
      tpu.wait_dma2 semaphore(%run_scoped3A : memref<!tpu.dma_semaphore, #tpu.memory_space<semaphore_mem>>) src(%dma_wait3A_63 : memref<4096xf32, #tpu.memory_space<hbm>>) dst(%arg9 : memref<4096xf32, #tpu.memory_space<vmem>>)
      tpu.yield
    }) : () -> ()
    "tpu.region"() ({
      %run_scoped3A = tpu.sem_alloc : memref<!tpu.dma_semaphore, #tpu.memory_space<semaphore_mem>>
      %dma_start3A = arith.constant 0 : i32
      %dma_start3A_54 = tpu.memref_slice %arg3[%select_n3A, %dma_start3A] : memref<8x4096xf32, #tpu.memory_space<hbm>> -> memref<1x4096xf32, #tpu.memory_space<hbm>>
      %dma_start3A_55 = tpu.memref_squeeze %dma_start3A_54 : memref<1x4096xf32, #tpu.memory_space<hbm>> -> memref<4096xf32, #tpu.memory_space<hbm>>
      %dma_start3A_56 = arith.constant 0 : i32
      %dma_start3A_57 = tpu.memref_slice %arg3[%select_n3A, %dma_start3A_56] : memref<8x4096xf32, #tpu.memory_space<hbm>> -> memref<1x4096xf32, #tpu.memory_space<hbm>>
      %dma_start3A_58 = tpu.memref_squeeze %dma_start3A_57 : memref<1x4096xf32, #tpu.memory_space<hbm>> -> memref<4096xf32, #tpu.memory_space<hbm>>
      tpu.enqueue_dma source(%dma_start3A_58 : memref<4096xf32, #tpu.memory_space<hbm>>) target(%arg10 : memref<4096xf32, #tpu.memory_space<vmem>>) target_semaphore(%run_scoped3A : memref<!tpu.dma_semaphore, #tpu.memory_space<semaphore_mem>>)
      %dma_wait3A = arith.constant 0 : i32
      %dma_wait3A_59 = tpu.memref_slice %arg3[%select_n3A, %dma_wait3A] : memref<8x4096xf32, #tpu.memory_space<hbm>> -> memref<1x4096xf32, #tpu.memory_space<hbm>>
      %dma_wait3A_60 = tpu.memref_squeeze %dma_wait3A_59 : memref<1x4096xf32, #tpu.memory_space<hbm>> -> memref<4096xf32, #tpu.memory_space<hbm>>
      %dma_wait3A_61 = arith.constant 0 : i32
      %dma_wait3A_62 = tpu.memref_slice %arg3[%select_n3A, %dma_wait3A_61] : memref<8x4096xf32, #tpu.memory_space<hbm>> -> memref<1x4096xf32, #tpu.memory_space<hbm>>
      %dma_wait3A_63 = tpu.memref_squeeze %dma_wait3A_62 : memref<1x4096xf32, #tpu.memory_space<hbm>> -> memref<4096xf32, #tpu.memory_space<hbm>>
      tpu.wait_dma2 semaphore(%run_scoped3A : memref<!tpu.dma_semaphore, #tpu.memory_space<semaphore_mem>>) src(%dma_wait3A_63 : memref<4096xf32, #tpu.memory_space<hbm>>) dst(%arg10 : memref<4096xf32, #tpu.memory_space<vmem>>)
      tpu.yield
    }) : () -> ()
    "tpu.region"() ({
      %run_scoped3A = tpu.sem_alloc : memref<!tpu.dma_semaphore, #tpu.memory_space<semaphore_mem>>
      %dma_start3A = arith.constant 0 : i32
      %dma_start3A_54 = tpu.memref_slice %arg4[%select_n3A, %dma_start3A] : memref<8x4096xf32, #tpu.memory_space<hbm>> -> memref<1x4096xf32, #tpu.memory_space<hbm>>
      %dma_start3A_55 = tpu.memref_squeeze %dma_start3A_54 : memref<1x4096xf32, #tpu.memory_space<hbm>> -> memref<4096xf32, #tpu.memory_space<hbm>>
      %dma_start3A_56 = arith.constant 0 : i32
      %dma_start3A_57 = tpu.memref_slice %arg4[%select_n3A, %dma_start3A_56] : memref<8x4096xf32, #tpu.memory_space<hbm>> -> memref<1x4096xf32, #tpu.memory_space<hbm>>
      %dma_start3A_58 = tpu.memref_squeeze %dma_start3A_57 : memref<1x4096xf32, #tpu.memory_space<hbm>> -> memref<4096xf32, #tpu.memory_space<hbm>>
      tpu.enqueue_dma source(%dma_start3A_58 : memref<4096xf32, #tpu.memory_space<hbm>>) target(%arg11 : memref<4096xf32, #tpu.memory_space<vmem>>) target_semaphore(%run_scoped3A : memref<!tpu.dma_semaphore, #tpu.memory_space<semaphore_mem>>)
      %dma_wait3A = arith.constant 0 : i32
      %dma_wait3A_59 = tpu.memref_slice %arg4[%select_n3A, %dma_wait3A] : memref<8x4096xf32, #tpu.memory_space<hbm>> -> memref<1x4096xf32, #tpu.memory_space<hbm>>
      %dma_wait3A_60 = tpu.memref_squeeze %dma_wait3A_59 : memref<1x4096xf32, #tpu.memory_space<hbm>> -> memref<4096xf32, #tpu.memory_space<hbm>>
      %dma_wait3A_61 = arith.constant 0 : i32
      %dma_wait3A_62 = tpu.memref_slice %arg4[%select_n3A, %dma_wait3A_61] : memref<8x4096xf32, #tpu.memory_space<hbm>> -> memref<1x4096xf32, #tpu.memory_space<hbm>>
      %dma_wait3A_63 = tpu.memref_squeeze %dma_wait3A_62 : memref<1x4096xf32, #tpu.memory_space<hbm>> -> memref<4096xf32, #tpu.memory_space<hbm>>
      tpu.wait_dma2 semaphore(%run_scoped3A : memref<!tpu.dma_semaphore, #tpu.memory_space<semaphore_mem>>) src(%dma_wait3A_63 : memref<4096xf32, #tpu.memory_space<hbm>>) dst(%arg11 : memref<4096xf32, #tpu.memory_space<vmem>>)
      tpu.yield
    }) : () -> ()
    "tpu.region"() ({
      %run_scoped3A = tpu.sem_alloc : memref<!tpu.dma_semaphore, #tpu.memory_space<semaphore_mem>>
      %dma_start3A = tpu.memref_slice %arg5[%select_n3A, %mul3A_35] : memref<8x512xf32, #tpu.memory_space<hbm>> -> memref<1x128xf32, #tpu.memory_space<hbm>>
      %dma_start3A_54 = tpu.memref_squeeze %dma_start3A : memref<1x128xf32, #tpu.memory_space<hbm>> -> memref<128xf32, #tpu.memory_space<hbm>>
      %dma_start3A_55 = tpu.memref_slice %arg5[%select_n3A, %mul3A_35] : memref<8x512xf32, #tpu.memory_space<hbm>> -> memref<1x128xf32, #tpu.memory_space<hbm>>
      %dma_start3A_56 = tpu.memref_squeeze %dma_start3A_55 : memref<1x128xf32, #tpu.memory_space<hbm>> -> memref<128xf32, #tpu.memory_space<hbm>>
      tpu.enqueue_dma source(%dma_start3A_56 : memref<128xf32, #tpu.memory_space<hbm>>) target(%arg12 : memref<128xf32, #tpu.memory_space<vmem>>) target_semaphore(%run_scoped3A : memref<!tpu.dma_semaphore, #tpu.memory_space<semaphore_mem>>)
      %dma_wait3A = tpu.memref_slice %arg5[%select_n3A, %mul3A_35] : memref<8x512xf32, #tpu.memory_space<hbm>> -> memref<1x128xf32, #tpu.memory_space<hbm>>
      %dma_wait3A_57 = tpu.memref_squeeze %dma_wait3A : memref<1x128xf32, #tpu.memory_space<hbm>> -> memref<128xf32, #tpu.memory_space<hbm>>
      %dma_wait3A_58 = tpu.memref_slice %arg5[%select_n3A, %mul3A_35] : memref<8x512xf32, #tpu.memory_space<hbm>> -> memref<1x128xf32, #tpu.memory_space<hbm>>
      %dma_wait3A_59 = tpu.memref_squeeze %dma_wait3A_58 : memref<1x128xf32, #tpu.memory_space<hbm>> -> memref<128xf32, #tpu.memory_space<hbm>>
      tpu.wait_dma2 semaphore(%run_scoped3A : memref<!tpu.dma_semaphore, #tpu.memory_space<semaphore_mem>>) src(%dma_wait3A_59 : memref<128xf32, #tpu.memory_space<hbm>>) dst(%arg12 : memref<128xf32, #tpu.memory_space<vmem>>)
      tpu.yield
    }) : () -> ()
    "tpu.region"() ({
      %run_scoped3A = tpu.sem_alloc : memref<!tpu.dma_semaphore, #tpu.memory_space<semaphore_mem>>
      %dma_start3A = tpu.memref_slice %arg6[%select_n3A, %mul3A_35] : memref<8x512xf32, #tpu.memory_space<hbm>> -> memref<1x128xf32, #tpu.memory_space<hbm>>
      %dma_start3A_54 = tpu.memref_squeeze %dma_start3A : memref<1x128xf32, #tpu.memory_space<hbm>> -> memref<128xf32, #tpu.memory_space<hbm>>
      %dma_start3A_55 = tpu.memref_slice %arg6[%select_n3A, %mul3A_35] : memref<8x512xf32, #tpu.memory_space<hbm>> -> memref<1x128xf32, #tpu.memory_space<hbm>>
      %dma_start3A_56 = tpu.memref_squeeze %dma_start3A_55 : memref<1x128xf32, #tpu.memory_space<hbm>> -> memref<128xf32, #tpu.memory_space<hbm>>
      tpu.enqueue_dma source(%dma_start3A_56 : memref<128xf32, #tpu.memory_space<hbm>>) target(%arg13 : memref<128xf32, #tpu.memory_space<vmem>>) target_semaphore(%run_scoped3A : memref<!tpu.dma_semaphore, #tpu.memory_space<semaphore_mem>>)
      %dma_wait3A = tpu.memref_slice %arg6[%select_n3A, %mul3A_35] : memref<8x512xf32, #tpu.memory_space<hbm>> -> memref<1x128xf32, #tpu.memory_space<hbm>>
      %dma_wait3A_57 = tpu.memref_squeeze %dma_wait3A : memref<1x128xf32, #tpu.memory_space<hbm>> -> memref<128xf32, #tpu.memory_space<hbm>>
      %dma_wait3A_58 = tpu.memref_slice %arg6[%select_n3A, %mul3A_35] : memref<8x512xf32, #tpu.memory_space<hbm>> -> memref<1x128xf32, #tpu.memory_space<hbm>>
      %dma_wait3A_59 = tpu.memref_squeeze %dma_wait3A_58 : memref<1x128xf32, #tpu.memory_space<hbm>> -> memref<128xf32, #tpu.memory_space<hbm>>
      tpu.wait_dma2 semaphore(%run_scoped3A : memref<!tpu.dma_semaphore, #tpu.memory_space<semaphore_mem>>) src(%dma_wait3A_59 : memref<128xf32, #tpu.memory_space<hbm>>) dst(%arg13 : memref<128xf32, #tpu.memory_space<vmem>>)
      tpu.yield
    }) : () -> ()
    "tpu.region"() ({
      %run_scoped3A = tpu.sem_alloc : memref<!tpu.dma_semaphore, #tpu.memory_space<semaphore_mem>>
      %dma_start3A = tpu.memref_slice %arg7[%select_n3A, %mul3A_35] : memref<8x512xf32, #tpu.memory_space<hbm>> -> memref<1x128xf32, #tpu.memory_space<hbm>>
      %dma_start3A_54 = tpu.memref_squeeze %dma_start3A : memref<1x128xf32, #tpu.memory_space<hbm>> -> memref<128xf32, #tpu.memory_space<hbm>>
      %dma_start3A_55 = tpu.memref_slice %arg7[%select_n3A, %mul3A_35] : memref<8x512xf32, #tpu.memory_space<hbm>> -> memref<1x128xf32, #tpu.memory_space<hbm>>
      %dma_start3A_56 = tpu.memref_squeeze %dma_start3A_55 : memref<1x128xf32, #tpu.memory_space<hbm>> -> memref<128xf32, #tpu.memory_space<hbm>>
      tpu.enqueue_dma source(%dma_start3A_56 : memref<128xf32, #tpu.memory_space<hbm>>) target(%arg14 : memref<128xf32, #tpu.memory_space<vmem>>) target_semaphore(%run_scoped3A : memref<!tpu.dma_semaphore, #tpu.memory_space<semaphore_mem>>)
      %dma_wait3A = tpu.memref_slice %arg7[%select_n3A, %mul3A_35] : memref<8x512xf32, #tpu.memory_space<hbm>> -> memref<1x128xf32, #tpu.memory_space<hbm>>
      %dma_wait3A_57 = tpu.memref_squeeze %dma_wait3A : memref<1x128xf32, #tpu.memory_space<hbm>> -> memref<128xf32, #tpu.memory_space<hbm>>
      %dma_wait3A_58 = tpu.memref_slice %arg7[%select_n3A, %mul3A_35] : memref<8x512xf32, #tpu.memory_space<hbm>> -> memref<1x128xf32, #tpu.memory_space<hbm>>
      %dma_wait3A_59 = tpu.memref_squeeze %dma_wait3A_58 : memref<1x128xf32, #tpu.memory_space<hbm>> -> memref<128xf32, #tpu.memory_space<hbm>>
      tpu.wait_dma2 semaphore(%run_scoped3A : memref<!tpu.dma_semaphore, #tpu.memory_space<semaphore_mem>>) src(%dma_wait3A_59 : memref<128xf32, #tpu.memory_space<hbm>>) dst(%arg14 : memref<128xf32, #tpu.memory_space<vmem>>)
      tpu.yield
    }) : () -> ()
    %mul3A_36 = arith.constant 4096 : i32
    %mul3A_37 = arith.muli %select_n3A, %mul3A_36 : i32
    %mul3A_38 = arith.constant 1024 : i32
    %mul3A_39 = vector.broadcast %mul3A_38 : i32 to vector<16xi32>
    %mul3A_40 = arith.muli %iota3A, %mul3A_39 : vector<16xi32>
    %mul3A_41 = arith.constant 96 : i32
    %mul3A_42 = vector.broadcast %mul3A_41 : i32 to vector<16xi32>
    %mul3A_43 = arith.muli %iota3A, %mul3A_42 : vector<16xi32>
    %scan3A = arith.constant 0 : i32
    %scan3A_44 = arith.constant 0 : i32
    %scan3A_45 = arith.constant 8 : i32
    %scan3A_46 = arith.addi %scan3A_44, %scan3A_45 : i32
    %scan3A_47 = arith.constant 1 : i32
    %scan3A_48 = scf.for %scan3A_54 = %scan3A_44 to %scan3A_46 step %scan3A_47 iter_args(%scan3A_55 = %scan3A) -> (i32)  : i32 {
      %mul3A_56 = arith.constant 16 : i32
      %mul3A_57 = arith.muli %scan3A_54, %mul3A_56 : i32
      %get3A = arith.index_cast %mul3A_57 : i32 to index
      %get3A_58 = tpu.vector_load %arg12[%get3A] {strides = array<i32>} : memref<128xf32, #tpu.memory_space<vmem>>, vector<16xf32>,
      %mul3A_59 = arith.constant 16 : i32
      %mul3A_60 = arith.muli %scan3A_54, %mul3A_59 : i32
      %get3A_61 = arith.index_cast %mul3A_60 : i32 to index
      %get3A_62 = tpu.vector_load %arg13[%get3A_61] {strides = array<i32>} : memref<128xf32, #tpu.memory_space<vmem>>, vector<16xf32>,
      %mul3A_63 = arith.constant 16 : i32
      %mul3A_64 = arith.muli %scan3A_54, %mul3A_63 : i32
      %get3A_65 = arith.index_cast %mul3A_64 : i32 to index
      %get3A_66 = tpu.vector_load %arg14[%get3A_65] {strides = array<i32>} : memref<128xf32, #tpu.memory_space<vmem>>, vector<16xf32>,
      %broadcast_in_dim3A = arith.constant 0 : i32
      %broadcast_in_dim3A_67 = vector.broadcast %broadcast_in_dim3A : i32 to vector<16xi32>
      %scan3A_68 = arith.constant 0 : i32
      %scan3A_69 = arith.constant 256 : i32
      %scan3A_70 = arith.addi %scan3A_68, %scan3A_69 : i32
      %scan3A_71 = arith.constant 1 : i32
      %scan3A_72 = scf.for %scan3A_90 = %scan3A_68 to %scan3A_70 step %scan3A_71 iter_args(%scan3A_91 = %broadcast_in_dim3A_67) -> (vector<16xi32>)  : i32 {
        %mul3A_92 = arith.constant 16 : i32
        %mul3A_93 = arith.muli %scan3A_90, %mul3A_92 : i32
        %get3A_94 = arith.index_cast %mul3A_93 : i32 to index
        %get3A_95 = tpu.vector_load %arg9[%get3A_94] {strides = array<i32>} : memref<4096xf32, #tpu.memory_space<vmem>>, vector<16xf32>,
        %mul3A_96 = arith.constant 16 : i32
        %mul3A_97 = arith.muli %scan3A_90, %mul3A_96 : i32
        %get3A_98 = arith.index_cast %mul3A_97 : i32 to index
        %get3A_99 = tpu.vector_load %arg10[%get3A_98] {strides = array<i32>} : memref<4096xf32, #tpu.memory_space<vmem>>, vector<16xf32>,
        %mul3A_100 = arith.constant 16 : i32
        %mul3A_101 = arith.muli %scan3A_90, %mul3A_100 : i32
        %get3A_102 = arith.index_cast %mul3A_101 : i32 to index
        %get3A_103 = tpu.vector_load %arg11[%get3A_102] {strides = array<i32>} : memref<4096xf32, #tpu.memory_space<vmem>>, vector<16xf32>,
        %broadcast_in_dim3A_104 = arith.constant 0 : i32
        %broadcast_in_dim3A_105 = vector.broadcast %broadcast_in_dim3A_104 : i32 to vector<16xi32>
        %broadcast_in_dim3A_106 = vector.shape_cast %broadcast_in_dim3A_105 : vector<16xi32> to vector<16x1xi32>
        %gather3A = vector.shape_cast %broadcast_in_dim3A_106 : vector<16x1xi32> to vector<16xi32>
        %gather3A_107 = tpu.dynamic_gather %get3A_95[%gather3A] in [0] : vector<16xf32>, vector<16xi32> -> vector<16xf32>
        %broadcast_in_dim3A_108 = arith.constant 0 : i32
        %broadcast_in_dim3A_109 = vector.broadcast %broadcast_in_dim3A_108 : i32 to vector<16xi32>
        %broadcast_in_dim3A_110 = vector.shape_cast %broadcast_in_dim3A_109 : vector<16xi32> to vector<16x1xi32>
        %gather3A_111 = vector.shape_cast %broadcast_in_dim3A_110 : vector<16x1xi32> to vector<16xi32>
        %gather3A_112 = tpu.dynamic_gather %get3A_99[%gather3A_111] in [0] : vector<16xf32>, vector<16xi32> -> vector<16xf32>
        %broadcast_in_dim3A_113 = arith.constant 0 : i32
        %broadcast_in_dim3A_114 = vector.broadcast %broadcast_in_dim3A_113 : i32 to vector<16xi32>
        %broadcast_in_dim3A_115 = vector.shape_cast %broadcast_in_dim3A_114 : vector<16xi32> to vector<16x1xi32>
        %gather3A_116 = vector.shape_cast %broadcast_in_dim3A_115 : vector<16x1xi32> to vector<16xi32>
        %gather3A_117 = tpu.dynamic_gather %get3A_103[%gather3A_116] in [0] : vector<16xf32>, vector<16xi32> -> vector<16xf32>
        %sub3A_118 = arith.subf %get3A_58, %gather3A_107 : vector<16xf32>
        %sub3A_119 = arith.subf %get3A_62, %gather3A_112 : vector<16xf32>
        %sub3A_120 = arith.subf %get3A_66, %gather3A_117 : vector<16xf32>
        %mul3A_121 = arith.mulf %sub3A_118, %sub3A_118 : vector<16xf32>
        %mul3A_122 = arith.mulf %sub3A_119, %sub3A_119 : vector<16xf32>
        %add3A_123 = arith.addf %mul3A_121, %mul3A_122 : vector<16xf32>
        %mul3A_124 = arith.mulf %sub3A_120, %sub3A_120 : vector<16xf32>
        %add3A_125 = arith.addf %add3A_123, %mul3A_124 : vector<16xf32>
        %le3A = arith.constant 4.000000e-02 : f32
        %le3A_126 = vector.broadcast %le3A : f32 to vector<16xf32>
        %le3A_127 = arith.cmpf ole, %add3A_125, %le3A_126 : vector<16xf32>
        %add3A_128 = arith.addi %mul3A_40, %scan3A_91 : vector<16xi32>
        %mul3A_129 = arith.constant 16 : i32
        %mul3A_130 = arith.muli %scan3A_90, %mul3A_129 : i32
        %add3A_131 = arith.constant 0 : i32
        %add3A_132 = arith.addi %mul3A_130, %add3A_131 : i32
        %broadcast_in_dim3A_133 = vector.broadcast %add3A_132 : i32 to vector<16xi32>
        tpu.vector_store_idx %arg15[%add3A_128], %add3A_125 masked %le3A_127 : memref<16400xf32, #tpu.memory_space<vmem>>[vector<16xi32>], vector<16xf32>, vector<16xi1>
        tpu.vector_store_idx %arg16[%add3A_128], %broadcast_in_dim3A_133 masked %le3A_127 : memref<16400xi32, #tpu.memory_space<vmem>>[vector<16xi32>], vector<16xi32>, vector<16xi1>
        %convert_element_type3A = arith.extui %le3A_127 : vector<16xi1> to vector<16xi32>
        %add3A_134 = arith.addi %scan3A_91, %convert_element_type3A : vector<16xi32>
        %broadcast_in_dim3A_135 = arith.constant 1 : i32
        %broadcast_in_dim3A_136 = vector.broadcast %broadcast_in_dim3A_135 : i32 to vector<16xi32>
        %broadcast_in_dim3A_137 = vector.shape_cast %broadcast_in_dim3A_136 : vector<16xi32> to vector<16x1xi32>
        %gather3A_138 = vector.shape_cast %broadcast_in_dim3A_137 : vector<16x1xi32> to vector<16xi32>
        %gather3A_139 = tpu.dynamic_gather %get3A_95[%gather3A_138] in [0] : vector<16xf32>, vector<16xi32> -> vector<16xf32>
        %broadcast_in_dim3A_140 = arith.constant 1 : i32
        %broadcast_in_dim3A_141 = vector.broadcast %broadcast_in_dim3A_140 : i32 to vector<16xi32>
        %broadcast_in_dim3A_142 = vector.shape_cast %broadcast_in_dim3A_141 : vector<16xi32> to vector<16x1xi32>
        %gather3A_143 = vector.shape_cast %broadcast_in_dim3A_142 : vector<16x1xi32> to vector<16xi32>
        %gather3A_144 = tpu.dynamic_gather %get3A_99[%gather3A_143] in [0] : vector<16xf32>, vector<16xi32> -> vector<16xf32>
        %broadcast_in_dim3A_145 = arith.constant 1 : i32
        %broadcast_in_dim3A_146 = vector.broadcast %broadcast_in_dim3A_145 : i32 to vector<16xi32>
        %broadcast_in_dim3A_147 = vector.shape_cast %broadcast_in_dim3A_146 : vector<16xi32> to vector<16x1xi32>
        %gather3A_148 = vector.shape_cast %broadcast_in_dim3A_147 : vector<16x1xi32> to vector<16xi32>
        %gather3A_149 = tpu.dynamic_gather %get3A_103[%gather3A_148] in [0] : vector<16xf32>, vector<16xi32> -> vector<16xf32>
        %sub3A_150 = arith.subf %get3A_58, %gather3A_139 : vector<16xf32>
        %sub3A_151 = arith.subf %get3A_62, %gather3A_144 : vector<16xf32>
        %sub3A_152 = arith.subf %get3A_66, %gather3A_149 : vector<16xf32>
        %mul3A_153 = arith.mulf %sub3A_150, %sub3A_150 : vector<16xf32>
        %mul3A_154 = arith.mulf %sub3A_151, %sub3A_151 : vector<16xf32>
        %add3A_155 = arith.addf %mul3A_153, %mul3A_154 : vector<16xf32>
        %mul3A_156 = arith.mulf %sub3A_152, %sub3A_152 : vector<16xf32>
        %add3A_157 = arith.addf %add3A_155, %mul3A_156 : vector<16xf32>
        %le3A_158 = arith.constant 4.000000e-02 : f32
        %le3A_159 = vector.broadcast %le3A_158 : f32 to vector<16xf32>
        %le3A_160 = arith.cmpf ole, %add3A_157, %le3A_159 : vector<16xf32>
        %add3A_161 = arith.addi %mul3A_40, %add3A_134 : vector<16xi32>
        %mul3A_162 = arith.constant 16 : i32
        %mul3A_163 = arith.muli %scan3A_90, %mul3A_162 : i32
        %add3A_164 = arith.constant 1 : i32
        %add3A_165 = arith.addi %mul3A_163, %add3A_164 : i32
        %broadcast_in_dim3A_166 = vector.broadcast %add3A_165 : i32 to vector<16xi32>
        tpu.vector_store_idx %arg15[%add3A_161], %add3A_157 masked %le3A_160 : memref<16400xf32, #tpu.memory_space<vmem>>[vector<16xi32>], vector<16xf32>, vector<16xi1>
        tpu.vector_store_idx %arg16[%add3A_161], %broadcast_in_dim3A_166 masked %le3A_160 : memref<16400xi32, #tpu.memory_space<vmem>>[vector<16xi32>], vector<16xi32>, vector<16xi1>
        %convert_element_type3A_167 = arith.extui %le3A_160 : vector<16xi1> to vector<16xi32>
        %add3A_168 = arith.addi %add3A_134, %convert_element_type3A_167 : vector<16xi32>
        %broadcast_in_dim3A_169 = arith.constant 2 : i32
        %broadcast_in_dim3A_170 = vector.broadcast %broadcast_in_dim3A_169 : i32 to vector<16xi32>
        %broadcast_in_dim3A_171 = vector.shape_cast %broadcast_in_dim3A_170 : vector<16xi32> to vector<16x1xi32>
        %gather3A_172 = vector.shape_cast %broadcast_in_dim3A_171 : vector<16x1xi32> to vector<16xi32>
        %gather3A_173 = tpu.dynamic_gather %get3A_95[%gather3A_172] in [0] : vector<16xf32>, vector<16xi32> -> vector<16xf32>
        %broadcast_in_dim3A_174 = arith.constant 2 : i32
        %broadcast_in_dim3A_175 = vector.broadcast %broadcast_in_dim3A_174 : i32 to vector<16xi32>
        %broadcast_in_dim3A_176 = vector.shape_cast %broadcast_in_dim3A_175 : vector<16xi32> to vector<16x1xi32>
        %gather3A_177 = vector.shape_cast %broadcast_in_dim3A_176 : vector<16x1xi32> to vector<16xi32>
        %gather3A_178 = tpu.dynamic_gather %get3A_99[%gather3A_177] in [0] : vector<16xf32>, vector<16xi32> -> vector<16xf32>
        %broadcast_in_dim3A_179 = arith.constant 2 : i32
        %broadcast_in_dim3A_180 = vector.broadcast %broadcast_in_dim3A_179 : i32 to vector<16xi32>
        %broadcast_in_dim3A_181 = vector.shape_cast %broadcast_in_dim3A_180 : vector<16xi32> to vector<16x1xi32>
        %gather3A_182 = vector.shape_cast %broadcast_in_dim3A_181 : vector<16x1xi32> to vector<16xi32>
        %gather3A_183 = tpu.dynamic_gather %get3A_103[%gather3A_182] in [0] : vector<16xf32>, vector<16xi32> -> vector<16xf32>
        %sub3A_184 = arith.subf %get3A_58, %gather3A_173 : vector<16xf32>
        %sub3A_185 = arith.subf %get3A_62, %gather3A_178 : vector<16xf32>
        %sub3A_186 = arith.subf %get3A_66, %gather3A_183 : vector<16xf32>
        %mul3A_187 = arith.mulf %sub3A_184, %sub3A_184 : vector<16xf32>
        %mul3A_188 = arith.mulf %sub3A_185, %sub3A_185 : vector<16xf32>
        %add3A_189 = arith.addf %mul3A_187, %mul3A_188 : vector<16xf32>
        %mul3A_190 = arith.mulf %sub3A_186, %sub3A_186 : vector<16xf32>
        %add3A_191 = arith.addf %add3A_189, %mul3A_190 : vector<16xf32>
        %le3A_192 = arith.constant 4.000000e-02 : f32
        %le3A_193 = vector.broadcast %le3A_192 : f32 to vector<16xf32>
        %le3A_194 = arith.cmpf ole, %add3A_191, %le3A_193 : vector<16xf32>
        %add3A_195 = arith.addi %mul3A_40, %add3A_168 : vector<16xi32>
        %mul3A_196 = arith.constant 16 : i32
        %mul3A_197 = arith.muli %scan3A_90, %mul3A_196 : i32
        %add3A_198 = arith.constant 2 : i32
        %add3A_199 = arith.addi %mul3A_197, %add3A_198 : i32
        %broadcast_in_dim3A_200 = vector.broadcast %add3A_199 : i32 to vector<16xi32>
        tpu.vector_store_idx %arg15[%add3A_195], %add3A_191 masked %le3A_194 : memref<16400xf32, #tpu.memory_space<vmem>>[vector<16xi32>], vector<16xf32>, vector<16xi1>
        tpu.vector_store_idx %arg16[%add3A_195], %broadcast_in_dim3A_200 masked %le3A_194 : memref<16400xi32, #tpu.memory_space<vmem>>[vector<16xi32>], vector<16xi32>, vector<16xi1>
        %convert_element_type3A_201 = arith.extui %le3A_194 : vector<16xi1> to vector<16xi32>
        %add3A_202 = arith.addi %add3A_168, %convert_element_type3A_201 : vector<16xi32>
        %broadcast_in_dim3A_203 = arith.constant 3 : i32
        %broadcast_in_dim3A_204 = vector.broadcast %broadcast_in_dim3A_203 : i32 to vector<16xi32>
        %broadcast_in_dim3A_205 = vector.shape_cast %broadcast_in_dim3A_204 : vector<16xi32> to vector<16x1xi32>
        %gather3A_206 = vector.shape_cast %broadcast_in_dim3A_205 : vector<16x1xi32> to vector<16xi32>
        %gather3A_207 = tpu.dynamic_gather %get3A_95[%gather3A_206] in [0] : vector<16xf32>, vector<16xi32> -> vector<16xf32>
        %broadcast_in_dim3A_208 = arith.constant 3 : i32
        %broadcast_in_dim3A_209 = vector.broadcast %broadcast_in_dim3A_208 : i32 to vector<16xi32>
        %broadcast_in_dim3A_210 = vector.shape_cast %broadcast_in_dim3A_209 : vector<16xi32> to vector<16x1xi32>
        %gather3A_211 = vector.shape_cast %broadcast_in_dim3A_210 : vector<16x1xi32> to vector<16xi32>
        %gather3A_212 = tpu.dynamic_gather %get3A_99[%gather3A_211] in [0] : vector<16xf32>, vector<16xi32> -> vector<16xf32>
        %broadcast_in_dim3A_213 = arith.constant 3 : i32
        %broadcast_in_dim3A_214 = vector.broadcast %broadcast_in_dim3A_213 : i32 to vector<16xi32>
        %broadcast_in_dim3A_215 = vector.shape_cast %broadcast_in_dim3A_214 : vector<16xi32> to vector<16x1xi32>
        %gather3A_216 = vector.shape_cast %broadcast_in_dim3A_215 : vector<16x1xi32> to vector<16xi32>
        %gather3A_217 = tpu.dynamic_gather %get3A_103[%gather3A_216] in [0] : vector<16xf32>, vector<16xi32> -> vector<16xf32>
        %sub3A_218 = arith.subf %get3A_58, %gather3A_207 : vector<16xf32>
        %sub3A_219 = arith.subf %get3A_62, %gather3A_212 : vector<16xf32>
        %sub3A_220 = arith.subf %get3A_66, %gather3A_217 : vector<16xf32>
        %mul3A_221 = arith.mulf %sub3A_218, %sub3A_218 : vector<16xf32>
        %mul3A_222 = arith.mulf %sub3A_219, %sub3A_219 : vector<16xf32>
        %add3A_223 = arith.addf %mul3A_221, %mul3A_222 : vector<16xf32>
        %mul3A_224 = arith.mulf %sub3A_220, %sub3A_220 : vector<16xf32>
        %add3A_225 = arith.addf %add3A_223, %mul3A_224 : vector<16xf32>
        %le3A_226 = arith.constant 4.000000e-02 : f32
        %le3A_227 = vector.broadcast %le3A_226 : f32 to vector<16xf32>
        %le3A_228 = arith.cmpf ole, %add3A_225, %le3A_227 : vector<16xf32>
        %add3A_229 = arith.addi %mul3A_40, %add3A_202 : vector<16xi32>
        %mul3A_230 = arith.constant 16 : i32
        %mul3A_231 = arith.muli %scan3A_90, %mul3A_230 : i32
        %add3A_232 = arith.constant 3 : i32
        %add3A_233 = arith.addi %mul3A_231, %add3A_232 : i32
        %broadcast_in_dim3A_234 = vector.broadcast %add3A_233 : i32 to vector<16xi32>
        tpu.vector_store_idx %arg15[%add3A_229], %add3A_225 masked %le3A_228 : memref<16400xf32, #tpu.memory_space<vmem>>[vector<16xi32>], vector<16xf32>, vector<16xi1>
        tpu.vector_store_idx %arg16[%add3A_229], %broadcast_in_dim3A_234 masked %le3A_228 : memref<16400xi32, #tpu.memory_space<vmem>>[vector<16xi32>], vector<16xi32>, vector<16xi1>
        %convert_element_type3A_235 = arith.extui %le3A_228 : vector<16xi1> to vector<16xi32>
        %add3A_236 = arith.addi %add3A_202, %convert_element_type3A_235 : vector<16xi32>
        %broadcast_in_dim3A_237 = arith.constant 4 : i32
        %broadcast_in_dim3A_238 = vector.broadcast %broadcast_in_dim3A_237 : i32 to vector<16xi32>
        %broadcast_in_dim3A_239 = vector.shape_cast %broadcast_in_dim3A_238 : vector<16xi32> to vector<16x1xi32>
        %gather3A_240 = vector.shape_cast %broadcast_in_dim3A_239 : vector<16x1xi32> to vector<16xi32>
        %gather3A_241 = tpu.dynamic_gather %get3A_95[%gather3A_240] in [0] : vector<16xf32>, vector<16xi32> -> vector<16xf32>
        %broadcast_in_dim3A_242 = arith.constant 4 : i32
        %broadcast_in_dim3A_243 = vector.broadcast %broadcast_in_dim3A_242 : i32 to vector<16xi32>
        %broadcast_in_dim3A_244 = vector.shape_cast %broadcast_in_dim3A_243 : vector<16xi32> to vector<16x1xi32>
        %gather3A_245 = vector.shape_cast %broadcast_in_dim3A_244 : vector<16x1xi32> to vector<16xi32>
        %gather3A_246 = tpu.dynamic_gather %get3A_99[%gather3A_245] in [0] : vector<16xf32>, vector<16xi32> -> vector<16xf32>
        %broadcast_in_dim3A_247 = arith.constant 4 : i32
        %broadcast_in_dim3A_248 = vector.broadcast %broadcast_in_dim3A_247 : i32 to vector<16xi32>
        %broadcast_in_dim3A_249 = vector.shape_cast %broadcast_in_dim3A_248 : vector<16xi32> to vector<16x1xi32>
        %gather3A_250 = vector.shape_cast %broadcast_in_dim3A_249 : vector<16x1xi32> to vector<16xi32>
        %gather3A_251 = tpu.dynamic_gather %get3A_103[%gather3A_250] in [0] : vector<16xf32>, vector<16xi32> -> vector<16xf32>
        %sub3A_252 = arith.subf %get3A_58, %gather3A_241 : vector<16xf32>
        %sub3A_253 = arith.subf %get3A_62, %gather3A_246 : vector<16xf32>
        %sub3A_254 = arith.subf %get3A_66, %gather3A_251 : vector<16xf32>
        %mul3A_255 = arith.mulf %sub3A_252, %sub3A_252 : vector<16xf32>
        %mul3A_256 = arith.mulf %sub3A_253, %sub3A_253 : vector<16xf32>
        %add3A_257 = arith.addf %mul3A_255, %mul3A_256 : vector<16xf32>
        %mul3A_258 = arith.mulf %sub3A_254, %sub3A_254 : vector<16xf32>
        %add3A_259 = arith.addf %add3A_257, %mul3A_258 : vector<16xf32>
        %le3A_260 = arith.constant 4.000000e-02 : f32
        %le3A_261 = vector.broadcast %le3A_260 : f32 to vector<16xf32>
        %le3A_262 = arith.cmpf ole, %add3A_259, %le3A_261 : vector<16xf32>
        %add3A_263 = arith.addi %mul3A_40, %add3A_236 : vector<16xi32>
        %mul3A_264 = arith.constant 16 : i32
        %mul3A_265 = arith.muli %scan3A_90, %mul3A_264 : i32
        %add3A_266 = arith.constant 4 : i32
        %add3A_267 = arith.addi %mul3A_265, %add3A_266 : i32
        %broadcast_in_dim3A_268 = vector.broadcast %add3A_267 : i32 to vector<16xi32>
        tpu.vector_store_idx %arg15[%add3A_263], %add3A_259 masked %le3A_262 : memref<16400xf32, #tpu.memory_space<vmem>>[vector<16xi32>], vector<16xf32>, vector<16xi1>
        tpu.vector_store_idx %arg16[%add3A_263], %broadcast_in_dim3A_268 masked %le3A_262 : memref<16400xi32, #tpu.memory_space<vmem>>[vector<16xi32>], vector<16xi32>, vector<16xi1>
        %convert_element_type3A_269 = arith.extui %le3A_262 : vector<16xi1> to vector<16xi32>
        %add3A_270 = arith.addi %add3A_236, %convert_element_type3A_269 : vector<16xi32>
        %broadcast_in_dim3A_271 = arith.constant 5 : i32
        %broadcast_in_dim3A_272 = vector.broadcast %broadcast_in_dim3A_271 : i32 to vector<16xi32>
        %broadcast_in_dim3A_273 = vector.shape_cast %broadcast_in_dim3A_272 : vector<16xi32> to vector<16x1xi32>
        %gather3A_274 = vector.shape_cast %broadcast_in_dim3A_273 : vector<16x1xi32> to vector<16xi32>
        %gather3A_275 = tpu.dynamic_gather %get3A_95[%gather3A_274] in [0] : vector<16xf32>, vector<16xi32> -> vector<16xf32>
        %broadcast_in_dim3A_276 = arith.constant 5 : i32
        %broadcast_in_dim3A_277 = vector.broadcast %broadcast_in_dim3A_276 : i32 to vector<16xi32>
        %broadcast_in_dim3A_278 = vector.shape_cast %broadcast_in_dim3A_277 : vector<16xi32> to vector<16x1xi32>
        %gather3A_279 = vector.shape_cast %broadcast_in_dim3A_278 : vector<16x1xi32> to vector<16xi32>
        %gather3A_280 = tpu.dynamic_gather %get3A_99[%gather3A_279] in [0] : vector<16xf32>, vector<16xi32> -> vector<16xf32>
        %broadcast_in_dim3A_281 = arith.constant 5 : i32
        %broadcast_in_dim3A_282 = vector.broadcast %broadcast_in_dim3A_281 : i32 to vector<16xi32>
        %broadcast_in_dim3A_283 = vector.shape_cast %broadcast_in_dim3A_282 : vector<16xi32> to vector<16x1xi32>
        %gather3A_284 = vector.shape_cast %broadcast_in_dim3A_283 : vector<16x1xi32> to vector<16xi32>
        %gather3A_285 = tpu.dynamic_gather %get3A_103[%gather3A_284] in [0] : vector<16xf32>, vector<16xi32> -> vector<16xf32>
        %sub3A_286 = arith.subf %get3A_58, %gather3A_275 : vector<16xf32>
        %sub3A_287 = arith.subf %get3A_62, %gather3A_280 : vector<16xf32>
        %sub3A_288 = arith.subf %get3A_66, %gather3A_285 : vector<16xf32>
        %mul3A_289 = arith.mulf %sub3A_286, %sub3A_286 : vector<16xf32>
        %mul3A_290 = arith.mulf %sub3A_287, %sub3A_287 : vector<16xf32>
        %add3A_291 = arith.addf %mul3A_289, %mul3A_290 : vector<16xf32>
        %mul3A_292 = arith.mulf %sub3A_288, %sub3A_288 : vector<16xf32>
        %add3A_293 = arith.addf %add3A_291, %mul3A_292 : vector<16xf32>
        %le3A_294 = arith.constant 4.000000e-02 : f32
        %le3A_295 = vector.broadcast %le3A_294 : f32 to vector<16xf32>
        %le3A_296 = arith.cmpf ole, %add3A_293, %le3A_295 : vector<16xf32>
        %add3A_297 = arith.addi %mul3A_40, %add3A_270 : vector<16xi32>
        %mul3A_298 = arith.constant 16 : i32
        %mul3A_299 = arith.muli %scan3A_90, %mul3A_298 : i32
        %add3A_300 = arith.constant 5 : i32
        %add3A_301 = arith.addi %mul3A_299, %add3A_300 : i32
        %broadcast_in_dim3A_302 = vector.broadcast %add3A_301 : i32 to vector<16xi32>
        tpu.vector_store_idx %arg15[%add3A_297], %add3A_293 masked %le3A_296 : memref<16400xf32, #tpu.memory_space<vmem>>[vector<16xi32>], vector<16xf32>, vector<16xi1>
        tpu.vector_store_idx %arg16[%add3A_297], %broadcast_in_dim3A_302 masked %le3A_296 : memref<16400xi32, #tpu.memory_space<vmem>>[vector<16xi32>], vector<16xi32>, vector<16xi1>
        %convert_element_type3A_303 = arith.extui %le3A_296 : vector<16xi1> to vector<16xi32>
        %add3A_304 = arith.addi %add3A_270, %convert_element_type3A_303 : vector<16xi32>
        %broadcast_in_dim3A_305 = arith.constant 6 : i32
        %broadcast_in_dim3A_306 = vector.broadcast %broadcast_in_dim3A_305 : i32 to vector<16xi32>
        %broadcast_in_dim3A_307 = vector.shape_cast %broadcast_in_dim3A_306 : vector<16xi32> to vector<16x1xi32>
        %gather3A_308 = vector.shape_cast %broadcast_in_dim3A_307 : vector<16x1xi32> to vector<16xi32>
        %gather3A_309 = tpu.dynamic_gather %get3A_95[%gather3A_308] in [0] : vector<16xf32>, vector<16xi32> -> vector<16xf32>
        %broadcast_in_dim3A_310 = arith.constant 6 : i32
        %broadcast_in_dim3A_311 = vector.broadcast %broadcast_in_dim3A_310 : i32 to vector<16xi32>
        %broadcast_in_dim3A_312 = vector.shape_cast %broadcast_in_dim3A_311 : vector<16xi32> to vector<16x1xi32>
        %gather3A_313 = vector.shape_cast %broadcast_in_dim3A_312 : vector<16x1xi32> to vector<16xi32>
        %gather3A_314 = tpu.dynamic_gather %get3A_99[%gather3A_313] in [0] : vector<16xf32>, vector<16xi32> -> vector<16xf32>
        %broadcast_in_dim3A_315 = arith.constant 6 : i32
        %broadcast_in_dim3A_316 = vector.broadcast %broadcast_in_dim3A_315 : i32 to vector<16xi32>
        %broadcast_in_dim3A_317 = vector.shape_cast %broadcast_in_dim3A_316 : vector<16xi32> to vector<16x1xi32>
        %gather3A_318 = vector.shape_cast %broadcast_in_dim3A_317 : vector<16x1xi32> to vector<16xi32>
        %gather3A_319 = tpu.dynamic_gather %get3A_103[%gather3A_318] in [0] : vector<16xf32>, vector<16xi32> -> vector<16xf32>
        %sub3A_320 = arith.subf %get3A_58, %gather3A_309 : vector<16xf32>
        %sub3A_321 = arith.subf %get3A_62, %gather3A_314 : vector<16xf32>
        %sub3A_322 = arith.subf %get3A_66, %gather3A_319 : vector<16xf32>
        %mul3A_323 = arith.mulf %sub3A_320, %sub3A_320 : vector<16xf32>
        %mul3A_324 = arith.mulf %sub3A_321, %sub3A_321 : vector<16xf32>
        %add3A_325 = arith.addf %mul3A_323, %mul3A_324 : vector<16xf32>
        %mul3A_326 = arith.mulf %sub3A_322, %sub3A_322 : vector<16xf32>
        %add3A_327 = arith.addf %add3A_325, %mul3A_326 : vector<16xf32>
        %le3A_328 = arith.constant 4.000000e-02 : f32
        %le3A_329 = vector.broadcast %le3A_328 : f32 to vector<16xf32>
        %le3A_330 = arith.cmpf ole, %add3A_327, %le3A_329 : vector<16xf32>
        %add3A_331 = arith.addi %mul3A_40, %add3A_304 : vector<16xi32>
        %mul3A_332 = arith.constant 16 : i32
        %mul3A_333 = arith.muli %scan3A_90, %mul3A_332 : i32
        %add3A_334 = arith.constant 6 : i32
        %add3A_335 = arith.addi %mul3A_333, %add3A_334 : i32
        %broadcast_in_dim3A_336 = vector.broadcast %add3A_335 : i32 to vector<16xi32>
        tpu.vector_store_idx %arg15[%add3A_331], %add3A_327 masked %le3A_330 : memref<16400xf32, #tpu.memory_space<vmem>>[vector<16xi32>], vector<16xf32>, vector<16xi1>
        tpu.vector_store_idx %arg16[%add3A_331], %broadcast_in_dim3A_336 masked %le3A_330 : memref<16400xi32, #tpu.memory_space<vmem>>[vector<16xi32>], vector<16xi32>, vector<16xi1>
        %convert_element_type3A_337 = arith.extui %le3A_330 : vector<16xi1> to vector<16xi32>
        %add3A_338 = arith.addi %add3A_304, %convert_element_type3A_337 : vector<16xi32>
        %broadcast_in_dim3A_339 = arith.constant 7 : i32
        %broadcast_in_dim3A_340 = vector.broadcast %broadcast_in_dim3A_339 : i32 to vector<16xi32>
        %broadcast_in_dim3A_341 = vector.shape_cast %broadcast_in_dim3A_340 : vector<16xi32> to vector<16x1xi32>
        %gather3A_342 = vector.shape_cast %broadcast_in_dim3A_341 : vector<16x1xi32> to vector<16xi32>
        %gather3A_343 = tpu.dynamic_gather %get3A_95[%gather3A_342] in [0] : vector<16xf32>, vector<16xi32> -> vector<16xf32>
        %broadcast_in_dim3A_344 = arith.constant 7 : i32
        %broadcast_in_dim3A_345 = vector.broadcast %broadcast_in_dim3A_344 : i32 to vector<16xi32>
        %broadcast_in_dim3A_346 = vector.shape_cast %broadcast_in_dim3A_345 : vector<16xi32> to vector<16x1xi32>
        %gather3A_347 = vector.shape_cast %broadcast_in_dim3A_346 : vector<16x1xi32> to vector<16xi32>
        %gather3A_348 = tpu.dynamic_gather %get3A_99[%gather3A_347] in [0] : vector<16xf32>, vector<16xi32> -> vector<16xf32>
        %broadcast_in_dim3A_349 = arith.constant 7 : i32
        %broadcast_in_dim3A_350 = vector.broadcast %broadcast_in_dim3A_349 : i32 to vector<16xi32>
        %broadcast_in_dim3A_351 = vector.shape_cast %broadcast_in_dim3A_350 : vector<16xi32> to vector<16x1xi32>
        %gather3A_352 = vector.shape_cast %broadcast_in_dim3A_351 : vector<16x1xi32> to vector<16xi32>
        %gather3A_353 = tpu.dynamic_gather %get3A_103[%gather3A_352] in [0] : vector<16xf32>, vector<16xi32> -> vector<16xf32>
        %sub3A_354 = arith.subf %get3A_58, %gather3A_343 : vector<16xf32>
        %sub3A_355 = arith.subf %get3A_62, %gather3A_348 : vector<16xf32>
        %sub3A_356 = arith.subf %get3A_66, %gather3A_353 : vector<16xf32>
        %mul3A_357 = arith.mulf %sub3A_354, %sub3A_354 : vector<16xf32>
        %mul3A_358 = arith.mulf %sub3A_355, %sub3A_355 : vector<16xf32>
        %add3A_359 = arith.addf %mul3A_357, %mul3A_358 : vector<16xf32>
        %mul3A_360 = arith.mulf %sub3A_356, %sub3A_356 : vector<16xf32>
        %add3A_361 = arith.addf %add3A_359, %mul3A_360 : vector<16xf32>
        %le3A_362 = arith.constant 4.000000e-02 : f32
        %le3A_363 = vector.broadcast %le3A_362 : f32 to vector<16xf32>
        %le3A_364 = arith.cmpf ole, %add3A_361, %le3A_363 : vector<16xf32>
        %add3A_365 = arith.addi %mul3A_40, %add3A_338 : vector<16xi32>
        %mul3A_366 = arith.constant 16 : i32
        %mul3A_367 = arith.muli %scan3A_90, %mul3A_366 : i32
        %add3A_368 = arith.constant 7 : i32
        %add3A_369 = arith.addi %mul3A_367, %add3A_368 : i32
        %broadcast_in_dim3A_370 = vector.broadcast %add3A_369 : i32 to vector<16xi32>
        tpu.vector_store_idx %arg15[%add3A_365], %add3A_361 masked %le3A_364 : memref<16400xf32, #tpu.memory_space<vmem>>[vector<16xi32>], vector<16xf32>, vector<16xi1>
        tpu.vector_store_idx %arg16[%add3A_365], %broadcast_in_dim3A_370 masked %le3A_364 : memref<16400xi32, #tpu.memory_space<vmem>>[vector<16xi32>], vector<16xi32>, vector<16xi1>
        %convert_element_type3A_371 = arith.extui %le3A_364 : vector<16xi1> to vector<16xi32>
        %add3A_372 = arith.addi %add3A_338, %convert_element_type3A_371 : vector<16xi32>
        %broadcast_in_dim3A_373 = arith.constant 8 : i32
        %broadcast_in_dim3A_374 = vector.broadcast %broadcast_in_dim3A_373 : i32 to vector<16xi32>
        %broadcast_in_dim3A_375 = vector.shape_cast %broadcast_in_dim3A_374 : vector<16xi32> to vector<16x1xi32>
        %gather3A_376 = vector.shape_cast %broadcast_in_dim3A_375 : vector<16x1xi32> to vector<16xi32>
        %gather3A_377 = tpu.dynamic_gather %get3A_95[%gather3A_376] in [0] : vector<16xf32>, vector<16xi32> -> vector<16xf32>
        %broadcast_in_dim3A_378 = arith.constant 8 : i32
        %broadcast_in_dim3A_379 = vector.broadcast %broadcast_in_dim3A_378 : i32 to vector<16xi32>
        %broadcast_in_dim3A_380 = vector.shape_cast %broadcast_in_dim3A_379 : vector<16xi32> to vector<16x1xi32>
        %gather3A_381 = vector.shape_cast %broadcast_in_dim3A_380 : vector<16x1xi32> to vector<16xi32>
        %gather3A_382 = tpu.dynamic_gather %get3A_99[%gather3A_381] in [0] : vector<16xf32>, vector<16xi32> -> vector<16xf32>
        %broadcast_in_dim3A_383 = arith.constant 8 : i32
        %broadcast_in_dim3A_384 = vector.broadcast %broadcast_in_dim3A_383 : i32 to vector<16xi32>
        %broadcast_in_dim3A_385 = vector.shape_cast %broadcast_in_dim3A_384 : vector<16xi32> to vector<16x1xi32>
        %gather3A_386 = vector.shape_cast %broadcast_in_dim3A_385 : vector<16x1xi32> to vector<16xi32>
        %gather3A_387 = tpu.dynamic_gather %get3A_103[%gather3A_386] in [0] : vector<16xf32>, vector<16xi32> -> vector<16xf32>
        %sub3A_388 = arith.subf %get3A_58, %gather3A_377 : vector<16xf32>
        %sub3A_389 = arith.subf %get3A_62, %gather3A_382 : vector<16xf32>
        %sub3A_390 = arith.subf %get3A_66, %gather3A_387 : vector<16xf32>
        %mul3A_391 = arith.mulf %sub3A_388, %sub3A_388 : vector<16xf32>
        %mul3A_392 = arith.mulf %sub3A_389, %sub3A_389 : vector<16xf32>
        %add3A_393 = arith.addf %mul3A_391, %mul3A_392 : vector<16xf32>
        %mul3A_394 = arith.mulf %sub3A_390, %sub3A_390 : vector<16xf32>
        %add3A_395 = arith.addf %add3A_393, %mul3A_394 : vector<16xf32>
        %le3A_396 = arith.constant 4.000000e-02 : f32
        %le3A_397 = vector.broadcast %le3A_396 : f32 to vector<16xf32>
        %le3A_398 = arith.cmpf ole, %add3A_395, %le3A_397 : vector<16xf32>
        %add3A_399 = arith.addi %mul3A_40, %add3A_372 : vector<16xi32>
        %mul3A_400 = arith.constant 16 : i32
        %mul3A_401 = arith.muli %scan3A_90, %mul3A_400 : i32
        %add3A_402 = arith.constant 8 : i32
        %add3A_403 = arith.addi %mul3A_401, %add3A_402 : i32
        %broadcast_in_dim3A_404 = vector.broadcast %add3A_403 : i32 to vector<16xi32>
        tpu.vector_store_idx %arg15[%add3A_399], %add3A_395 masked %le3A_398 : memref<16400xf32, #tpu.memory_space<vmem>>[vector<16xi32>], vector<16xf32>, vector<16xi1>
        tpu.vector_store_idx %arg16[%add3A_399], %broadcast_in_dim3A_404 masked %le3A_398 : memref<16400xi32, #tpu.memory_space<vmem>>[vector<16xi32>], vector<16xi32>, vector<16xi1>
        %convert_element_type3A_405 = arith.extui %le3A_398 : vector<16xi1> to vector<16xi32>
        %add3A_406 = arith.addi %add3A_372, %convert_element_type3A_405 : vector<16xi32>
        %broadcast_in_dim3A_407 = arith.constant 9 : i32
        %broadcast_in_dim3A_408 = vector.broadcast %broadcast_in_dim3A_407 : i32 to vector<16xi32>
        %broadcast_in_dim3A_409 = vector.shape_cast %broadcast_in_dim3A_408 : vector<16xi32> to vector<16x1xi32>
        %gather3A_410 = vector.shape_cast %broadcast_in_dim3A_409 : vector<16x1xi32> to vector<16xi32>
        %gather3A_411 = tpu.dynamic_gather %get3A_95[%gather3A_410] in [0] : vector<16xf32>, vector<16xi32> -> vector<16xf32>
        %broadcast_in_dim3A_412 = arith.constant 9 : i32
        %broadcast_in_dim3A_413 = vector.broadcast %broadcast_in_dim3A_412 : i32 to vector<16xi32>
        %broadcast_in_dim3A_414 = vector.shape_cast %broadcast_in_dim3A_413 : vector<16xi32> to vector<16x1xi32>
        %gather3A_415 = vector.shape_cast %broadcast_in_dim3A_414 : vector<16x1xi32> to vector<16xi32>
        %gather3A_416 = tpu.dynamic_gather %get3A_99[%gather3A_415] in [0] : vector<16xf32>, vector<16xi32> -> vector<16xf32>
        %broadcast_in_dim3A_417 = arith.constant 9 : i32
        %broadcast_in_dim3A_418 = vector.broadcast %broadcast_in_dim3A_417 : i32 to vector<16xi32>
        %broadcast_in_dim3A_419 = vector.shape_cast %broadcast_in_dim3A_418 : vector<16xi32> to vector<16x1xi32>
        %gather3A_420 = vector.shape_cast %broadcast_in_dim3A_419 : vector<16x1xi32> to vector<16xi32>
        %gather3A_421 = tpu.dynamic_gather %get3A_103[%gather3A_420] in [0] : vector<16xf32>, vector<16xi32> -> vector<16xf32>
        %sub3A_422 = arith.subf %get3A_58, %gather3A_411 : vector<16xf32>
        %sub3A_423 = arith.subf %get3A_62, %gather3A_416 : vector<16xf32>
        %sub3A_424 = arith.subf %get3A_66, %gather3A_421 : vector<16xf32>
        %mul3A_425 = arith.mulf %sub3A_422, %sub3A_422 : vector<16xf32>
        %mul3A_426 = arith.mulf %sub3A_423, %sub3A_423 : vector<16xf32>
        %add3A_427 = arith.addf %mul3A_425, %mul3A_426 : vector<16xf32>
        %mul3A_428 = arith.mulf %sub3A_424, %sub3A_424 : vector<16xf32>
        %add3A_429 = arith.addf %add3A_427, %mul3A_428 : vector<16xf32>
        %le3A_430 = arith.constant 4.000000e-02 : f32
        %le3A_431 = vector.broadcast %le3A_430 : f32 to vector<16xf32>
        %le3A_432 = arith.cmpf ole, %add3A_429, %le3A_431 : vector<16xf32>
        %add3A_433 = arith.addi %mul3A_40, %add3A_406 : vector<16xi32>
        %mul3A_434 = arith.constant 16 : i32
        %mul3A_435 = arith.muli %scan3A_90, %mul3A_434 : i32
        %add3A_436 = arith.constant 9 : i32
        %add3A_437 = arith.addi %mul3A_435, %add3A_436 : i32
        %broadcast_in_dim3A_438 = vector.broadcast %add3A_437 : i32 to vector<16xi32>
        tpu.vector_store_idx %arg15[%add3A_433], %add3A_429 masked %le3A_432 : memref<16400xf32, #tpu.memory_space<vmem>>[vector<16xi32>], vector<16xf32>, vector<16xi1>
        tpu.vector_store_idx %arg16[%add3A_433], %broadcast_in_dim3A_438 masked %le3A_432 : memref<16400xi32, #tpu.memory_space<vmem>>[vector<16xi32>], vector<16xi32>, vector<16xi1>
        %convert_element_type3A_439 = arith.extui %le3A_432 : vector<16xi1> to vector<16xi32>
        %add3A_440 = arith.addi %add3A_406, %convert_element_type3A_439 : vector<16xi32>
        %broadcast_in_dim3A_441 = arith.constant 10 : i32
        %broadcast_in_dim3A_442 = vector.broadcast %broadcast_in_dim3A_441 : i32 to vector<16xi32>
        %broadcast_in_dim3A_443 = vector.shape_cast %broadcast_in_dim3A_442 : vector<16xi32> to vector<16x1xi32>
        %gather3A_444 = vector.shape_cast %broadcast_in_dim3A_443 : vector<16x1xi32> to vector<16xi32>
        %gather3A_445 = tpu.dynamic_gather %get3A_95[%gather3A_444] in [0] : vector<16xf32>, vector<16xi32> -> vector<16xf32>
        %broadcast_in_dim3A_446 = arith.constant 10 : i32
        %broadcast_in_dim3A_447 = vector.broadcast %broadcast_in_dim3A_446 : i32 to vector<16xi32>
        %broadcast_in_dim3A_448 = vector.shape_cast %broadcast_in_dim3A_447 : vector<16xi32> to vector<16x1xi32>
        %gather3A_449 = vector.shape_cast %broadcast_in_dim3A_448 : vector<16x1xi32> to vector<16xi32>
        %gather3A_450 = tpu.dynamic_gather %get3A_99[%gather3A_449] in [0] : vector<16xf32>, vector<16xi32> -> vector<16xf32>
        %broadcast_in_dim3A_451 = arith.constant 10 : i32
        %broadcast_in_dim3A_452 = vector.broadcast %broadcast_in_dim3A_451 : i32 to vector<16xi32>
        %broadcast_in_dim3A_453 = vector.shape_cast %broadcast_in_dim3A_452 : vector<16xi32> to vector<16x1xi32>
        %gather3A_454 = vector.shape_cast %broadcast_in_dim3A_453 : vector<16x1xi32> to vector<16xi32>
        %gather3A_455 = tpu.dynamic_gather %get3A_103[%gather3A_454] in [0] : vector<16xf32>, vector<16xi32> -> vector<16xf32>
        %sub3A_456 = arith.subf %get3A_58, %gather3A_445 : vector<16xf32>
        %sub3A_457 = arith.subf %get3A_62, %gather3A_450 : vector<16xf32>
        %sub3A_458 = arith.subf %get3A_66, %gather3A_455 : vector<16xf32>
        %mul3A_459 = arith.mulf %sub3A_456, %sub3A_456 : vector<16xf32>
        %mul3A_460 = arith.mulf %sub3A_457, %sub3A_457 : vector<16xf32>
        %add3A_461 = arith.addf %mul3A_459, %mul3A_460 : vector<16xf32>
        %mul3A_462 = arith.mulf %sub3A_458, %sub3A_458 : vector<16xf32>
        %add3A_463 = arith.addf %add3A_461, %mul3A_462 : vector<16xf32>
        %le3A_464 = arith.constant 4.000000e-02 : f32
        %le3A_465 = vector.broadcast %le3A_464 : f32 to vector<16xf32>
        %le3A_466 = arith.cmpf ole, %add3A_463, %le3A_465 : vector<16xf32>
        %add3A_467 = arith.addi %mul3A_40, %add3A_440 : vector<16xi32>
        %mul3A_468 = arith.constant 16 : i32
        %mul3A_469 = arith.muli %scan3A_90, %mul3A_468 : i32
        %add3A_470 = arith.constant 10 : i32
        %add3A_471 = arith.addi %mul3A_469, %add3A_470 : i32
        %broadcast_in_dim3A_472 = vector.broadcast %add3A_471 : i32 to vector<16xi32>
        tpu.vector_store_idx %arg15[%add3A_467], %add3A_463 masked %le3A_466 : memref<16400xf32, #tpu.memory_space<vmem>>[vector<16xi32>], vector<16xf32>, vector<16xi1>
        tpu.vector_store_idx %arg16[%add3A_467], %broadcast_in_dim3A_472 masked %le3A_466 : memref<16400xi32, #tpu.memory_space<vmem>>[vector<16xi32>], vector<16xi32>, vector<16xi1>
        %convert_element_type3A_473 = arith.extui %le3A_466 : vector<16xi1> to vector<16xi32>
        %add3A_474 = arith.addi %add3A_440, %convert_element_type3A_473 : vector<16xi32>
        %broadcast_in_dim3A_475 = arith.constant 11 : i32
        %broadcast_in_dim3A_476 = vector.broadcast %broadcast_in_dim3A_475 : i32 to vector<16xi32>
        %broadcast_in_dim3A_477 = vector.shape_cast %broadcast_in_dim3A_476 : vector<16xi32> to vector<16x1xi32>
        %gather3A_478 = vector.shape_cast %broadcast_in_dim3A_477 : vector<16x1xi32> to vector<16xi32>
        %gather3A_479 = tpu.dynamic_gather %get3A_95[%gather3A_478] in [0] : vector<16xf32>, vector<16xi32> -> vector<16xf32>
        %broadcast_in_dim3A_480 = arith.constant 11 : i32
        %broadcast_in_dim3A_481 = vector.broadcast %broadcast_in_dim3A_480 : i32 to vector<16xi32>
        %broadcast_in_dim3A_482 = vector.shape_cast %broadcast_in_dim3A_481 : vector<16xi32> to vector<16x1xi32>
        %gather3A_483 = vector.shape_cast %broadcast_in_dim3A_482 : vector<16x1xi32> to vector<16xi32>
        %gather3A_484 = tpu.dynamic_gather %get3A_99[%gather3A_483] in [0] : vector<16xf32>, vector<16xi32> -> vector<16xf32>
        %broadcast_in_dim3A_485 = arith.constant 11 : i32
        %broadcast_in_dim3A_486 = vector.broadcast %broadcast_in_dim3A_485 : i32 to vector<16xi32>
        %broadcast_in_dim3A_487 = vector.shape_cast %broadcast_in_dim3A_486 : vector<16xi32> to vector<16x1xi32>
        %gather3A_488 = vector.shape_cast %broadcast_in_dim3A_487 : vector<16x1xi32> to vector<16xi32>
        %gather3A_489 = tpu.dynamic_gather %get3A_103[%gather3A_488] in [0] : vector<16xf32>, vector<16xi32> -> vector<16xf32>
        %sub3A_490 = arith.subf %get3A_58, %gather3A_479 : vector<16xf32>
        %sub3A_491 = arith.subf %get3A_62, %gather3A_484 : vector<16xf32>
        %sub3A_492 = arith.subf %get3A_66, %gather3A_489 : vector<16xf32>
        %mul3A_493 = arith.mulf %sub3A_490, %sub3A_490 : vector<16xf32>
        %mul3A_494 = arith.mulf %sub3A_491, %sub3A_491 : vector<16xf32>
        %add3A_495 = arith.addf %mul3A_493, %mul3A_494 : vector<16xf32>
        %mul3A_496 = arith.mulf %sub3A_492, %sub3A_492 : vector<16xf32>
        %add3A_497 = arith.addf %add3A_495, %mul3A_496 : vector<16xf32>
        %le3A_498 = arith.constant 4.000000e-02 : f32
        %le3A_499 = vector.broadcast %le3A_498 : f32 to vector<16xf32>
        %le3A_500 = arith.cmpf ole, %add3A_497, %le3A_499 : vector<16xf32>
        %add3A_501 = arith.addi %mul3A_40, %add3A_474 : vector<16xi32>
        %mul3A_502 = arith.constant 16 : i32
        %mul3A_503 = arith.muli %scan3A_90, %mul3A_502 : i32
        %add3A_504 = arith.constant 11 : i32
        %add3A_505 = arith.addi %mul3A_503, %add3A_504 : i32
        %broadcast_in_dim3A_506 = vector.broadcast %add3A_505 : i32 to vector<16xi32>
        tpu.vector_store_idx %arg15[%add3A_501], %add3A_497 masked %le3A_500 : memref<16400xf32, #tpu.memory_space<vmem>>[vector<16xi32>], vector<16xf32>, vector<16xi1>
        tpu.vector_store_idx %arg16[%add3A_501], %broadcast_in_dim3A_506 masked %le3A_500 : memref<16400xi32, #tpu.memory_space<vmem>>[vector<16xi32>], vector<16xi32>, vector<16xi1>
        %convert_element_type3A_507 = arith.extui %le3A_500 : vector<16xi1> to vector<16xi32>
        %add3A_508 = arith.addi %add3A_474, %convert_element_type3A_507 : vector<16xi32>
        %broadcast_in_dim3A_509 = arith.constant 12 : i32
        %broadcast_in_dim3A_510 = vector.broadcast %broadcast_in_dim3A_509 : i32 to vector<16xi32>
        %broadcast_in_dim3A_511 = vector.shape_cast %broadcast_in_dim3A_510 : vector<16xi32> to vector<16x1xi32>
        %gather3A_512 = vector.shape_cast %broadcast_in_dim3A_511 : vector<16x1xi32> to vector<16xi32>
        %gather3A_513 = tpu.dynamic_gather %get3A_95[%gather3A_512] in [0] : vector<16xf32>, vector<16xi32> -> vector<16xf32>
        %broadcast_in_dim3A_514 = arith.constant 12 : i32
        %broadcast_in_dim3A_515 = vector.broadcast %broadcast_in_dim3A_514 : i32 to vector<16xi32>
        %broadcast_in_dim3A_516 = vector.shape_cast %broadcast_in_dim3A_515 : vector<16xi32> to vector<16x1xi32>
        %gather3A_517 = vector.shape_cast %broadcast_in_dim3A_516 : vector<16x1xi32> to vector<16xi32>
        %gather3A_518 = tpu.dynamic_gather %get3A_99[%gather3A_517] in [0] : vector<16xf32>, vector<16xi32> -> vector<16xf32>
        %broadcast_in_dim3A_519 = arith.constant 12 : i32
        %broadcast_in_dim3A_520 = vector.broadcast %broadcast_in_dim3A_519 : i32 to vector<16xi32>
        %broadcast_in_dim3A_521 = vector.shape_cast %broadcast_in_dim3A_520 : vector<16xi32> to vector<16x1xi32>
        %gather3A_522 = vector.shape_cast %broadcast_in_dim3A_521 : vector<16x1xi32> to vector<16xi32>
        %gather3A_523 = tpu.dynamic_gather %get3A_103[%gather3A_522] in [0] : vector<16xf32>, vector<16xi32> -> vector<16xf32>
        %sub3A_524 = arith.subf %get3A_58, %gather3A_513 : vector<16xf32>
        %sub3A_525 = arith.subf %get3A_62, %gather3A_518 : vector<16xf32>
        %sub3A_526 = arith.subf %get3A_66, %gather3A_523 : vector<16xf32>
        %mul3A_527 = arith.mulf %sub3A_524, %sub3A_524 : vector<16xf32>
        %mul3A_528 = arith.mulf %sub3A_525, %sub3A_525 : vector<16xf32>
        %add3A_529 = arith.addf %mul3A_527, %mul3A_528 : vector<16xf32>
        %mul3A_530 = arith.mulf %sub3A_526, %sub3A_526 : vector<16xf32>
        %add3A_531 = arith.addf %add3A_529, %mul3A_530 : vector<16xf32>
        %le3A_532 = arith.constant 4.000000e-02 : f32
        %le3A_533 = vector.broadcast %le3A_532 : f32 to vector<16xf32>
        %le3A_534 = arith.cmpf ole, %add3A_531, %le3A_533 : vector<16xf32>
        %add3A_535 = arith.addi %mul3A_40, %add3A_508 : vector<16xi32>
        %mul3A_536 = arith.constant 16 : i32
        %mul3A_537 = arith.muli %scan3A_90, %mul3A_536 : i32
        %add3A_538 = arith.constant 12 : i32
        %add3A_539 = arith.addi %mul3A_537, %add3A_538 : i32
        %broadcast_in_dim3A_540 = vector.broadcast %add3A_539 : i32 to vector<16xi32>
        tpu.vector_store_idx %arg15[%add3A_535], %add3A_531 masked %le3A_534 : memref<16400xf32, #tpu.memory_space<vmem>>[vector<16xi32>], vector<16xf32>, vector<16xi1>
        tpu.vector_store_idx %arg16[%add3A_535], %broadcast_in_dim3A_540 masked %le3A_534 : memref<16400xi32, #tpu.memory_space<vmem>>[vector<16xi32>], vector<16xi32>, vector<16xi1>
        %convert_element_type3A_541 = arith.extui %le3A_534 : vector<16xi1> to vector<16xi32>
        %add3A_542 = arith.addi %add3A_508, %convert_element_type3A_541 : vector<16xi32>
        %broadcast_in_dim3A_543 = arith.constant 13 : i32
        %broadcast_in_dim3A_544 = vector.broadcast %broadcast_in_dim3A_543 : i32 to vector<16xi32>
        %broadcast_in_dim3A_545 = vector.shape_cast %broadcast_in_dim3A_544 : vector<16xi32> to vector<16x1xi32>
        %gather3A_546 = vector.shape_cast %broadcast_in_dim3A_545 : vector<16x1xi32> to vector<16xi32>
        %gather3A_547 = tpu.dynamic_gather %get3A_95[%gather3A_546] in [0] : vector<16xf32>, vector<16xi32> -> vector<16xf32>
        %broadcast_in_dim3A_548 = arith.constant 13 : i32
        %broadcast_in_dim3A_549 = vector.broadcast %broadcast_in_dim3A_548 : i32 to vector<16xi32>
        %broadcast_in_dim3A_550 = vector.shape_cast %broadcast_in_dim3A_549 : vector<16xi32> to vector<16x1xi32>
        %gather3A_551 = vector.shape_cast %broadcast_in_dim3A_550 : vector<16x1xi32> to vector<16xi32>
        %gather3A_552 = tpu.dynamic_gather %get3A_99[%gather3A_551] in [0] : vector<16xf32>, vector<16xi32> -> vector<16xf32>
        %broadcast_in_dim3A_553 = arith.constant 13 : i32
        %broadcast_in_dim3A_554 = vector.broadcast %broadcast_in_dim3A_553 : i32 to vector<16xi32>
        %broadcast_in_dim3A_555 = vector.shape_cast %broadcast_in_dim3A_554 : vector<16xi32> to vector<16x1xi32>
        %gather3A_556 = vector.shape_cast %broadcast_in_dim3A_555 : vector<16x1xi32> to vector<16xi32>
        %gather3A_557 = tpu.dynamic_gather %get3A_103[%gather3A_556] in [0] : vector<16xf32>, vector<16xi32> -> vector<16xf32>
        %sub3A_558 = arith.subf %get3A_58, %gather3A_547 : vector<16xf32>
        %sub3A_559 = arith.subf %get3A_62, %gather3A_552 : vector<16xf32>
        %sub3A_560 = arith.subf %get3A_66, %gather3A_557 : vector<16xf32>
        %mul3A_561 = arith.mulf %sub3A_558, %sub3A_558 : vector<16xf32>
        %mul3A_562 = arith.mulf %sub3A_559, %sub3A_559 : vector<16xf32>
        %add3A_563 = arith.addf %mul3A_561, %mul3A_562 : vector<16xf32>
        %mul3A_564 = arith.mulf %sub3A_560, %sub3A_560 : vector<16xf32>
        %add3A_565 = arith.addf %add3A_563, %mul3A_564 : vector<16xf32>
        %le3A_566 = arith.constant 4.000000e-02 : f32
        %le3A_567 = vector.broadcast %le3A_566 : f32 to vector<16xf32>
        %le3A_568 = arith.cmpf ole, %add3A_565, %le3A_567 : vector<16xf32>
        %add3A_569 = arith.addi %mul3A_40, %add3A_542 : vector<16xi32>
        %mul3A_570 = arith.constant 16 : i32
        %mul3A_571 = arith.muli %scan3A_90, %mul3A_570 : i32
        %add3A_572 = arith.constant 13 : i32
        %add3A_573 = arith.addi %mul3A_571, %add3A_572 : i32
        %broadcast_in_dim3A_574 = vector.broadcast %add3A_573 : i32 to vector<16xi32>
        tpu.vector_store_idx %arg15[%add3A_569], %add3A_565 masked %le3A_568 : memref<16400xf32, #tpu.memory_space<vmem>>[vector<16xi32>], vector<16xf32>, vector<16xi1>
        tpu.vector_store_idx %arg16[%add3A_569], %broadcast_in_dim3A_574 masked %le3A_568 : memref<16400xi32, #tpu.memory_space<vmem>>[vector<16xi32>], vector<16xi32>, vector<16xi1>
        %convert_element_type3A_575 = arith.extui %le3A_568 : vector<16xi1> to vector<16xi32>
        %add3A_576 = arith.addi %add3A_542, %convert_element_type3A_575 : vector<16xi32>
        %broadcast_in_dim3A_577 = arith.constant 14 : i32
        %broadcast_in_dim3A_578 = vector.broadcast %broadcast_in_dim3A_577 : i32 to vector<16xi32>
        %broadcast_in_dim3A_579 = vector.shape_cast %broadcast_in_dim3A_578 : vector<16xi32> to vector<16x1xi32>
        %gather3A_580 = vector.shape_cast %broadcast_in_dim3A_579 : vector<16x1xi32> to vector<16xi32>
        %gather3A_581 = tpu.dynamic_gather %get3A_95[%gather3A_580] in [0] : vector<16xf32>, vector<16xi32> -> vector<16xf32>
        %broadcast_in_dim3A_582 = arith.constant 14 : i32
        %broadcast_in_dim3A_583 = vector.broadcast %broadcast_in_dim3A_582 : i32 to vector<16xi32>
        %broadcast_in_dim3A_584 = vector.shape_cast %broadcast_in_dim3A_583 : vector<16xi32> to vector<16x1xi32>
        %gather3A_585 = vector.shape_cast %broadcast_in_dim3A_584 : vector<16x1xi32> to vector<16xi32>
        %gather3A_586 = tpu.dynamic_gather %get3A_99[%gather3A_585] in [0] : vector<16xf32>, vector<16xi32> -> vector<16xf32>
        %broadcast_in_dim3A_587 = arith.constant 14 : i32
        %broadcast_in_dim3A_588 = vector.broadcast %broadcast_in_dim3A_587 : i32 to vector<16xi32>
        %broadcast_in_dim3A_589 = vector.shape_cast %broadcast_in_dim3A_588 : vector<16xi32> to vector<16x1xi32>
        %gather3A_590 = vector.shape_cast %broadcast_in_dim3A_589 : vector<16x1xi32> to vector<16xi32>
        %gather3A_591 = tpu.dynamic_gather %get3A_103[%gather3A_590] in [0] : vector<16xf32>, vector<16xi32> -> vector<16xf32>
        %sub3A_592 = arith.subf %get3A_58, %gather3A_581 : vector<16xf32>
        %sub3A_593 = arith.subf %get3A_62, %gather3A_586 : vector<16xf32>
        %sub3A_594 = arith.subf %get3A_66, %gather3A_591 : vector<16xf32>
        %mul3A_595 = arith.mulf %sub3A_592, %sub3A_592 : vector<16xf32>
        %mul3A_596 = arith.mulf %sub3A_593, %sub3A_593 : vector<16xf32>
        %add3A_597 = arith.addf %mul3A_595, %mul3A_596 : vector<16xf32>
        %mul3A_598 = arith.mulf %sub3A_594, %sub3A_594 : vector<16xf32>
        %add3A_599 = arith.addf %add3A_597, %mul3A_598 : vector<16xf32>
        %le3A_600 = arith.constant 4.000000e-02 : f32
        %le3A_601 = vector.broadcast %le3A_600 : f32 to vector<16xf32>
        %le3A_602 = arith.cmpf ole, %add3A_599, %le3A_601 : vector<16xf32>
        %add3A_603 = arith.addi %mul3A_40, %add3A_576 : vector<16xi32>
        %mul3A_604 = arith.constant 16 : i32
        %mul3A_605 = arith.muli %scan3A_90, %mul3A_604 : i32
        %add3A_606 = arith.constant 14 : i32
        %add3A_607 = arith.addi %mul3A_605, %add3A_606 : i32
        %broadcast_in_dim3A_608 = vector.broadcast %add3A_607 : i32 to vector<16xi32>
        tpu.vector_store_idx %arg15[%add3A_603], %add3A_599 masked %le3A_602 : memref<16400xf32, #tpu.memory_space<vmem>>[vector<16xi32>], vector<16xf32>, vector<16xi1>
        tpu.vector_store_idx %arg16[%add3A_603], %broadcast_in_dim3A_608 masked %le3A_602 : memref<16400xi32, #tpu.memory_space<vmem>>[vector<16xi32>], vector<16xi32>, vector<16xi1>
        %convert_element_type3A_609 = arith.extui %le3A_602 : vector<16xi1> to vector<16xi32>
        %add3A_610 = arith.addi %add3A_576, %convert_element_type3A_609 : vector<16xi32>
        %broadcast_in_dim3A_611 = arith.constant 15 : i32
        %broadcast_in_dim3A_612 = vector.broadcast %broadcast_in_dim3A_611 : i32 to vector<16xi32>
        %broadcast_in_dim3A_613 = vector.shape_cast %broadcast_in_dim3A_612 : vector<16xi32> to vector<16x1xi32>
        %gather3A_614 = vector.shape_cast %broadcast_in_dim3A_613 : vector<16x1xi32> to vector<16xi32>
        %gather3A_615 = tpu.dynamic_gather %get3A_95[%gather3A_614] in [0] : vector<16xf32>, vector<16xi32> -> vector<16xf32>
        %broadcast_in_dim3A_616 = arith.constant 15 : i32
        %broadcast_in_dim3A_617 = vector.broadcast %broadcast_in_dim3A_616 : i32 to vector<16xi32>
        %broadcast_in_dim3A_618 = vector.shape_cast %broadcast_in_dim3A_617 : vector<16xi32> to vector<16x1xi32>
        %gather3A_619 = vector.shape_cast %broadcast_in_dim3A_618 : vector<16x1xi32> to vector<16xi32>
        %gather3A_620 = tpu.dynamic_gather %get3A_99[%gather3A_619] in [0] : vector<16xf32>, vector<16xi32> -> vector<16xf32>
        %broadcast_in_dim3A_621 = arith.constant 15 : i32
        %broadcast_in_dim3A_622 = vector.broadcast %broadcast_in_dim3A_621 : i32 to vector<16xi32>
        %broadcast_in_dim3A_623 = vector.shape_cast %broadcast_in_dim3A_622 : vector<16xi32> to vector<16x1xi32>
        %gather3A_624 = vector.shape_cast %broadcast_in_dim3A_623 : vector<16x1xi32> to vector<16xi32>
        %gather3A_625 = tpu.dynamic_gather %get3A_103[%gather3A_624] in [0] : vector<16xf32>, vector<16xi32> -> vector<16xf32>
        %sub3A_626 = arith.subf %get3A_58, %gather3A_615 : vector<16xf32>
        %sub3A_627 = arith.subf %get3A_62, %gather3A_620 : vector<16xf32>
        %sub3A_628 = arith.subf %get3A_66, %gather3A_625 : vector<16xf32>
        %mul3A_629 = arith.mulf %sub3A_626, %sub3A_626 : vector<16xf32>
        %mul3A_630 = arith.mulf %sub3A_627, %sub3A_627 : vector<16xf32>
        %add3A_631 = arith.addf %mul3A_629, %mul3A_630 : vector<16xf32>
        %mul3A_632 = arith.mulf %sub3A_628, %sub3A_628 : vector<16xf32>
        %add3A_633 = arith.addf %add3A_631, %mul3A_632 : vector<16xf32>
        %le3A_634 = arith.constant 4.000000e-02 : f32
        %le3A_635 = vector.broadcast %le3A_634 : f32 to vector<16xf32>
        %le3A_636 = arith.cmpf ole, %add3A_633, %le3A_635 : vector<16xf32>
        %add3A_637 = arith.addi %mul3A_40, %add3A_610 : vector<16xi32>
        %mul3A_638 = arith.constant 16 : i32
        %mul3A_639 = arith.muli %scan3A_90, %mul3A_638 : i32
        %add3A_640 = arith.constant 15 : i32
        %add3A_641 = arith.addi %mul3A_639, %add3A_640 : i32
        %broadcast_in_dim3A_642 = vector.broadcast %add3A_641 : i32 to vector<16xi32>
        tpu.vector_store_idx %arg15[%add3A_637], %add3A_633 masked %le3A_636 : memref<16400xf32, #tpu.memory_space<vmem>>[vector<16xi32>], vector<16xf32>, vector<16xi1>
        tpu.vector_store_idx %arg16[%add3A_637], %broadcast_in_dim3A_642 masked %le3A_636 : memref<16400xi32, #tpu.memory_space<vmem>>[vector<16xi32>], vector<16xi32>, vector<16xi1>
        %convert_element_type3A_643 = arith.extui %le3A_636 : vector<16xi1> to vector<16xi32>
        %add3A_644 = arith.addi %add3A_610, %convert_element_type3A_643 : vector<16xi32>
        scf.yield %add3A_644 : vector<16xi32>
      }
      %scan3A_73 = arith.constant 256 : i32
      %broadcast_in_dim3A_74 = arith.constant 0 : i32
      %broadcast_in_dim3A_75 = vector.broadcast %broadcast_in_dim3A_74 : i32 to vector<16xi32>
      %scan3A_76 = arith.constant 0 : i32
      %scan3A_77 = arith.constant 4 : i32
      %scan3A_78 = arith.addi %scan3A_76, %scan3A_77 : i32
      %scan3A_79 = arith.constant 1 : i32
      %scan3A_80 = scf.for %scan3A_90 = %scan3A_76 to %scan3A_78 step %scan3A_79 iter_args(%scan3A_91 = %broadcast_in_dim3A_75) -> (vector<16xi32>)  : i32 {
        %mul3A_92 = arith.constant 16 : i32
        %mul3A_93 = arith.muli %scan3A_90, %mul3A_92 : i32
        %get3A_94 = arith.index_cast %mul3A_93 : i32 to index
        %get3A_95 = tpu.vector_load %arg9[%get3A_94] {strides = array<i32>} : memref<4096xf32, #tpu.memory_space<vmem>>, vector<16xf32>,
        %mul3A_96 = arith.constant 16 : i32
        %mul3A_97 = arith.muli %scan3A_90, %mul3A_96 : i32
        %get3A_98 = arith.index_cast %mul3A_97 : i32 to index
        %get3A_99 = tpu.vector_load %arg10[%get3A_98] {strides = array<i32>} : memref<4096xf32, #tpu.memory_space<vmem>>, vector<16xf32>,
        %mul3A_100 = arith.constant 16 : i32
        %mul3A_101 = arith.muli %scan3A_90, %mul3A_100 : i32
        %get3A_102 = arith.index_cast %mul3A_101 : i32 to index
        %get3A_103 = tpu.vector_load %arg11[%get3A_102] {strides = array<i32>} : memref<4096xf32, #tpu.memory_space<vmem>>, vector<16xf32>,
        %broadcast_in_dim3A_104 = arith.constant 0 : i32
        %broadcast_in_dim3A_105 = vector.broadcast %broadcast_in_dim3A_104 : i32 to vector<16xi32>
        %broadcast_in_dim3A_106 = vector.shape_cast %broadcast_in_dim3A_105 : vector<16xi32> to vector<16x1xi32>
        %gather3A = vector.shape_cast %broadcast_in_dim3A_106 : vector<16x1xi32> to vector<16xi32>
        %gather3A_107 = tpu.dynamic_gather %get3A_95[%gather3A] in [0] : vector<16xf32>, vector<16xi32> -> vector<16xf32>
        %broadcast_in_dim3A_108 = arith.constant 0 : i32
        %broadcast_in_dim3A_109 = vector.broadcast %broadcast_in_dim3A_108 : i32 to vector<16xi32>
        %broadcast_in_dim3A_110 = vector.shape_cast %broadcast_in_dim3A_109 : vector<16xi32> to vector<16x1xi32>
        %gather3A_111 = vector.shape_cast %broadcast_in_dim3A_110 : vector<16x1xi32> to vector<16xi32>
        %gather3A_112 = tpu.dynamic_gather %get3A_99[%gather3A_111] in [0] : vector<16xf32>, vector<16xi32> -> vector<16xf32>
        %broadcast_in_dim3A_113 = arith.constant 0 : i32
        %broadcast_in_dim3A_114 = vector.broadcast %broadcast_in_dim3A_113 : i32 to vector<16xi32>
        %broadcast_in_dim3A_115 = vector.shape_cast %broadcast_in_dim3A_114 : vector<16xi32> to vector<16x1xi32>
        %gather3A_116 = vector.shape_cast %broadcast_in_dim3A_115 : vector<16x1xi32> to vector<16xi32>
        %gather3A_117 = tpu.dynamic_gather %get3A_103[%gather3A_116] in [0] : vector<16xf32>, vector<16xi32> -> vector<16xf32>
        %sub3A_118 = arith.subf %get3A_58, %gather3A_107 : vector<16xf32>
        %sub3A_119 = arith.subf %get3A_62, %gather3A_112 : vector<16xf32>
        %sub3A_120 = arith.subf %get3A_66, %gather3A_117 : vector<16xf32>
        %mul3A_121 = arith.mulf %sub3A_118, %sub3A_118 : vector<16xf32>
        %mul3A_122 = arith.mulf %sub3A_119, %sub3A_119 : vector<16xf32>
        %add3A_123 = arith.addf %mul3A_121, %mul3A_122 : vector<16xf32>
        %mul3A_124 = arith.mulf %sub3A_120, %sub3A_120 : vector<16xf32>
        %add3A_125 = arith.addf %add3A_123, %mul3A_124 : vector<16xf32>
        %gt3A = arith.constant 4.000000e-02 : f32
        %gt3A_126 = vector.broadcast %gt3A : f32 to vector<16xf32>
        %gt3A_127 = arith.cmpf ogt, %add3A_125, %gt3A_126 : vector<16xf32>
        %add3A_128 = arith.addi %mul3A_43, %scan3A_91 : vector<16xi32>
        %mul3A_129 = arith.constant 16 : i32
        %mul3A_130 = arith.muli %scan3A_90, %mul3A_129 : i32
        %add3A_131 = arith.constant 0 : i32
        %add3A_132 = arith.addi %mul3A_130, %add3A_131 : i32
        %broadcast_in_dim3A_133 = vector.broadcast %add3A_132 : i32 to vector<16xi32>
        tpu.vector_store_idx %arg17[%add3A_128], %broadcast_in_dim3A_133 masked %gt3A_127 : memref<1536xi32, #tpu.memory_space<vmem>>[vector<16xi32>], vector<16xi32>, vector<16xi1>
        %convert_element_type3A = arith.extui %gt3A_127 : vector<16xi1> to vector<16xi32>
        %add3A_134 = arith.addi %scan3A_91, %convert_element_type3A : vector<16xi32>
        %broadcast_in_dim3A_135 = arith.constant 1 : i32
        %broadcast_in_dim3A_136 = vector.broadcast %broadcast_in_dim3A_135 : i32 to vector<16xi32>
        %broadcast_in_dim3A_137 = vector.shape_cast %broadcast_in_dim3A_136 : vector<16xi32> to vector<16x1xi32>
        %gather3A_138 = vector.shape_cast %broadcast_in_dim3A_137 : vector<16x1xi32> to vector<16xi32>
        %gather3A_139 = tpu.dynamic_gather %get3A_95[%gather3A_138] in [0] : vector<16xf32>, vector<16xi32> -> vector<16xf32>
        %broadcast_in_dim3A_140 = arith.constant 1 : i32
        %broadcast_in_dim3A_141 = vector.broadcast %broadcast_in_dim3A_140 : i32 to vector<16xi32>
        %broadcast_in_dim3A_142 = vector.shape_cast %broadcast_in_dim3A_141 : vector<16xi32> to vector<16x1xi32>
        %gather3A_143 = vector.shape_cast %broadcast_in_dim3A_142 : vector<16x1xi32> to vector<16xi32>
        %gather3A_144 = tpu.dynamic_gather %get3A_99[%gather3A_143] in [0] : vector<16xf32>, vector<16xi32> -> vector<16xf32>
        %broadcast_in_dim3A_145 = arith.constant 1 : i32
        %broadcast_in_dim3A_146 = vector.broadcast %broadcast_in_dim3A_145 : i32 to vector<16xi32>
        %broadcast_in_dim3A_147 = vector.shape_cast %broadcast_in_dim3A_146 : vector<16xi32> to vector<16x1xi32>
        %gather3A_148 = vector.shape_cast %broadcast_in_dim3A_147 : vector<16x1xi32> to vector<16xi32>
        %gather3A_149 = tpu.dynamic_gather %get3A_103[%gather3A_148] in [0] : vector<16xf32>, vector<16xi32> -> vector<16xf32>
        %sub3A_150 = arith.subf %get3A_58, %gather3A_139 : vector<16xf32>
        %sub3A_151 = arith.subf %get3A_62, %gather3A_144 : vector<16xf32>
        %sub3A_152 = arith.subf %get3A_66, %gather3A_149 : vector<16xf32>
        %mul3A_153 = arith.mulf %sub3A_150, %sub3A_150 : vector<16xf32>
        %mul3A_154 = arith.mulf %sub3A_151, %sub3A_151 : vector<16xf32>
        %add3A_155 = arith.addf %mul3A_153, %mul3A_154 : vector<16xf32>
        %mul3A_156 = arith.mulf %sub3A_152, %sub3A_152 : vector<16xf32>
        %add3A_157 = arith.addf %add3A_155, %mul3A_156 : vector<16xf32>
        %gt3A_158 = arith.constant 4.000000e-02 : f32
        %gt3A_159 = vector.broadcast %gt3A_158 : f32 to vector<16xf32>
        %gt3A_160 = arith.cmpf ogt, %add3A_157, %gt3A_159 : vector<16xf32>
        %add3A_161 = arith.addi %mul3A_43, %add3A_134 : vector<16xi32>
        %mul3A_162 = arith.constant 16 : i32
        %mul3A_163 = arith.muli %scan3A_90, %mul3A_162 : i32
        %add3A_164 = arith.constant 1 : i32
        %add3A_165 = arith.addi %mul3A_163, %add3A_164 : i32
        %broadcast_in_dim3A_166 = vector.broadcast %add3A_165 : i32 to vector<16xi32>
        tpu.vector_store_idx %arg17[%add3A_161], %broadcast_in_dim3A_166 masked %gt3A_160 : memref<1536xi32, #tpu.memory_space<vmem>>[vector<16xi32>], vector<16xi32>, vector<16xi1>
        %convert_element_type3A_167 = arith.extui %gt3A_160 : vector<16xi1> to vector<16xi32>
        %add3A_168 = arith.addi %add3A_134, %convert_element_type3A_167 : vector<16xi32>
        %broadcast_in_dim3A_169 = arith.constant 2 : i32
        %broadcast_in_dim3A_170 = vector.broadcast %broadcast_in_dim3A_169 : i32 to vector<16xi32>
        %broadcast_in_dim3A_171 = vector.shape_cast %broadcast_in_dim3A_170 : vector<16xi32> to vector<16x1xi32>
        %gather3A_172 = vector.shape_cast %broadcast_in_dim3A_171 : vector<16x1xi32> to vector<16xi32>
        %gather3A_173 = tpu.dynamic_gather %get3A_95[%gather3A_172] in [0] : vector<16xf32>, vector<16xi32> -> vector<16xf32>
        %broadcast_in_dim3A_174 = arith.constant 2 : i32
        %broadcast_in_dim3A_175 = vector.broadcast %broadcast_in_dim3A_174 : i32 to vector<16xi32>
        %broadcast_in_dim3A_176 = vector.shape_cast %broadcast_in_dim3A_175 : vector<16xi32> to vector<16x1xi32>
        %gather3A_177 = vector.shape_cast %broadcast_in_dim3A_176 : vector<16x1xi32> to vector<16xi32>
        %gather3A_178 = tpu.dynamic_gather %get3A_99[%gather3A_177] in [0] : vector<16xf32>, vector<16xi32> -> vector<16xf32>
        %broadcast_in_dim3A_179 = arith.constant 2 : i32
        %broadcast_in_dim3A_180 = vector.broadcast %broadcast_in_dim3A_179 : i32 to vector<16xi32>
        %broadcast_in_dim3A_181 = vector.shape_cast %broadcast_in_dim3A_180 : vector<16xi32> to vector<16x1xi32>
        %gather3A_182 = vector.shape_cast %broadcast_in_dim3A_181 : vector<16x1xi32> to vector<16xi32>
        %gather3A_183 = tpu.dynamic_gather %get3A_103[%gather3A_182] in [0] : vector<16xf32>, vector<16xi32> -> vector<16xf32>
        %sub3A_184 = arith.subf %get3A_58, %gather3A_173 : vector<16xf32>
        %sub3A_185 = arith.subf %get3A_62, %gather3A_178 : vector<16xf32>
        %sub3A_186 = arith.subf %get3A_66, %gather3A_183 : vector<16xf32>
        %mul3A_187 = arith.mulf %sub3A_184, %sub3A_184 : vector<16xf32>
        %mul3A_188 = arith.mulf %sub3A_185, %sub3A_185 : vector<16xf32>
        %add3A_189 = arith.addf %mul3A_187, %mul3A_188 : vector<16xf32>
        %mul3A_190 = arith.mulf %sub3A_186, %sub3A_186 : vector<16xf32>
        %add3A_191 = arith.addf %add3A_189, %mul3A_190 : vector<16xf32>
        %gt3A_192 = arith.constant 4.000000e-02 : f32
        %gt3A_193 = vector.broadcast %gt3A_192 : f32 to vector<16xf32>
        %gt3A_194 = arith.cmpf ogt, %add3A_191, %gt3A_193 : vector<16xf32>
        %add3A_195 = arith.addi %mul3A_43, %add3A_168 : vector<16xi32>
        %mul3A_196 = arith.constant 16 : i32
        %mul3A_197 = arith.muli %scan3A_90, %mul3A_196 : i32
        %add3A_198 = arith.constant 2 : i32
        %add3A_199 = arith.addi %mul3A_197, %add3A_198 : i32
        %broadcast_in_dim3A_200 = vector.broadcast %add3A_199 : i32 to vector<16xi32>
        tpu.vector_store_idx %arg17[%add3A_195], %broadcast_in_dim3A_200 masked %gt3A_194 : memref<1536xi32, #tpu.memory_space<vmem>>[vector<16xi32>], vector<16xi32>, vector<16xi1>
        %convert_element_type3A_201 = arith.extui %gt3A_194 : vector<16xi1> to vector<16xi32>
        %add3A_202 = arith.addi %add3A_168, %convert_element_type3A_201 : vector<16xi32>
        %broadcast_in_dim3A_203 = arith.constant 3 : i32
        %broadcast_in_dim3A_204 = vector.broadcast %broadcast_in_dim3A_203 : i32 to vector<16xi32>
        %broadcast_in_dim3A_205 = vector.shape_cast %broadcast_in_dim3A_204 : vector<16xi32> to vector<16x1xi32>
        %gather3A_206 = vector.shape_cast %broadcast_in_dim3A_205 : vector<16x1xi32> to vector<16xi32>
        %gather3A_207 = tpu.dynamic_gather %get3A_95[%gather3A_206] in [0] : vector<16xf32>, vector<16xi32> -> vector<16xf32>
        %broadcast_in_dim3A_208 = arith.constant 3 : i32
        %broadcast_in_dim3A_209 = vector.broadcast %broadcast_in_dim3A_208 : i32 to vector<16xi32>
        %broadcast_in_dim3A_210 = vector.shape_cast %broadcast_in_dim3A_209 : vector<16xi32> to vector<16x1xi32>
        %gather3A_211 = vector.shape_cast %broadcast_in_dim3A_210 : vector<16x1xi32> to vector<16xi32>
        %gather3A_212 = tpu.dynamic_gather %get3A_99[%gather3A_211] in [0] : vector<16xf32>, vector<16xi32> -> vector<16xf32>
        %broadcast_in_dim3A_213 = arith.constant 3 : i32
        %broadcast_in_dim3A_214 = vector.broadcast %broadcast_in_dim3A_213 : i32 to vector<16xi32>
        %broadcast_in_dim3A_215 = vector.shape_cast %broadcast_in_dim3A_214 : vector<16xi32> to vector<16x1xi32>
        %gather3A_216 = vector.shape_cast %broadcast_in_dim3A_215 : vector<16x1xi32> to vector<16xi32>
        %gather3A_217 = tpu.dynamic_gather %get3A_103[%gather3A_216] in [0] : vector<16xf32>, vector<16xi32> -> vector<16xf32>
        %sub3A_218 = arith.subf %get3A_58, %gather3A_207 : vector<16xf32>
        %sub3A_219 = arith.subf %get3A_62, %gather3A_212 : vector<16xf32>
        %sub3A_220 = arith.subf %get3A_66, %gather3A_217 : vector<16xf32>
        %mul3A_221 = arith.mulf %sub3A_218, %sub3A_218 : vector<16xf32>
        %mul3A_222 = arith.mulf %sub3A_219, %sub3A_219 : vector<16xf32>
        %add3A_223 = arith.addf %mul3A_221, %mul3A_222 : vector<16xf32>
        %mul3A_224 = arith.mulf %sub3A_220, %sub3A_220 : vector<16xf32>
        %add3A_225 = arith.addf %add3A_223, %mul3A_224 : vector<16xf32>
        %gt3A_226 = arith.constant 4.000000e-02 : f32
        %gt3A_227 = vector.broadcast %gt3A_226 : f32 to vector<16xf32>
        %gt3A_228 = arith.cmpf ogt, %add3A_225, %gt3A_227 : vector<16xf32>
        %add3A_229 = arith.addi %mul3A_43, %add3A_202 : vector<16xi32>
        %mul3A_230 = arith.constant 16 : i32
        %mul3A_231 = arith.muli %scan3A_90, %mul3A_230 : i32
        %add3A_232 = arith.constant 3 : i32
        %add3A_233 = arith.addi %mul3A_231, %add3A_232 : i32
        %broadcast_in_dim3A_234 = vector.broadcast %add3A_233 : i32 to vector<16xi32>
        tpu.vector_store_idx %arg17[%add3A_229], %broadcast_in_dim3A_234 masked %gt3A_228 : memref<1536xi32, #tpu.memory_space<vmem>>[vector<16xi32>], vector<16xi32>, vector<16xi1>
        %convert_element_type3A_235 = arith.extui %gt3A_228 : vector<16xi1> to vector<16xi32>
        %add3A_236 = arith.addi %add3A_202, %convert_element_type3A_235 : vector<16xi32>
        %broadcast_in_dim3A_237 = arith.constant 4 : i32
        %broadcast_in_dim3A_238 = vector.broadcast %broadcast_in_dim3A_237 : i32 to vector<16xi32>
        %broadcast_in_dim3A_239 = vector.shape_cast %broadcast_in_dim3A_238 : vector<16xi32> to vector<16x1xi32>
        %gather3A_240 = vector.shape_cast %broadcast_in_dim3A_239 : vector<16x1xi32> to vector<16xi32>
        %gather3A_241 = tpu.dynamic_gather %get3A_95[%gather3A_240] in [0] : vector<16xf32>, vector<16xi32> -> vector<16xf32>
        %broadcast_in_dim3A_242 = arith.constant 4 : i32
        %broadcast_in_dim3A_243 = vector.broadcast %broadcast_in_dim3A_242 : i32 to vector<16xi32>
        %broadcast_in_dim3A_244 = vector.shape_cast %broadcast_in_dim3A_243 : vector<16xi32> to vector<16x1xi32>
        %gather3A_245 = vector.shape_cast %broadcast_in_dim3A_244 : vector<16x1xi32> to vector<16xi32>
        %gather3A_246 = tpu.dynamic_gather %get3A_99[%gather3A_245] in [0] : vector<16xf32>, vector<16xi32> -> vector<16xf32>
        %broadcast_in_dim3A_247 = arith.constant 4 : i32
        %broadcast_in_dim3A_248 = vector.broadcast %broadcast_in_dim3A_247 : i32 to vector<16xi32>
        %broadcast_in_dim3A_249 = vector.shape_cast %broadcast_in_dim3A_248 : vector<16xi32> to vector<16x1xi32>
        %gather3A_250 = vector.shape_cast %broadcast_in_dim3A_249 : vector<16x1xi32> to vector<16xi32>
        %gather3A_251 = tpu.dynamic_gather %get3A_103[%gather3A_250] in [0] : vector<16xf32>, vector<16xi32> -> vector<16xf32>
        %sub3A_252 = arith.subf %get3A_58, %gather3A_241 : vector<16xf32>
        %sub3A_253 = arith.subf %get3A_62, %gather3A_246 : vector<16xf32>
        %sub3A_254 = arith.subf %get3A_66, %gather3A_251 : vector<16xf32>
        %mul3A_255 = arith.mulf %sub3A_252, %sub3A_252 : vector<16xf32>
        %mul3A_256 = arith.mulf %sub3A_253, %sub3A_253 : vector<16xf32>
        %add3A_257 = arith.addf %mul3A_255, %mul3A_256 : vector<16xf32>
        %mul3A_258 = arith.mulf %sub3A_254, %sub3A_254 : vector<16xf32>
        %add3A_259 = arith.addf %add3A_257, %mul3A_258 : vector<16xf32>
        %gt3A_260 = arith.constant 4.000000e-02 : f32
        %gt3A_261 = vector.broadcast %gt3A_260 : f32 to vector<16xf32>
        %gt3A_262 = arith.cmpf ogt, %add3A_259, %gt3A_261 : vector<16xf32>
        %add3A_263 = arith.addi %mul3A_43, %add3A_236 : vector<16xi32>
        %mul3A_264 = arith.constant 16 : i32
        %mul3A_265 = arith.muli %scan3A_90, %mul3A_264 : i32
        %add3A_266 = arith.constant 4 : i32
        %add3A_267 = arith.addi %mul3A_265, %add3A_266 : i32
        %broadcast_in_dim3A_268 = vector.broadcast %add3A_267 : i32 to vector<16xi32>
        tpu.vector_store_idx %arg17[%add3A_263], %broadcast_in_dim3A_268 masked %gt3A_262 : memref<1536xi32, #tpu.memory_space<vmem>>[vector<16xi32>], vector<16xi32>, vector<16xi1>
        %convert_element_type3A_269 = arith.extui %gt3A_262 : vector<16xi1> to vector<16xi32>
        %add3A_270 = arith.addi %add3A_236, %convert_element_type3A_269 : vector<16xi32>
        %broadcast_in_dim3A_271 = arith.constant 5 : i32
        %broadcast_in_dim3A_272 = vector.broadcast %broadcast_in_dim3A_271 : i32 to vector<16xi32>
        %broadcast_in_dim3A_273 = vector.shape_cast %broadcast_in_dim3A_272 : vector<16xi32> to vector<16x1xi32>
        %gather3A_274 = vector.shape_cast %broadcast_in_dim3A_273 : vector<16x1xi32> to vector<16xi32>
        %gather3A_275 = tpu.dynamic_gather %get3A_95[%gather3A_274] in [0] : vector<16xf32>, vector<16xi32> -> vector<16xf32>
        %broadcast_in_dim3A_276 = arith.constant 5 : i32
        %broadcast_in_dim3A_277 = vector.broadcast %broadcast_in_dim3A_276 : i32 to vector<16xi32>
        %broadcast_in_dim3A_278 = vector.shape_cast %broadcast_in_dim3A_277 : vector<16xi32> to vector<16x1xi32>
        %gather3A_279 = vector.shape_cast %broadcast_in_dim3A_278 : vector<16x1xi32> to vector<16xi32>
        %gather3A_280 = tpu.dynamic_gather %get3A_99[%gather3A_279] in [0] : vector<16xf32>, vector<16xi32> -> vector<16xf32>
        %broadcast_in_dim3A_281 = arith.constant 5 : i32
        %broadcast_in_dim3A_282 = vector.broadcast %broadcast_in_dim3A_281 : i32 to vector<16xi32>
        %broadcast_in_dim3A_283 = vector.shape_cast %broadcast_in_dim3A_282 : vector<16xi32> to vector<16x1xi32>
        %gather3A_284 = vector.shape_cast %broadcast_in_dim3A_283 : vector<16x1xi32> to vector<16xi32>
        %gather3A_285 = tpu.dynamic_gather %get3A_103[%gather3A_284] in [0] : vector<16xf32>, vector<16xi32> -> vector<16xf32>
        %sub3A_286 = arith.subf %get3A_58, %gather3A_275 : vector<16xf32>
        %sub3A_287 = arith.subf %get3A_62, %gather3A_280 : vector<16xf32>
        %sub3A_288 = arith.subf %get3A_66, %gather3A_285 : vector<16xf32>
        %mul3A_289 = arith.mulf %sub3A_286, %sub3A_286 : vector<16xf32>
        %mul3A_290 = arith.mulf %sub3A_287, %sub3A_287 : vector<16xf32>
        %add3A_291 = arith.addf %mul3A_289, %mul3A_290 : vector<16xf32>
        %mul3A_292 = arith.mulf %sub3A_288, %sub3A_288 : vector<16xf32>
        %add3A_293 = arith.addf %add3A_291, %mul3A_292 : vector<16xf32>
        %gt3A_294 = arith.constant 4.000000e-02 : f32
        %gt3A_295 = vector.broadcast %gt3A_294 : f32 to vector<16xf32>
        %gt3A_296 = arith.cmpf ogt, %add3A_293, %gt3A_295 : vector<16xf32>
        %add3A_297 = arith.addi %mul3A_43, %add3A_270 : vector<16xi32>
        %mul3A_298 = arith.constant 16 : i32
        %mul3A_299 = arith.muli %scan3A_90, %mul3A_298 : i32
        %add3A_300 = arith.constant 5 : i32
        %add3A_301 = arith.addi %mul3A_299, %add3A_300 : i32
        %broadcast_in_dim3A_302 = vector.broadcast %add3A_301 : i32 to vector<16xi32>
        tpu.vector_store_idx %arg17[%add3A_297], %broadcast_in_dim3A_302 masked %gt3A_296 : memref<1536xi32, #tpu.memory_space<vmem>>[vector<16xi32>], vector<16xi32>, vector<16xi1>
        %convert_element_type3A_303 = arith.extui %gt3A_296 : vector<16xi1> to vector<16xi32>
        %add3A_304 = arith.addi %add3A_270, %convert_element_type3A_303 : vector<16xi32>
        %broadcast_in_dim3A_305 = arith.constant 6 : i32
        %broadcast_in_dim3A_306 = vector.broadcast %broadcast_in_dim3A_305 : i32 to vector<16xi32>
        %broadcast_in_dim3A_307 = vector.shape_cast %broadcast_in_dim3A_306 : vector<16xi32> to vector<16x1xi32>
        %gather3A_308 = vector.shape_cast %broadcast_in_dim3A_307 : vector<16x1xi32> to vector<16xi32>
        %gather3A_309 = tpu.dynamic_gather %get3A_95[%gather3A_308] in [0] : vector<16xf32>, vector<16xi32> -> vector<16xf32>
        %broadcast_in_dim3A_310 = arith.constant 6 : i32
        %broadcast_in_dim3A_311 = vector.broadcast %broadcast_in_dim3A_310 : i32 to vector<16xi32>
        %broadcast_in_dim3A_312 = vector.shape_cast %broadcast_in_dim3A_311 : vector<16xi32> to vector<16x1xi32>
        %gather3A_313 = vector.shape_cast %broadcast_in_dim3A_312 : vector<16x1xi32> to vector<16xi32>
        %gather3A_314 = tpu.dynamic_gather %get3A_99[%gather3A_313] in [0] : vector<16xf32>, vector<16xi32> -> vector<16xf32>
        %broadcast_in_dim3A_315 = arith.constant 6 : i32
        %broadcast_in_dim3A_316 = vector.broadcast %broadcast_in_dim3A_315 : i32 to vector<16xi32>
        %broadcast_in_dim3A_317 = vector.shape_cast %broadcast_in_dim3A_316 : vector<16xi32> to vector<16x1xi32>
        %gather3A_318 = vector.shape_cast %broadcast_in_dim3A_317 : vector<16x1xi32> to vector<16xi32>
        %gather3A_319 = tpu.dynamic_gather %get3A_103[%gather3A_318] in [0] : vector<16xf32>, vector<16xi32> -> vector<16xf32>
        %sub3A_320 = arith.subf %get3A_58, %gather3A_309 : vector<16xf32>
        %sub3A_321 = arith.subf %get3A_62, %gather3A_314 : vector<16xf32>
        %sub3A_322 = arith.subf %get3A_66, %gather3A_319 : vector<16xf32>
        %mul3A_323 = arith.mulf %sub3A_320, %sub3A_320 : vector<16xf32>
        %mul3A_324 = arith.mulf %sub3A_321, %sub3A_321 : vector<16xf32>
        %add3A_325 = arith.addf %mul3A_323, %mul3A_324 : vector<16xf32>
        %mul3A_326 = arith.mulf %sub3A_322, %sub3A_322 : vector<16xf32>
        %add3A_327 = arith.addf %add3A_325, %mul3A_326 : vector<16xf32>
        %gt3A_328 = arith.constant 4.000000e-02 : f32
        %gt3A_329 = vector.broadcast %gt3A_328 : f32 to vector<16xf32>
        %gt3A_330 = arith.cmpf ogt, %add3A_327, %gt3A_329 : vector<16xf32>
        %add3A_331 = arith.addi %mul3A_43, %add3A_304 : vector<16xi32>
        %mul3A_332 = arith.constant 16 : i32
        %mul3A_333 = arith.muli %scan3A_90, %mul3A_332 : i32
        %add3A_334 = arith.constant 6 : i32
        %add3A_335 = arith.addi %mul3A_333, %add3A_334 : i32
        %broadcast_in_dim3A_336 = vector.broadcast %add3A_335 : i32 to vector<16xi32>
        tpu.vector_store_idx %arg17[%add3A_331], %broadcast_in_dim3A_336 masked %gt3A_330 : memref<1536xi32, #tpu.memory_space<vmem>>[vector<16xi32>], vector<16xi32>, vector<16xi1>
        %convert_element_type3A_337 = arith.extui %gt3A_330 : vector<16xi1> to vector<16xi32>
        %add3A_338 = arith.addi %add3A_304, %convert_element_type3A_337 : vector<16xi32>
        %broadcast_in_dim3A_339 = arith.constant 7 : i32
        %broadcast_in_dim3A_340 = vector.broadcast %broadcast_in_dim3A_339 : i32 to vector<16xi32>
        %broadcast_in_dim3A_341 = vector.shape_cast %broadcast_in_dim3A_340 : vector<16xi32> to vector<16x1xi32>
        %gather3A_342 = vector.shape_cast %broadcast_in_dim3A_341 : vector<16x1xi32> to vector<16xi32>
        %gather3A_343 = tpu.dynamic_gather %get3A_95[%gather3A_342] in [0] : vector<16xf32>, vector<16xi32> -> vector<16xf32>
        %broadcast_in_dim3A_344 = arith.constant 7 : i32
        %broadcast_in_dim3A_345 = vector.broadcast %broadcast_in_dim3A_344 : i32 to vector<16xi32>
        %broadcast_in_dim3A_346 = vector.shape_cast %broadcast_in_dim3A_345 : vector<16xi32> to vector<16x1xi32>
        %gather3A_347 = vector.shape_cast %broadcast_in_dim3A_346 : vector<16x1xi32> to vector<16xi32>
        %gather3A_348 = tpu.dynamic_gather %get3A_99[%gather3A_347] in [0] : vector<16xf32>, vector<16xi32> -> vector<16xf32>
        %broadcast_in_dim3A_349 = arith.constant 7 : i32
        %broadcast_in_dim3A_350 = vector.broadcast %broadcast_in_dim3A_349 : i32 to vector<16xi32>
        %broadcast_in_dim3A_351 = vector.shape_cast %broadcast_in_dim3A_350 : vector<16xi32> to vector<16x1xi32>
        %gather3A_352 = vector.shape_cast %broadcast_in_dim3A_351 : vector<16x1xi32> to vector<16xi32>
        %gather3A_353 = tpu.dynamic_gather %get3A_103[%gather3A_352] in [0] : vector<16xf32>, vector<16xi32> -> vector<16xf32>
        %sub3A_354 = arith.subf %get3A_58, %gather3A_343 : vector<16xf32>
        %sub3A_355 = arith.subf %get3A_62, %gather3A_348 : vector<16xf32>
        %sub3A_356 = arith.subf %get3A_66, %gather3A_353 : vector<16xf32>
        %mul3A_357 = arith.mulf %sub3A_354, %sub3A_354 : vector<16xf32>
        %mul3A_358 = arith.mulf %sub3A_355, %sub3A_355 : vector<16xf32>
        %add3A_359 = arith.addf %mul3A_357, %mul3A_358 : vector<16xf32>
        %mul3A_360 = arith.mulf %sub3A_356, %sub3A_356 : vector<16xf32>
        %add3A_361 = arith.addf %add3A_359, %mul3A_360 : vector<16xf32>
        %gt3A_362 = arith.constant 4.000000e-02 : f32
        %gt3A_363 = vector.broadcast %gt3A_362 : f32 to vector<16xf32>
        %gt3A_364 = arith.cmpf ogt, %add3A_361, %gt3A_363 : vector<16xf32>
        %add3A_365 = arith.addi %mul3A_43, %add3A_338 : vector<16xi32>
        %mul3A_366 = arith.constant 16 : i32
        %mul3A_367 = arith.muli %scan3A_90, %mul3A_366 : i32
        %add3A_368 = arith.constant 7 : i32
        %add3A_369 = arith.addi %mul3A_367, %add3A_368 : i32
        %broadcast_in_dim3A_370 = vector.broadcast %add3A_369 : i32 to vector<16xi32>
        tpu.vector_store_idx %arg17[%add3A_365], %broadcast_in_dim3A_370 masked %gt3A_364 : memref<1536xi32, #tpu.memory_space<vmem>>[vector<16xi32>], vector<16xi32>, vector<16xi1>
        %convert_element_type3A_371 = arith.extui %gt3A_364 : vector<16xi1> to vector<16xi32>
        %add3A_372 = arith.addi %add3A_338, %convert_element_type3A_371 : vector<16xi32>
        %broadcast_in_dim3A_373 = arith.constant 8 : i32
        %broadcast_in_dim3A_374 = vector.broadcast %broadcast_in_dim3A_373 : i32 to vector<16xi32>
        %broadcast_in_dim3A_375 = vector.shape_cast %broadcast_in_dim3A_374 : vector<16xi32> to vector<16x1xi32>
        %gather3A_376 = vector.shape_cast %broadcast_in_dim3A_375 : vector<16x1xi32> to vector<16xi32>
        %gather3A_377 = tpu.dynamic_gather %get3A_95[%gather3A_376] in [0] : vector<16xf32>, vector<16xi32> -> vector<16xf32>
        %broadcast_in_dim3A_378 = arith.constant 8 : i32
        %broadcast_in_dim3A_379 = vector.broadcast %broadcast_in_dim3A_378 : i32 to vector<16xi32>
        %broadcast_in_dim3A_380 = vector.shape_cast %broadcast_in_dim3A_379 : vector<16xi32> to vector<16x1xi32>
        %gather3A_381 = vector.shape_cast %broadcast_in_dim3A_380 : vector<16x1xi32> to vector<16xi32>
        %gather3A_382 = tpu.dynamic_gather %get3A_99[%gather3A_381] in [0] : vector<16xf32>, vector<16xi32> -> vector<16xf32>
        %broadcast_in_dim3A_383 = arith.constant 8 : i32
        %broadcast_in_dim3A_384 = vector.broadcast %broadcast_in_dim3A_383 : i32 to vector<16xi32>
        %broadcast_in_dim3A_385 = vector.shape_cast %broadcast_in_dim3A_384 : vector<16xi32> to vector<16x1xi32>
        %gather3A_386 = vector.shape_cast %broadcast_in_dim3A_385 : vector<16x1xi32> to vector<16xi32>
        %gather3A_387 = tpu.dynamic_gather %get3A_103[%gather3A_386] in [0] : vector<16xf32>, vector<16xi32> -> vector<16xf32>
        %sub3A_388 = arith.subf %get3A_58, %gather3A_377 : vector<16xf32>
        %sub3A_389 = arith.subf %get3A_62, %gather3A_382 : vector<16xf32>
        %sub3A_390 = arith.subf %get3A_66, %gather3A_387 : vector<16xf32>
        %mul3A_391 = arith.mulf %sub3A_388, %sub3A_388 : vector<16xf32>
        %mul3A_392 = arith.mulf %sub3A_389, %sub3A_389 : vector<16xf32>
        %add3A_393 = arith.addf %mul3A_391, %mul3A_392 : vector<16xf32>
        %mul3A_394 = arith.mulf %sub3A_390, %sub3A_390 : vector<16xf32>
        %add3A_395 = arith.addf %add3A_393, %mul3A_394 : vector<16xf32>
        %gt3A_396 = arith.constant 4.000000e-02 : f32
        %gt3A_397 = vector.broadcast %gt3A_396 : f32 to vector<16xf32>
        %gt3A_398 = arith.cmpf ogt, %add3A_395, %gt3A_397 : vector<16xf32>
        %add3A_399 = arith.addi %mul3A_43, %add3A_372 : vector<16xi32>
        %mul3A_400 = arith.constant 16 : i32
        %mul3A_401 = arith.muli %scan3A_90, %mul3A_400 : i32
        %add3A_402 = arith.constant 8 : i32
        %add3A_403 = arith.addi %mul3A_401, %add3A_402 : i32
        %broadcast_in_dim3A_404 = vector.broadcast %add3A_403 : i32 to vector<16xi32>
        tpu.vector_store_idx %arg17[%add3A_399], %broadcast_in_dim3A_404 masked %gt3A_398 : memref<1536xi32, #tpu.memory_space<vmem>>[vector<16xi32>], vector<16xi32>, vector<16xi1>
        %convert_element_type3A_405 = arith.extui %gt3A_398 : vector<16xi1> to vector<16xi32>
        %add3A_406 = arith.addi %add3A_372, %convert_element_type3A_405 : vector<16xi32>
        %broadcast_in_dim3A_407 = arith.constant 9 : i32
        %broadcast_in_dim3A_408 = vector.broadcast %broadcast_in_dim3A_407 : i32 to vector<16xi32>
        %broadcast_in_dim3A_409 = vector.shape_cast %broadcast_in_dim3A_408 : vector<16xi32> to vector<16x1xi32>
        %gather3A_410 = vector.shape_cast %broadcast_in_dim3A_409 : vector<16x1xi32> to vector<16xi32>
        %gather3A_411 = tpu.dynamic_gather %get3A_95[%gather3A_410] in [0] : vector<16xf32>, vector<16xi32> -> vector<16xf32>
        %broadcast_in_dim3A_412 = arith.constant 9 : i32
        %broadcast_in_dim3A_413 = vector.broadcast %broadcast_in_dim3A_412 : i32 to vector<16xi32>
        %broadcast_in_dim3A_414 = vector.shape_cast %broadcast_in_dim3A_413 : vector<16xi32> to vector<16x1xi32>
        %gather3A_415 = vector.shape_cast %broadcast_in_dim3A_414 : vector<16x1xi32> to vector<16xi32>
        %gather3A_416 = tpu.dynamic_gather %get3A_99[%gather3A_415] in [0] : vector<16xf32>, vector<16xi32> -> vector<16xf32>
        %broadcast_in_dim3A_417 = arith.constant 9 : i32
        %broadcast_in_dim3A_418 = vector.broadcast %broadcast_in_dim3A_417 : i32 to vector<16xi32>
        %broadcast_in_dim3A_419 = vector.shape_cast %broadcast_in_dim3A_418 : vector<16xi32> to vector<16x1xi32>
        %gather3A_420 = vector.shape_cast %broadcast_in_dim3A_419 : vector<16x1xi32> to vector<16xi32>
        %gather3A_421 = tpu.dynamic_gather %get3A_103[%gather3A_420] in [0] : vector<16xf32>, vector<16xi32> -> vector<16xf32>
        %sub3A_422 = arith.subf %get3A_58, %gather3A_411 : vector<16xf32>
        %sub3A_423 = arith.subf %get3A_62, %gather3A_416 : vector<16xf32>
        %sub3A_424 = arith.subf %get3A_66, %gather3A_421 : vector<16xf32>
        %mul3A_425 = arith.mulf %sub3A_422, %sub3A_422 : vector<16xf32>
        %mul3A_426 = arith.mulf %sub3A_423, %sub3A_423 : vector<16xf32>
        %add3A_427 = arith.addf %mul3A_425, %mul3A_426 : vector<16xf32>
        %mul3A_428 = arith.mulf %sub3A_424, %sub3A_424 : vector<16xf32>
        %add3A_429 = arith.addf %add3A_427, %mul3A_428 : vector<16xf32>
        %gt3A_430 = arith.constant 4.000000e-02 : f32
        %gt3A_431 = vector.broadcast %gt3A_430 : f32 to vector<16xf32>
        %gt3A_432 = arith.cmpf ogt, %add3A_429, %gt3A_431 : vector<16xf32>
        %add3A_433 = arith.addi %mul3A_43, %add3A_406 : vector<16xi32>
        %mul3A_434 = arith.constant 16 : i32
        %mul3A_435 = arith.muli %scan3A_90, %mul3A_434 : i32
        %add3A_436 = arith.constant 9 : i32
        %add3A_437 = arith.addi %mul3A_435, %add3A_436 : i32
        %broadcast_in_dim3A_438 = vector.broadcast %add3A_437 : i32 to vector<16xi32>
        tpu.vector_store_idx %arg17[%add3A_433], %broadcast_in_dim3A_438 masked %gt3A_432 : memref<1536xi32, #tpu.memory_space<vmem>>[vector<16xi32>], vector<16xi32>, vector<16xi1>
        %convert_element_type3A_439 = arith.extui %gt3A_432 : vector<16xi1> to vector<16xi32>
        %add3A_440 = arith.addi %add3A_406, %convert_element_type3A_439 : vector<16xi32>
        %broadcast_in_dim3A_441 = arith.constant 10 : i32
        %broadcast_in_dim3A_442 = vector.broadcast %broadcast_in_dim3A_441 : i32 to vector<16xi32>
        %broadcast_in_dim3A_443 = vector.shape_cast %broadcast_in_dim3A_442 : vector<16xi32> to vector<16x1xi32>
        %gather3A_444 = vector.shape_cast %broadcast_in_dim3A_443 : vector<16x1xi32> to vector<16xi32>
        %gather3A_445 = tpu.dynamic_gather %get3A_95[%gather3A_444] in [0] : vector<16xf32>, vector<16xi32> -> vector<16xf32>
        %broadcast_in_dim3A_446 = arith.constant 10 : i32
        %broadcast_in_dim3A_447 = vector.broadcast %broadcast_in_dim3A_446 : i32 to vector<16xi32>
        %broadcast_in_dim3A_448 = vector.shape_cast %broadcast_in_dim3A_447 : vector<16xi32> to vector<16x1xi32>
        %gather3A_449 = vector.shape_cast %broadcast_in_dim3A_448 : vector<16x1xi32> to vector<16xi32>
        %gather3A_450 = tpu.dynamic_gather %get3A_99[%gather3A_449] in [0] : vector<16xf32>, vector<16xi32> -> vector<16xf32>
        %broadcast_in_dim3A_451 = arith.constant 10 : i32
        %broadcast_in_dim3A_452 = vector.broadcast %broadcast_in_dim3A_451 : i32 to vector<16xi32>
        %broadcast_in_dim3A_453 = vector.shape_cast %broadcast_in_dim3A_452 : vector<16xi32> to vector<16x1xi32>
        %gather3A_454 = vector.shape_cast %broadcast_in_dim3A_453 : vector<16x1xi32> to vector<16xi32>
        %gather3A_455 = tpu.dynamic_gather %get3A_103[%gather3A_454] in [0] : vector<16xf32>, vector<16xi32> -> vector<16xf32>
        %sub3A_456 = arith.subf %get3A_58, %gather3A_445 : vector<16xf32>
        %sub3A_457 = arith.subf %get3A_62, %gather3A_450 : vector<16xf32>
        %sub3A_458 = arith.subf %get3A_66, %gather3A_455 : vector<16xf32>
        %mul3A_459 = arith.mulf %sub3A_456, %sub3A_456 : vector<16xf32>
        %mul3A_460 = arith.mulf %sub3A_457, %sub3A_457 : vector<16xf32>
        %add3A_461 = arith.addf %mul3A_459, %mul3A_460 : vector<16xf32>
        %mul3A_462 = arith.mulf %sub3A_458, %sub3A_458 : vector<16xf32>
        %add3A_463 = arith.addf %add3A_461, %mul3A_462 : vector<16xf32>
        %gt3A_464 = arith.constant 4.000000e-02 : f32
        %gt3A_465 = vector.broadcast %gt3A_464 : f32 to vector<16xf32>
        %gt3A_466 = arith.cmpf ogt, %add3A_463, %gt3A_465 : vector<16xf32>
        %add3A_467 = arith.addi %mul3A_43, %add3A_440 : vector<16xi32>
        %mul3A_468 = arith.constant 16 : i32
        %mul3A_469 = arith.muli %scan3A_90, %mul3A_468 : i32
        %add3A_470 = arith.constant 10 : i32
        %add3A_471 = arith.addi %mul3A_469, %add3A_470 : i32
        %broadcast_in_dim3A_472 = vector.broadcast %add3A_471 : i32 to vector<16xi32>
        tpu.vector_store_idx %arg17[%add3A_467], %broadcast_in_dim3A_472 masked %gt3A_466 : memref<1536xi32, #tpu.memory_space<vmem>>[vector<16xi32>], vector<16xi32>, vector<16xi1>
        %convert_element_type3A_473 = arith.extui %gt3A_466 : vector<16xi1> to vector<16xi32>
        %add3A_474 = arith.addi %add3A_440, %convert_element_type3A_473 : vector<16xi32>
        %broadcast_in_dim3A_475 = arith.constant 11 : i32
        %broadcast_in_dim3A_476 = vector.broadcast %broadcast_in_dim3A_475 : i32 to vector<16xi32>
        %broadcast_in_dim3A_477 = vector.shape_cast %broadcast_in_dim3A_476 : vector<16xi32> to vector<16x1xi32>
        %gather3A_478 = vector.shape_cast %broadcast_in_dim3A_477 : vector<16x1xi32> to vector<16xi32>
        %gather3A_479 = tpu.dynamic_gather %get3A_95[%gather3A_478] in [0] : vector<16xf32>, vector<16xi32> -> vector<16xf32>
        %broadcast_in_dim3A_480 = arith.constant 11 : i32
        %broadcast_in_dim3A_481 = vector.broadcast %broadcast_in_dim3A_480 : i32 to vector<16xi32>
        %broadcast_in_dim3A_482 = vector.shape_cast %broadcast_in_dim3A_481 : vector<16xi32> to vector<16x1xi32>
        %gather3A_483 = vector.shape_cast %broadcast_in_dim3A_482 : vector<16x1xi32> to vector<16xi32>
        %gather3A_484 = tpu.dynamic_gather %get3A_99[%gather3A_483] in [0] : vector<16xf32>, vector<16xi32> -> vector<16xf32>
        %broadcast_in_dim3A_485 = arith.constant 11 : i32
        %broadcast_in_dim3A_486 = vector.broadcast %broadcast_in_dim3A_485 : i32 to vector<16xi32>
        %broadcast_in_dim3A_487 = vector.shape_cast %broadcast_in_dim3A_486 : vector<16xi32> to vector<16x1xi32>
        %gather3A_488 = vector.shape_cast %broadcast_in_dim3A_487 : vector<16x1xi32> to vector<16xi32>
        %gather3A_489 = tpu.dynamic_gather %get3A_103[%gather3A_488] in [0] : vector<16xf32>, vector<16xi32> -> vector<16xf32>
        %sub3A_490 = arith.subf %get3A_58, %gather3A_479 : vector<16xf32>
        %sub3A_491 = arith.subf %get3A_62, %gather3A_484 : vector<16xf32>
        %sub3A_492 = arith.subf %get3A_66, %gather3A_489 : vector<16xf32>
        %mul3A_493 = arith.mulf %sub3A_490, %sub3A_490 : vector<16xf32>
        %mul3A_494 = arith.mulf %sub3A_491, %sub3A_491 : vector<16xf32>
        %add3A_495 = arith.addf %mul3A_493, %mul3A_494 : vector<16xf32>
        %mul3A_496 = arith.mulf %sub3A_492, %sub3A_492 : vector<16xf32>
        %add3A_497 = arith.addf %add3A_495, %mul3A_496 : vector<16xf32>
        %gt3A_498 = arith.constant 4.000000e-02 : f32
        %gt3A_499 = vector.broadcast %gt3A_498 : f32 to vector<16xf32>
        %gt3A_500 = arith.cmpf ogt, %add3A_497, %gt3A_499 : vector<16xf32>
        %add3A_501 = arith.addi %mul3A_43, %add3A_474 : vector<16xi32>
        %mul3A_502 = arith.constant 16 : i32
        %mul3A_503 = arith.muli %scan3A_90, %mul3A_502 : i32
        %add3A_504 = arith.constant 11 : i32
        %add3A_505 = arith.addi %mul3A_503, %add3A_504 : i32
        %broadcast_in_dim3A_506 = vector.broadcast %add3A_505 : i32 to vector<16xi32>
        tpu.vector_store_idx %arg17[%add3A_501], %broadcast_in_dim3A_506 masked %gt3A_500 : memref<1536xi32, #tpu.memory_space<vmem>>[vector<16xi32>], vector<16xi32>, vector<16xi1>
        %convert_element_type3A_507 = arith.extui %gt3A_500 : vector<16xi1> to vector<16xi32>
        %add3A_508 = arith.addi %add3A_474, %convert_element_type3A_507 : vector<16xi32>
        %broadcast_in_dim3A_509 = arith.constant 12 : i32
        %broadcast_in_dim3A_510 = vector.broadcast %broadcast_in_dim3A_509 : i32 to vector<16xi32>
        %broadcast_in_dim3A_511 = vector.shape_cast %broadcast_in_dim3A_510 : vector<16xi32> to vector<16x1xi32>
        %gather3A_512 = vector.shape_cast %broadcast_in_dim3A_511 : vector<16x1xi32> to vector<16xi32>
        %gather3A_513 = tpu.dynamic_gather %get3A_95[%gather3A_512] in [0] : vector<16xf32>, vector<16xi32> -> vector<16xf32>
        %broadcast_in_dim3A_514 = arith.constant 12 : i32
        %broadcast_in_dim3A_515 = vector.broadcast %broadcast_in_dim3A_514 : i32 to vector<16xi32>
        %broadcast_in_dim3A_516 = vector.shape_cast %broadcast_in_dim3A_515 : vector<16xi32> to vector<16x1xi32>
        %gather3A_517 = vector.shape_cast %broadcast_in_dim3A_516 : vector<16x1xi32> to vector<16xi32>
        %gather3A_518 = tpu.dynamic_gather %get3A_99[%gather3A_517] in [0] : vector<16xf32>, vector<16xi32> -> vector<16xf32>
        %broadcast_in_dim3A_519 = arith.constant 12 : i32
        %broadcast_in_dim3A_520 = vector.broadcast %broadcast_in_dim3A_519 : i32 to vector<16xi32>
        %broadcast_in_dim3A_521 = vector.shape_cast %broadcast_in_dim3A_520 : vector<16xi32> to vector<16x1xi32>
        %gather3A_522 = vector.shape_cast %broadcast_in_dim3A_521 : vector<16x1xi32> to vector<16xi32>
        %gather3A_523 = tpu.dynamic_gather %get3A_103[%gather3A_522] in [0] : vector<16xf32>, vector<16xi32> -> vector<16xf32>
        %sub3A_524 = arith.subf %get3A_58, %gather3A_513 : vector<16xf32>
        %sub3A_525 = arith.subf %get3A_62, %gather3A_518 : vector<16xf32>
        %sub3A_526 = arith.subf %get3A_66, %gather3A_523 : vector<16xf32>
        %mul3A_527 = arith.mulf %sub3A_524, %sub3A_524 : vector<16xf32>
        %mul3A_528 = arith.mulf %sub3A_525, %sub3A_525 : vector<16xf32>
        %add3A_529 = arith.addf %mul3A_527, %mul3A_528 : vector<16xf32>
        %mul3A_530 = arith.mulf %sub3A_526, %sub3A_526 : vector<16xf32>
        %add3A_531 = arith.addf %add3A_529, %mul3A_530 : vector<16xf32>
        %gt3A_532 = arith.constant 4.000000e-02 : f32
        %gt3A_533 = vector.broadcast %gt3A_532 : f32 to vector<16xf32>
        %gt3A_534 = arith.cmpf ogt, %add3A_531, %gt3A_533 : vector<16xf32>
        %add3A_535 = arith.addi %mul3A_43, %add3A_508 : vector<16xi32>
        %mul3A_536 = arith.constant 16 : i32
        %mul3A_537 = arith.muli %scan3A_90, %mul3A_536 : i32
        %add3A_538 = arith.constant 12 : i32
        %add3A_539 = arith.addi %mul3A_537, %add3A_538 : i32
        %broadcast_in_dim3A_540 = vector.broadcast %add3A_539 : i32 to vector<16xi32>
        tpu.vector_store_idx %arg17[%add3A_535], %broadcast_in_dim3A_540 masked %gt3A_534 : memref<1536xi32, #tpu.memory_space<vmem>>[vector<16xi32>], vector<16xi32>, vector<16xi1>
        %convert_element_type3A_541 = arith.extui %gt3A_534 : vector<16xi1> to vector<16xi32>
        %add3A_542 = arith.addi %add3A_508, %convert_element_type3A_541 : vector<16xi32>
        %broadcast_in_dim3A_543 = arith.constant 13 : i32
        %broadcast_in_dim3A_544 = vector.broadcast %broadcast_in_dim3A_543 : i32 to vector<16xi32>
        %broadcast_in_dim3A_545 = vector.shape_cast %broadcast_in_dim3A_544 : vector<16xi32> to vector<16x1xi32>
        %gather3A_546 = vector.shape_cast %broadcast_in_dim3A_545 : vector<16x1xi32> to vector<16xi32>
        %gather3A_547 = tpu.dynamic_gather %get3A_95[%gather3A_546] in [0] : vector<16xf32>, vector<16xi32> -> vector<16xf32>
        %broadcast_in_dim3A_548 = arith.constant 13 : i32
        %broadcast_in_dim3A_549 = vector.broadcast %broadcast_in_dim3A_548 : i32 to vector<16xi32>
        %broadcast_in_dim3A_550 = vector.shape_cast %broadcast_in_dim3A_549 : vector<16xi32> to vector<16x1xi32>
        %gather3A_551 = vector.shape_cast %broadcast_in_dim3A_550 : vector<16x1xi32> to vector<16xi32>
        %gather3A_552 = tpu.dynamic_gather %get3A_99[%gather3A_551] in [0] : vector<16xf32>, vector<16xi32> -> vector<16xf32>
        %broadcast_in_dim3A_553 = arith.constant 13 : i32
        %broadcast_in_dim3A_554 = vector.broadcast %broadcast_in_dim3A_553 : i32 to vector<16xi32>
        %broadcast_in_dim3A_555 = vector.shape_cast %broadcast_in_dim3A_554 : vector<16xi32> to vector<16x1xi32>
        %gather3A_556 = vector.shape_cast %broadcast_in_dim3A_555 : vector<16x1xi32> to vector<16xi32>
        %gather3A_557 = tpu.dynamic_gather %get3A_103[%gather3A_556] in [0] : vector<16xf32>, vector<16xi32> -> vector<16xf32>
        %sub3A_558 = arith.subf %get3A_58, %gather3A_547 : vector<16xf32>
        %sub3A_559 = arith.subf %get3A_62, %gather3A_552 : vector<16xf32>
        %sub3A_560 = arith.subf %get3A_66, %gather3A_557 : vector<16xf32>
        %mul3A_561 = arith.mulf %sub3A_558, %sub3A_558 : vector<16xf32>
        %mul3A_562 = arith.mulf %sub3A_559, %sub3A_559 : vector<16xf32>
        %add3A_563 = arith.addf %mul3A_561, %mul3A_562 : vector<16xf32>
        %mul3A_564 = arith.mulf %sub3A_560, %sub3A_560 : vector<16xf32>
        %add3A_565 = arith.addf %add3A_563, %mul3A_564 : vector<16xf32>
        %gt3A_566 = arith.constant 4.000000e-02 : f32
        %gt3A_567 = vector.broadcast %gt3A_566 : f32 to vector<16xf32>
        %gt3A_568 = arith.cmpf ogt, %add3A_565, %gt3A_567 : vector<16xf32>
        %add3A_569 = arith.addi %mul3A_43, %add3A_542 : vector<16xi32>
        %mul3A_570 = arith.constant 16 : i32
        %mul3A_571 = arith.muli %scan3A_90, %mul3A_570 : i32
        %add3A_572 = arith.constant 13 : i32
        %add3A_573 = arith.addi %mul3A_571, %add3A_572 : i32
        %broadcast_in_dim3A_574 = vector.broadcast %add3A_573 : i32 to vector<16xi32>
        tpu.vector_store_idx %arg17[%add3A_569], %broadcast_in_dim3A_574 masked %gt3A_568 : memref<1536xi32, #tpu.memory_space<vmem>>[vector<16xi32>], vector<16xi32>, vector<16xi1>
        %convert_element_type3A_575 = arith.extui %gt3A_568 : vector<16xi1> to vector<16xi32>
        %add3A_576 = arith.addi %add3A_542, %convert_element_type3A_575 : vector<16xi32>
        %broadcast_in_dim3A_577 = arith.constant 14 : i32
        %broadcast_in_dim3A_578 = vector.broadcast %broadcast_in_dim3A_577 : i32 to vector<16xi32>
        %broadcast_in_dim3A_579 = vector.shape_cast %broadcast_in_dim3A_578 : vector<16xi32> to vector<16x1xi32>
        %gather3A_580 = vector.shape_cast %broadcast_in_dim3A_579 : vector<16x1xi32> to vector<16xi32>
        %gather3A_581 = tpu.dynamic_gather %get3A_95[%gather3A_580] in [0] : vector<16xf32>, vector<16xi32> -> vector<16xf32>
        %broadcast_in_dim3A_582 = arith.constant 14 : i32
        %broadcast_in_dim3A_583 = vector.broadcast %broadcast_in_dim3A_582 : i32 to vector<16xi32>
        %broadcast_in_dim3A_584 = vector.shape_cast %broadcast_in_dim3A_583 : vector<16xi32> to vector<16x1xi32>
        %gather3A_585 = vector.shape_cast %broadcast_in_dim3A_584 : vector<16x1xi32> to vector<16xi32>
        %gather3A_586 = tpu.dynamic_gather %get3A_99[%gather3A_585] in [0] : vector<16xf32>, vector<16xi32> -> vector<16xf32>
        %broadcast_in_dim3A_587 = arith.constant 14 : i32
        %broadcast_in_dim3A_588 = vector.broadcast %broadcast_in_dim3A_587 : i32 to vector<16xi32>
        %broadcast_in_dim3A_589 = vector.shape_cast %broadcast_in_dim3A_588 : vector<16xi32> to vector<16x1xi32>
        %gather3A_590 = vector.shape_cast %broadcast_in_dim3A_589 : vector<16x1xi32> to vector<16xi32>
        %gather3A_591 = tpu.dynamic_gather %get3A_103[%gather3A_590] in [0] : vector<16xf32>, vector<16xi32> -> vector<16xf32>
        %sub3A_592 = arith.subf %get3A_58, %gather3A_581 : vector<16xf32>
        %sub3A_593 = arith.subf %get3A_62, %gather3A_586 : vector<16xf32>
        %sub3A_594 = arith.subf %get3A_66, %gather3A_591 : vector<16xf32>
        %mul3A_595 = arith.mulf %sub3A_592, %sub3A_592 : vector<16xf32>
        %mul3A_596 = arith.mulf %sub3A_593, %sub3A_593 : vector<16xf32>
        %add3A_597 = arith.addf %mul3A_595, %mul3A_596 : vector<16xf32>
        %mul3A_598 = arith.mulf %sub3A_594, %sub3A_594 : vector<16xf32>
        %add3A_599 = arith.addf %add3A_597, %mul3A_598 : vector<16xf32>
        %gt3A_600 = arith.constant 4.000000e-02 : f32
        %gt3A_601 = vector.broadcast %gt3A_600 : f32 to vector<16xf32>
        %gt3A_602 = arith.cmpf ogt, %add3A_599, %gt3A_601 : vector<16xf32>
        %add3A_603 = arith.addi %mul3A_43, %add3A_576 : vector<16xi32>
        %mul3A_604 = arith.constant 16 : i32
        %mul3A_605 = arith.muli %scan3A_90, %mul3A_604 : i32
        %add3A_606 = arith.constant 14 : i32
        %add3A_607 = arith.addi %mul3A_605, %add3A_606 : i32
        %broadcast_in_dim3A_608 = vector.broadcast %add3A_607 : i32 to vector<16xi32>
        tpu.vector_store_idx %arg17[%add3A_603], %broadcast_in_dim3A_608 masked %gt3A_602 : memref<1536xi32, #tpu.memory_space<vmem>>[vector<16xi32>], vector<16xi32>, vector<16xi1>
        %convert_element_type3A_609 = arith.extui %gt3A_602 : vector<16xi1> to vector<16xi32>
        %add3A_610 = arith.addi %add3A_576, %convert_element_type3A_609 : vector<16xi32>
        %broadcast_in_dim3A_611 = arith.constant 15 : i32
        %broadcast_in_dim3A_612 = vector.broadcast %broadcast_in_dim3A_611 : i32 to vector<16xi32>
        %broadcast_in_dim3A_613 = vector.shape_cast %broadcast_in_dim3A_612 : vector<16xi32> to vector<16x1xi32>
        %gather3A_614 = vector.shape_cast %broadcast_in_dim3A_613 : vector<16x1xi32> to vector<16xi32>
        %gather3A_615 = tpu.dynamic_gather %get3A_95[%gather3A_614] in [0] : vector<16xf32>, vector<16xi32> -> vector<16xf32>
        %broadcast_in_dim3A_616 = arith.constant 15 : i32
        %broadcast_in_dim3A_617 = vector.broadcast %broadcast_in_dim3A_616 : i32 to vector<16xi32>
        %broadcast_in_dim3A_618 = vector.shape_cast %broadcast_in_dim3A_617 : vector<16xi32> to vector<16x1xi32>
        %gather3A_619 = vector.shape_cast %broadcast_in_dim3A_618 : vector<16x1xi32> to vector<16xi32>
        %gather3A_620 = tpu.dynamic_gather %get3A_99[%gather3A_619] in [0] : vector<16xf32>, vector<16xi32> -> vector<16xf32>
        %broadcast_in_dim3A_621 = arith.constant 15 : i32
        %broadcast_in_dim3A_622 = vector.broadcast %broadcast_in_dim3A_621 : i32 to vector<16xi32>
        %broadcast_in_dim3A_623 = vector.shape_cast %broadcast_in_dim3A_622 : vector<16xi32> to vector<16x1xi32>
        %gather3A_624 = vector.shape_cast %broadcast_in_dim3A_623 : vector<16x1xi32> to vector<16xi32>
        %gather3A_625 = tpu.dynamic_gather %get3A_103[%gather3A_624] in [0] : vector<16xf32>, vector<16xi32> -> vector<16xf32>
        %sub3A_626 = arith.subf %get3A_58, %gather3A_615 : vector<16xf32>
        %sub3A_627 = arith.subf %get3A_62, %gather3A_620 : vector<16xf32>
        %sub3A_628 = arith.subf %get3A_66, %gather3A_625 : vector<16xf32>
        %mul3A_629 = arith.mulf %sub3A_626, %sub3A_626 : vector<16xf32>
        %mul3A_630 = arith.mulf %sub3A_627, %sub3A_627 : vector<16xf32>
        %add3A_631 = arith.addf %mul3A_629, %mul3A_630 : vector<16xf32>
        %mul3A_632 = arith.mulf %sub3A_628, %sub3A_628 : vector<16xf32>
        %add3A_633 = arith.addf %add3A_631, %mul3A_632 : vector<16xf32>
        %gt3A_634 = arith.constant 4.000000e-02 : f32
        %gt3A_635 = vector.broadcast %gt3A_634 : f32 to vector<16xf32>
        %gt3A_636 = arith.cmpf ogt, %add3A_633, %gt3A_635 : vector<16xf32>
        %add3A_637 = arith.addi %mul3A_43, %add3A_610 : vector<16xi32>
        %mul3A_638 = arith.constant 16 : i32
        %mul3A_639 = arith.muli %scan3A_90, %mul3A_638 : i32
        %add3A_640 = arith.constant 15 : i32
        %add3A_641 = arith.addi %mul3A_639, %add3A_640 : i32
        %broadcast_in_dim3A_642 = vector.broadcast %add3A_641 : i32 to vector<16xi32>
        tpu.vector_store_idx %arg17[%add3A_637], %broadcast_in_dim3A_642 masked %gt3A_636 : memref<1536xi32, #tpu.memory_space<vmem>>[vector<16xi32>], vector<16xi32>, vector<16xi1>
        %convert_element_type3A_643 = arith.extui %gt3A_636 : vector<16xi1> to vector<16xi32>
        %add3A_644 = arith.addi %add3A_610, %convert_element_type3A_643 : vector<16xi32>
        scf.yield %add3A_644 : vector<16xi32>
      }
      %scan3A_81 = arith.constant 4 : i32
      %scan3A_82 = arith.constant 0 : i32
      %scan3A_83 = arith.constant 0 : i32
      %scan3A_84 = arith.constant 16 : i32
      %scan3A_85 = arith.addi %scan3A_83, %scan3A_84 : i32
      %scan3A_86 = arith.constant 1 : i32
      %scan3A_87 = scf.for %scan3A_90 = %scan3A_83 to %scan3A_85 step %scan3A_86 iter_args(%scan3A_91 = %scan3A_82) -> (i32)  : i32 {
        %mul3A_92 = arith.constant 16 : i32
        %mul3A_93 = arith.muli %scan3A_54, %mul3A_92 : i32
        %add3A_94 = arith.addi %mul3A_93, %scan3A_90 : i32
        %broadcast_in_dim3A_95 = vector.broadcast %scan3A_90 : i32 to vector<16xi32>
        %broadcast_in_dim3A_96 = vector.shape_cast %broadcast_in_dim3A_95 : vector<16xi32> to vector<16x1xi32>
        %gather3A = vector.shape_cast %broadcast_in_dim3A_96 : vector<16x1xi32> to vector<16xi32>
        %gather3A_97 = tpu.dynamic_gather %scan3A_72[%gather3A] in [0] : vector<16xi32>, vector<16xi32> -> vector<16xi32>
        %reduce_max3A = arith.constant true
        %reduce_max3A_98 = vector.broadcast %reduce_max3A : i1 to vector<16xi1>
        %reduce_max3A_99 = arith.constant -2147483648 : i32
        %reduce_max3A_100 = vector.broadcast %reduce_max3A_99 : i32 to vector<16xi32>
        %reduce_max3A_101 = arith.xori %gather3A_97, %reduce_max3A_100 : vector<16xi32>
        %reduce_max3A_102 = tpu.scan <max>, %reduce_max3A_101 masked %reduce_max3A_98 : vector<16xi32>, vector<16xi1> -> vector<16xi32>
        %reduce_max3A_103 = arith.xori %reduce_max3A_102, %reduce_max3A_100 : vector<16xi32>
        %reduce_max3A_104 = vector.extract %reduce_max3A_103[15] : i32 from vector<16xi32>
        %mul3A_105 = arith.constant 1024 : i32
        %mul3A_106 = arith.muli %scan3A_90, %mul3A_105 : i32
        %mul3A_107 = arith.constant 96 : i32
        %mul3A_108 = arith.muli %scan3A_90, %mul3A_107 : i32
        %mul3A_109 = arith.constant 32 : i32
        %mul3A_110 = arith.muli %add3A_94, %mul3A_109 : i32
        %add3A_111 = arith.addi %mul3A_106, %reduce_max3A_104 : i32
        %add3A_112 = vector.broadcast %add3A_111 : i32 to vector<16xi32>
        %add3A_113 = arith.addi %add3A_112, %iota3A : vector<16xi32>
        %broadcast_in_dim3A_114 = arith.constant 3.000000e+38 : f32
        %broadcast_in_dim3A_115 = vector.broadcast %broadcast_in_dim3A_114 : f32 to vector<16xf32>
        tpu.vector_store_idx %arg15[%add3A_113], %broadcast_in_dim3A_115 : memref<16400xf32, #tpu.memory_space<vmem>>[vector<16xi32>], vector<16xf32>,
        %gt3A = arith.constant 32 : i32
        %gt3A_116 = arith.cmpi sgt, %reduce_max3A_104, %gt3A : i32
        %convert_element_type3A = arith.extui %gt3A_116 : i1 to i32
        %cond3A = arith.constant 0 : i32
        %cond3A_117 = arith.cmpi ne, %convert_element_type3A, %cond3A : i32
        scf.if %cond3A_117 {
          %add3A_119 = arith.constant 16 : i32
          %add3A_120 = arith.addi %reduce_max3A_104, %add3A_119 : i32
          %jit3A_121 = arith.constant 16 : i32
          %div3A_122 = arith.divsi %add3A_120, %jit3A_121 : i32
          %sign3A_123 = arith.constant 0 : i32
          %sign3A_124 = arith.cmpi sgt, %add3A_120, %sign3A_123 : i32
          %sign3A_125 = arith.extui %sign3A_124 : i1 to i32
          %sign3A_126 = arith.constant 0 : i32
          %sign3A_127 = arith.cmpi slt, %add3A_120, %sign3A_126 : i32
          %sign3A_128 = arith.extui %sign3A_127 : i1 to i32
          %sign3A_129 = arith.subi %sign3A_125, %sign3A_128 : i32
          %sign3A_130 = arith.constant 0 : i32
          %sign3A_131 = arith.cmpi sgt, %jit3A_121, %sign3A_130 : i32
          %sign3A_132 = arith.extui %sign3A_131 : i1 to i32
          %sign3A_133 = arith.constant 0 : i32
          %sign3A_134 = arith.cmpi slt, %jit3A_121, %sign3A_133 : i32
          %sign3A_135 = arith.extui %sign3A_134 : i1 to i32
          %sign3A_136 = arith.subi %sign3A_132, %sign3A_135 : i32
          %ne3A_137 = arith.cmpi ne, %sign3A_129, %sign3A_136 : i32
          %rem3A_138 = arith.remsi %add3A_120, %jit3A_121 : i32
          %ne3A_139 = arith.constant 0 : i32
          %ne3A_140 = arith.cmpi ne, %rem3A_138, %ne3A_139 : i32
          %and3A_141 = arith.andi %ne3A_137, %ne3A_140 : i1
          %sub3A_142 = arith.constant 1 : i32
          %sub3A_143 = arith.subi %div3A_122, %sub3A_142 : i32
          %select_n3A_144 = arith.select %and3A_141, %sub3A_143, %div3A_122 : i32
          %scan3A_145 = arith.constant 0 : i32
          %scan3A_146 = arith.constant 0 : i32
          %scan3A_147 = arith.constant 32 : i32
          %scan3A_148 = arith.addi %scan3A_146, %scan3A_147 : i32
          %scan3A_149 = arith.constant 1 : i32
          %scan3A_150 = scf.for %scan3A_152 = %scan3A_146 to %scan3A_148 step %scan3A_149 iter_args(%scan3A_153 = %scan3A_145) -> (i32)  : i32 {
            %broadcast_in_dim3A_154 = arith.constant 3.000000e+38 : f32
            %broadcast_in_dim3A_155 = vector.broadcast %broadcast_in_dim3A_154 : f32 to vector<16xf32>
            %broadcast_in_dim3A_156 = arith.constant 1073741824 : i32
            %broadcast_in_dim3A_157 = vector.broadcast %broadcast_in_dim3A_156 : i32 to vector<16xi32>
            %while3A = arith.constant 0 : i32
            %while3A_158 = arith.subi %select_n3A_144, %while3A : i32
            %while3A_159 = arith.addi %while3A, %while3A_158 : i32
            %while3A_160 = arith.constant 1 : i32
            %while3A_161 = arith.divsi %while3A_158, %while3A_160 : i32
            %while3A_162 = arith.muli %while3A_161, %while3A_160 : i32
            %while3A_163 = arith.addi %while3A, %while3A_162 : i32
            %while3A_164 = arith.constant 1 : i32
            %while3A_165:2 = scf.for %while3A_195 = %while3A to %while3A_163 step %while3A_164 iter_args(%while3A_196 = %broadcast_in_dim3A_155, %while3A_197 = %broadcast_in_dim3A_157) -> (vector<16xf32>, vector<16xi32>)  : i32 {
              %mul3A_198 = arith.constant 16 : i32
              %mul3A_199 = arith.muli %while3A_195, %mul3A_198 : i32
              %add3A_200 = arith.addi %mul3A_106, %mul3A_199 : i32
              %get3A_201 = arith.index_cast %add3A_200 : i32 to index
              %get3A_202 = tpu.vector_load %arg15[%get3A_201] {strides = array<i32>} : memref<16400xf32, #tpu.memory_space<vmem>>, vector<16xf32>,
              %lt3A_203 = arith.cmpf olt, %get3A_202, %while3A_196 : vector<16xf32>
              %select_n3A_204 = arith.select %lt3A_203, %get3A_202, %while3A_196 : vector<16xi1>, vector<16xf32>
              %mul3A_205 = arith.constant 16 : i32
              %mul3A_206 = arith.muli %while3A_195, %mul3A_205 : i32
              %add3A_207 = vector.broadcast %mul3A_206 : i32 to vector<16xi32>
              %add3A_208 = arith.addi %add3A_207, %iota3A : vector<16xi32>
              %select_n3A_209 = arith.select %lt3A_203, %add3A_208, %while3A_197 : vector<16xi1>, vector<16xi32>
              scf.yield %select_n3A_204, %select_n3A_209 : vector<16xf32>, vector<16xi32>
            }
            %while3A_166 = arith.constant 1 : i32
            %while3A_167:2 = scf.for %while3A_195 = %while3A_163 to %while3A_159 step %while3A_166 iter_args(%while3A_196 = %while3A_165#0, %while3A_197 = %while3A_165#1) -> (vector<16xf32>, vector<16xi32>)  : i32 {
              %mul3A_198 = arith.constant 16 : i32
              %mul3A_199 = arith.muli %while3A_195, %mul3A_198 : i32
              %add3A_200 = arith.addi %mul3A_106, %mul3A_199 : i32
              %get3A_201 = arith.index_cast %add3A_200 : i32 to index
              %get3A_202 = tpu.vector_load %arg15[%get3A_201] {strides = array<i32>} : memref<16400xf32, #tpu.memory_space<vmem>>, vector<16xf32>,
              %lt3A_203 = arith.cmpf olt, %get3A_202, %while3A_196 : vector<16xf32>
              %select_n3A_204 = arith.select %lt3A_203, %get3A_202, %while3A_196 : vector<16xi1>, vector<16xf32>
              %mul3A_205 = arith.constant 16 : i32
              %mul3A_206 = arith.muli %while3A_195, %mul3A_205 : i32
              %add3A_207 = vector.broadcast %mul3A_206 : i32 to vector<16xi32>
              %add3A_208 = arith.addi %add3A_207, %iota3A : vector<16xi32>
              %select_n3A_209 = arith.select %lt3A_203, %add3A_208, %while3A_197 : vector<16xi1>, vector<16xi32>
              scf.yield %select_n3A_204, %select_n3A_209 : vector<16xf32>, vector<16xi32>
            }
            %reduce_min3A = arith.constant true
            %reduce_min3A_168 = vector.broadcast %reduce_min3A : i1 to vector<16xi1>
            %reduce_min3A_169 = tpu.scan <min>, %while3A_167#0 masked %reduce_min3A_168 : vector<16xf32>, vector<16xi1> -> vector<16xf32>
            %reduce_min3A_170 = vector.extract %reduce_min3A_169[15] : f32 from vector<16xf32>
            %eq3A_171 = vector.broadcast %reduce_min3A_170 : f32 to vector<16xf32>
            %eq3A_172 = arith.cmpf oeq, %while3A_167#0, %eq3A_171 : vector<16xf32>
            %jit3A_173 = arith.constant 1073741824 : i32
            %broadcast_in_dim3A_174 = vector.broadcast %jit3A_173 : i32 to vector<16xi32>
            %select_n3A_175 = arith.select %eq3A_172, %while3A_167#1, %broadcast_in_dim3A_174 : vector<16xi1>, vector<16xi32>
            %reduce_min3A_176 = arith.constant true
            %reduce_min3A_177 = vector.broadcast %reduce_min3A_176 : i1 to vector<16xi1>
            %reduce_min3A_178 = arith.constant -2147483648 : i32
            %reduce_min3A_179 = vector.broadcast %reduce_min3A_178 : i32 to vector<16xi32>
            %reduce_min3A_180 = arith.xori %select_n3A_175, %reduce_min3A_179 : vector<16xi32>
            %reduce_min3A_181 = tpu.scan <min>, %reduce_min3A_180 masked %reduce_min3A_177 : vector<16xi32>, vector<16xi1> -> vector<16xi32>
            %reduce_min3A_182 = arith.xori %reduce_min3A_181, %reduce_min3A_179 : vector<16xi32>
            %reduce_min3A_183 = vector.extract %reduce_min3A_182[15] : i32 from vector<16xi32>
            %broadcast_in_dim3A_184 = vector.broadcast %reduce_min3A_183 : i32 to vector<16xi32>
            %add3A_185 = vector.broadcast %mul3A_106 : i32 to vector<16xi32>
            %add3A_186 = arith.addi %broadcast_in_dim3A_184, %add3A_185 : vector<16xi32>
            %gather3A_187 = tpu.vector_load_idx %arg16[%add3A_186] : memref<16400xi32, #tpu.memory_space<vmem>>[vector<16xi32>], vector<16xi32>,
            %add3A_188 = vector.broadcast %mul3A_37 : i32 to vector<16xi32>
            %add3A_189 = arith.addi %gather3A_187, %add3A_188 : vector<16xi32>
            %add3A_190 = arith.addi %mul3A_110, %scan3A_152 : i32
            %broadcast_in_dim3A_191 = vector.broadcast %add3A_190 : i32 to vector<16xi32>
            tpu.vector_store_idx %arg18[%broadcast_in_dim3A_191], %add3A_189 masked %eq3A_1 : memref<4096xi32, #tpu.memory_space<vmem>>[vector<16xi32>], vector<16xi32>, vector<16xi1>
            %broadcast_in_dim3A_192 = arith.constant 3.000000e+38 : f32
            %broadcast_in_dim3A_193 = vector.broadcast %broadcast_in_dim3A_192 : f32 to vector<16xf32>
            tpu.vector_store_idx %arg15[%add3A_186], %broadcast_in_dim3A_193 masked %eq3A_1 : memref<16400xf32, #tpu.memory_space<vmem>>[vector<16xi32>], vector<16xf32>, vector<16xi1>
            %scan3A_194 = arith.constant 0 : i32
            scf.yield %scan3A_194 : i32
          }
          %scan3A_151 = arith.constant 32 : i32
        } else {
          %get3A_119 = arith.index_cast %mul3A_106 : i32 to index
          %get3A_120 = tpu.vector_load %arg16[%get3A_119] {strides = array<i32>} : memref<16400xi32, #tpu.memory_space<vmem>>, vector<16xi32>,
          %add3A_121 = vector.broadcast %mul3A_37 : i32 to vector<16xi32>
          %add3A_122 = arith.addi %get3A_120, %add3A_121 : vector<16xi32>
          %add3A_123 = arith.constant 16 : i32
          %add3A_124 = arith.addi %mul3A_106, %add3A_123 : i32
          %get3A_125 = arith.index_cast %add3A_124 : i32 to index
          %get3A_126 = tpu.vector_load %arg16[%get3A_125] {strides = array<i32>} : memref<16400xi32, #tpu.memory_space<vmem>>, vector<16xi32>,
          %add3A_127 = vector.broadcast %mul3A_37 : i32 to vector<16xi32>
          %add3A_128 = arith.addi %get3A_126, %add3A_127 : vector<16xi32>
          %swap3A = arith.index_cast %mul3A_110 : i32 to index
          %swap3A_129 = tpu.vector_load %arg18[%swap3A] {strides = array<i32>} : memref<4096xi32, #tpu.memory_space<vmem>>, vector<16xi32>,
          tpu.vector_store %arg18[%swap3A], %add3A_122 {strides = array<i32>} : memref<4096xi32, #tpu.memory_space<vmem>>, vector<16xi32>,
          %add3A_130 = arith.constant 16 : i32
          %add3A_131 = arith.addi %mul3A_110, %add3A_130 : i32
          %swap3A_132 = arith.index_cast %add3A_131 : i32 to index
          %swap3A_133 = tpu.vector_load %arg18[%swap3A_132] {strides = array<i32>} : memref<4096xi32, #tpu.memory_space<vmem>>, vector<16xi32>,
          tpu.vector_store %arg18[%swap3A_132], %add3A_128 {strides = array<i32>} : memref<4096xi32, #tpu.memory_space<vmem>>, vector<16xi32>,
          %add3A_134 = arith.constant 0 : i32
          %add3A_135 = arith.addi %mul3A_108, %add3A_134 : i32
          %get3A_136 = arith.index_cast %add3A_135 : i32 to index
          %get3A_137 = tpu.vector_load %arg17[%get3A_136] {strides = array<i32>} : memref<1536xi32, #tpu.memory_space<vmem>>, vector<16xi32>,
          %add3A_138 = vector.broadcast %mul3A_37 : i32 to vector<16xi32>
          %add3A_139 = arith.addi %get3A_137, %add3A_138 : vector<16xi32>
          %add3A_140 = vector.broadcast %reduce_max3A_104 : i32 to vector<16xi32>
          %add3A_141 = arith.addi %add3A_140, %iota3A : vector<16xi32>
          %add3A_142 = arith.constant 0 : i32
          %add3A_143 = vector.broadcast %add3A_142 : i32 to vector<16xi32>
          %add3A_144 = arith.addi %add3A_141, %add3A_143 : vector<16xi32>
          %add3A_145 = vector.broadcast %mul3A_110 : i32 to vector<16xi32>
          %add3A_146 = arith.addi %add3A_144, %add3A_145 : vector<16xi32>
          %lt3A_147 = arith.constant 32 : i32
          %lt3A_148 = vector.broadcast %lt3A_147 : i32 to vector<16xi32>
          %lt3A_149 = arith.cmpi slt, %add3A_144, %lt3A_148 : vector<16xi32>
          tpu.vector_store_idx %arg18[%add3A_146], %add3A_139 masked %lt3A_149 : memref<4096xi32, #tpu.memory_space<vmem>>[vector<16xi32>], vector<16xi32>, vector<16xi1>
          %add3A_150 = arith.constant 16 : i32
          %add3A_151 = arith.addi %mul3A_108, %add3A_150 : i32
          %get3A_152 = arith.index_cast %add3A_151 : i32 to index
          %get3A_153 = tpu.vector_load %arg17[%get3A_152] {strides = array<i32>} : memref<1536xi32, #tpu.memory_space<vmem>>, vector<16xi32>,
          %add3A_154 = vector.broadcast %mul3A_37 : i32 to vector<16xi32>
          %add3A_155 = arith.addi %get3A_153, %add3A_154 : vector<16xi32>
          %add3A_156 = vector.broadcast %reduce_max3A_104 : i32 to vector<16xi32>
          %add3A_157 = arith.addi %add3A_156, %iota3A : vector<16xi32>
          %add3A_158 = arith.constant 16 : i32
          %add3A_159 = vector.broadcast %add3A_158 : i32 to vector<16xi32>
          %add3A_160 = arith.addi %add3A_157, %add3A_159 : vector<16xi32>
          %add3A_161 = vector.broadcast %mul3A_110 : i32 to vector<16xi32>
          %add3A_162 = arith.addi %add3A_160, %add3A_161 : vector<16xi32>
          %lt3A_163 = arith.constant 32 : i32
          %lt3A_164 = vector.broadcast %lt3A_163 : i32 to vector<16xi32>
          %lt3A_165 = arith.cmpi slt, %add3A_160, %lt3A_164 : vector<16xi32>
          tpu.vector_store_idx %arg18[%add3A_162], %add3A_155 masked %lt3A_165 : memref<4096xi32, #tpu.memory_space<vmem>>[vector<16xi32>], vector<16xi32>, vector<16xi1>
        }
        %scan3A_118 = arith.constant 0 : i32
        scf.yield %scan3A_118 : i32
      }
      %scan3A_88 = arith.constant 16 : i32
      %scan3A_89 = arith.constant 0 : i32
      scf.yield %scan3A_89 : i32
    }
    %scan3A_49 = arith.constant 8 : i32
    %mul3A_50 = arith.constant 128 : i32
    %mul3A_51 = arith.muli %add3A, %mul3A_50 : i32
    %mul3A_52 = arith.constant 32 : i32
    %mul3A_53 = arith.muli %mul3A_51, %mul3A_52 : i32
    "tpu.region"() ({
      %run_scoped3A = tpu.sem_alloc : memref<!tpu.dma_semaphore, #tpu.memory_space<semaphore_mem>>
      %dma_start3A = tpu.memref_slice %arg8[%mul3A_53] : memref<131072xi32, #tpu.memory_space<hbm>> -> memref<4096xi32, #tpu.memory_space<hbm>>
      %dma_start3A_54 = tpu.memref_slice %arg8[%mul3A_53] : memref<131072xi32, #tpu.memory_space<hbm>> -> memref<4096xi32, #tpu.memory_space<hbm>>
      tpu.enqueue_dma source(%arg18 : memref<4096xi32, #tpu.memory_space<vmem>>) target(%dma_start3A_54 : memref<4096xi32, #tpu.memory_space<hbm>>) target_semaphore(%run_scoped3A : memref<!tpu.dma_semaphore, #tpu.memory_space<semaphore_mem>>)
      %dma_wait3A = tpu.memref_slice %arg8[%mul3A_53] : memref<131072xi32, #tpu.memory_space<hbm>> -> memref<4096xi32, #tpu.memory_space<hbm>>
      %dma_wait3A_55 = tpu.memref_slice %arg8[%mul3A_53] : memref<131072xi32, #tpu.memory_space<hbm>> -> memref<4096xi32, #tpu.memory_space<hbm>>
      tpu.wait_dma2 semaphore(%run_scoped3A : memref<!tpu.dma_semaphore, #tpu.memory_space<semaphore_mem>>) src(%arg18 : memref<4096xi32, #tpu.memory_space<vmem>>) dst(%dma_wait3A_55 : memref<4096xi32, #tpu.memory_space<hbm>>)
      tpu.yield
    }) : () -> ()
    return
  }
}

#map = affine_map<(d0, d1) -> (0, 0)>
module attributes {stable_mosaic.version = 14 : i64} {
  func.func @k(%arg0: i32, %arg1: i32, %arg2: memref<32768x128xf32, #tpu.memory_space<hbm>>, %arg3: memref<1024x128xi32, #tpu.memory_space<hbm>>, %arg4: memref<131072x128xf32, #tpu.memory_space<hbm>>, %arg5: memref<32x128xi32, #tpu.memory_space<vmem>>, %arg6: memref<128x128xf32, #tpu.memory_space<vmem>>, %arg7: memref<!tpu.dma_semaphore, #tpu.memory_space<semaphore_mem>>) attributes {dimension_semantics = [#tpu.dimension_semantics<core_parallel>, #tpu.dimension_semantics<subcore_parallel>], iteration_bounds = array<i64: 2, 16>, scalar_prefetch = 0 : i64, scratch_operands = 3 : i64, tpu.core_type = #tpu.core_type<sc_vector_subcore>, window_params = [{transform_indices = #map}, {transform_indices = #map}, {transform_indices = #map}]} {
    %mul3A = arith.constant 2 : i32
    %mul3A_0 = arith.muli %arg1, %mul3A : i32
    %add3A = arith.addi %mul3A_0, %arg0 : i32
    %mul3A_1 = arith.constant 32 : i32
    %mul3A_2 = arith.muli %add3A, %mul3A_1 : i32
    "tpu.region"() ({
      %run_scoped3A = tpu.sem_alloc : memref<!tpu.dma_semaphore, #tpu.memory_space<semaphore_mem>>
      %dma_start3A = arith.constant 0 : i32
      %dma_start3A_9 = tpu.memref_slice %arg3[%mul3A_2, %dma_start3A] : memref<1024x128xi32, #tpu.memory_space<hbm>> -> memref<32x128xi32, #tpu.memory_space<hbm>>
      %dma_start3A_10 = arith.constant 0 : i32
      %dma_start3A_11 = tpu.memref_slice %arg3[%mul3A_2, %dma_start3A_10] : memref<1024x128xi32, #tpu.memory_space<hbm>> -> memref<32x128xi32, #tpu.memory_space<hbm>>
      tpu.enqueue_dma source(%dma_start3A_11 : memref<32x128xi32, #tpu.memory_space<hbm>>) target(%arg5 : memref<32x128xi32, #tpu.memory_space<vmem>>) target_semaphore(%run_scoped3A : memref<!tpu.dma_semaphore, #tpu.memory_space<semaphore_mem>>)
      %dma_wait3A = arith.constant 0 : i32
      %dma_wait3A_12 = tpu.memref_slice %arg3[%mul3A_2, %dma_wait3A] : memref<1024x128xi32, #tpu.memory_space<hbm>> -> memref<32x128xi32, #tpu.memory_space<hbm>>
      %dma_wait3A_13 = arith.constant 0 : i32
      %dma_wait3A_14 = tpu.memref_slice %arg3[%mul3A_2, %dma_wait3A_13] : memref<1024x128xi32, #tpu.memory_space<hbm>> -> memref<32x128xi32, #tpu.memory_space<hbm>>
      tpu.wait_dma2 semaphore(%run_scoped3A : memref<!tpu.dma_semaphore, #tpu.memory_space<semaphore_mem>>) src(%dma_wait3A_14 : memref<32x128xi32, #tpu.memory_space<hbm>>) dst(%arg5 : memref<32x128xi32, #tpu.memory_space<vmem>>)
      tpu.yield
    }) : () -> ()
    %scan3A = arith.constant 0 : i32
    %scan3A_3 = arith.constant 0 : i32
    %scan3A_4 = arith.constant 32 : i32
    %scan3A_5 = arith.addi %scan3A_3, %scan3A_4 : i32
    %scan3A_6 = arith.constant 1 : i32
    %scan3A_7 = scf.for %scan3A_9 = %scan3A_3 to %scan3A_5 step %scan3A_6 iter_args(%scan3A_10 = %scan3A) -> (i32)  : i32 {
      %dma_start3A = arith.constant 0 : i32
      %dma_start3A_11 = tpu.memref_slice %arg5[%scan3A_9, %dma_start3A] : memref<32x128xi32, #tpu.memory_space<vmem>> -> memref<1x128xi32, #tpu.memory_space<vmem>>
      %dma_start3A_12 = tpu.memref_squeeze %dma_start3A_11 : memref<1x128xi32, #tpu.memory_space<vmem>> -> memref<128xi32, #tpu.memory_space<vmem>>
      %dma_start3A_13 = arith.constant 0 : i32
      %dma_start3A_14 = arith.constant 0 : i32
      %dma_start3A_15 = tpu.memref_slice %arg2[%dma_start3A_13, %dma_start3A_14] : memref<32768x128xf32, #tpu.memory_space<hbm>> -> memref<32768x128xf32, #tpu.memory_space<hbm>>
      tpu.enqueue_indirect_dma source(%dma_start3A_15 : memref<32768x128xf32, #tpu.memory_space<hbm>>) target(%arg6 : memref<128x128xf32, #tpu.memory_space<vmem>>) offsets(%dma_start3A_12 : memref<128xi32, #tpu.memory_space<vmem>>) semaphore(%arg7 : memref<!tpu.dma_semaphore, #tpu.memory_space<semaphore_mem>>)
      %dma_wait3A = arith.constant 0 : i32
      %dma_wait3A_16 = tpu.memref_slice %arg5[%scan3A_9, %dma_wait3A] : memref<32x128xi32, #tpu.memory_space<vmem>> -> memref<1x128xi32, #tpu.memory_space<vmem>>
      %dma_wait3A_17 = tpu.memref_squeeze %dma_wait3A_16 : memref<1x128xi32, #tpu.memory_space<vmem>> -> memref<128xi32, #tpu.memory_space<vmem>>
      %dma_wait3A_18 = arith.constant 0 : i32
      %dma_wait3A_19 = arith.constant 0 : i32
      %dma_wait3A_20 = tpu.memref_slice %arg2[%dma_wait3A_18, %dma_wait3A_19] : memref<32768x128xf32, #tpu.memory_space<hbm>> -> memref<32768x128xf32, #tpu.memory_space<hbm>>
      tpu.wait_indirect_dma semaphore(%arg7 : memref<!tpu.dma_semaphore, #tpu.memory_space<semaphore_mem>>) src(%dma_wait3A_20 : memref<32768x128xf32, #tpu.memory_space<hbm>>) dst(%arg6 : memref<128x128xf32, #tpu.memory_space<vmem>>)
      %add3A_21 = arith.addi %mul3A_2, %scan3A_9 : i32
      %mul3A_22 = arith.constant 128 : i32
      %mul3A_23 = arith.muli %add3A_21, %mul3A_22 : i32
      "tpu.region"() ({
        %run_scoped3A = tpu.sem_alloc : memref<!tpu.dma_semaphore, #tpu.memory_space<semaphore_mem>>
        %dma_start3A_25 = arith.constant 0 : i32
        %dma_start3A_26 = tpu.memref_slice %arg4[%mul3A_23, %dma_start3A_25] : memref<131072x128xf32, #tpu.memory_space<hbm>> -> memref<128x128xf32, #tpu.memory_space<hbm>>
        %dma_start3A_27 = arith.constant 0 : i32
        %dma_start3A_28 = tpu.memref_slice %arg4[%mul3A_23, %dma_start3A_27] : memref<131072x128xf32, #tpu.memory_space<hbm>> -> memref<128x128xf32, #tpu.memory_space<hbm>>
        tpu.enqueue_dma source(%arg6 : memref<128x128xf32, #tpu.memory_space<vmem>>) target(%dma_start3A_28 : memref<128x128xf32, #tpu.memory_space<hbm>>) target_semaphore(%run_scoped3A : memref<!tpu.dma_semaphore, #tpu.memory_space<semaphore_mem>>)
        %dma_wait3A_29 = arith.constant 0 : i32
        %dma_wait3A_30 = tpu.memref_slice %arg4[%mul3A_23, %dma_wait3A_29] : memref<131072x128xf32, #tpu.memory_space<hbm>> -> memref<128x128xf32, #tpu.memory_space<hbm>>
        %dma_wait3A_31 = arith.constant 0 : i32
        %dma_wait3A_32 = tpu.memref_slice %arg4[%mul3A_23, %dma_wait3A_31] : memref<131072x128xf32, #tpu.memory_space<hbm>> -> memref<128x128xf32, #tpu.memory_space<hbm>>
        tpu.wait_dma2 semaphore(%run_scoped3A : memref<!tpu.dma_semaphore, #tpu.memory_space<semaphore_mem>>) src(%arg6 : memref<128x128xf32, #tpu.memory_space<vmem>>) dst(%dma_wait3A_32 : memref<128x128xf32, #tpu.memory_space<hbm>>)
        tpu.yield
      }) : () -> ()
      %scan3A_24 = arith.constant 0 : i32
      scf.yield %scan3A_24 : i32
    }
    %scan3A_8 = arith.constant 32 : i32
    return
  }
}

module attributes {stable_mosaic.version = 14 : i64} {
  func.func @_fps_body(%arg0: memref<8x4096xf32, #tpu.memory_space<vmem>>, %arg1: memref<8x4096xf32, #tpu.memory_space<vmem>>, %arg2: memref<8x4096xf32, #tpu.memory_space<vmem>>, %arg3: memref<8x512xf32, #tpu.memory_space<vmem>>, %arg4: memref<8x512xf32, #tpu.memory_space<vmem>>, %arg5: memref<8x512xf32, #tpu.memory_space<vmem>>, %arg6: memref<8x4096xf32, #tpu.memory_space<vmem>>) attributes {dimension_semantics = [], scalar_prefetch = 0 : i64, scratch_operands = 1 : i64, tpu.core_type = #tpu.core_type<tc>} {
    %get3A = arith.constant 0 : index
    %get3A_0 = arith.constant 0 : index
    %get3A_1 = vector.load %arg0[%get3A, %get3A_0] : memref<8x4096xf32, #tpu.memory_space<vmem>>, vector<8x4096xf32>
    %get3A_2 = arith.constant 0 : index
    %get3A_3 = arith.constant 0 : index
    %get3A_4 = vector.load %arg1[%get3A_2, %get3A_3] : memref<8x4096xf32, #tpu.memory_space<vmem>>, vector<8x4096xf32>
    %get3A_5 = arith.constant 0 : index
    %get3A_6 = arith.constant 0 : index
    %get3A_7 = vector.load %arg2[%get3A_5, %get3A_6] : memref<8x4096xf32, #tpu.memory_space<vmem>>, vector<8x4096xf32>
    %iota3A = tpu.iota {dimensions = array<i32: 1>} : vector<8x4096xi32>
    %slice3A = vector.extract_strided_slice %get3A_1 {offsets = [0, 0], sizes = [8, 1], strides = [1, 1]} : vector<8x4096xf32> to vector<8x1xf32>
    %slice3A_8 = vector.extract_strided_slice %get3A_4 {offsets = [0, 0], sizes = [8, 1], strides = [1, 1]} : vector<8x4096xf32> to vector<8x1xf32>
    %slice3A_9 = vector.extract_strided_slice %get3A_7 {offsets = [0, 0], sizes = [8, 1], strides = [1, 1]} : vector<8x4096xf32> to vector<8x1xf32>
    %sub3A = vector.broadcast %slice3A : vector<8x1xf32> to vector<8x4096xf32>
    %sub3A_10 = arith.subf %get3A_1, %sub3A : vector<8x4096xf32>
    %sub3A_11 = vector.broadcast %slice3A_8 : vector<8x1xf32> to vector<8x4096xf32>
    %sub3A_12 = arith.subf %get3A_4, %sub3A_11 : vector<8x4096xf32>
    %sub3A_13 = vector.broadcast %slice3A_9 : vector<8x1xf32> to vector<8x4096xf32>
    %sub3A_14 = arith.subf %get3A_7, %sub3A_13 : vector<8x4096xf32>
    %mul3A = arith.mulf %sub3A_10, %sub3A_10 : vector<8x4096xf32>
    %mul3A_15 = arith.mulf %sub3A_12, %sub3A_12 : vector<8x4096xf32>
    %add3A = arith.addf %mul3A, %mul3A_15 : vector<8x4096xf32>
    %mul3A_16 = arith.mulf %sub3A_14, %sub3A_14 : vector<8x4096xf32>
    %add3A_17 = arith.addf %add3A, %mul3A_16 : vector<8x4096xf32>
    %swap3A = arith.constant 0 : index
    %swap3A_18 = arith.constant 0 : index
    %swap3A_19 = vector.load %arg6[%swap3A, %swap3A_18] : memref<8x4096xf32, #tpu.memory_space<vmem>>, vector<8x4096xf32>
    tpu.vector_store %arg6[%swap3A, %swap3A_18], %add3A_17 {strides = array<i32>} : memref<8x4096xf32, #tpu.memory_space<vmem>>, vector<8x4096xf32>,
    %iota3A_20 = tpu.iota {dimensions = array<i32: 1>} : vector<8x128xi32>
    %broadcast_in_dim3A = arith.constant 0.000000e+00 : f32
    %broadcast_in_dim3A_21 = vector.broadcast %broadcast_in_dim3A : f32 to vector<8x128xf32>
    %scan3A = arith.constant 1 : i32
    %scan3A_22 = arith.constant 127 : i32
    %scan3A_23 = arith.addi %scan3A, %scan3A_22 : i32
    %scan3A_24 = arith.constant 1 : i32
    %scan3A_25:3 = scf.for %scan3A_91 = %scan3A to %scan3A_23 step %scan3A_24 iter_args(%scan3A_92 = %broadcast_in_dim3A_21, %scan3A_93 = %broadcast_in_dim3A_21, %scan3A_94 = %broadcast_in_dim3A_21) -> (vector<8x128xf32>, vector<8x128xf32>, vector<8x128xf32>)  : i32 {
      %get3A_95 = arith.constant 0 : index
      %get3A_96 = arith.constant 0 : index
      %get3A_97 = vector.load %arg6[%get3A_95, %get3A_96] : memref<8x4096xf32, #tpu.memory_space<vmem>>, vector<8x4096xf32>
      %reduce_max3A = arith.constant dense<0xFF800000> : vector<8xf32>
      %reduce_max3A_98 = vector.multi_reduction <maximumf>, %get3A_97, %reduce_max3A [1] : vector<8x4096xf32> to vector<8xf32>
      %broadcast_in_dim3A_99 = vector.shape_cast %reduce_max3A_98 : vector<8xf32> to vector<8x1xf32>
      %eq3A_100 = vector.broadcast %broadcast_in_dim3A_99 : vector<8x1xf32> to vector<8x4096xf32>
      %eq3A_101 = arith.cmpf oeq, %get3A_97, %eq3A_100 : vector<8x4096xf32>
      %jit3A = arith.constant 4096 : i32
      %broadcast_in_dim3A_102 = vector.broadcast %jit3A : i32 to vector<8x4096xi32>
      %select_n3A_103 = arith.select %eq3A_101, %iota3A, %broadcast_in_dim3A_102 : vector<8x4096xi1>, vector<8x4096xi32>
      %reduce_min3A = arith.constant dense<2147483647> : vector<8xi32>
      %reduce_min3A_104 = vector.multi_reduction <minsi>, %select_n3A_103, %reduce_min3A [1] : vector<8x4096xi32> to vector<8xi32>
      %broadcast_in_dim3A_105 = vector.shape_cast %reduce_min3A_104 : vector<8xi32> to vector<8x1xi32>
      %eq3A_106 = vector.broadcast %broadcast_in_dim3A_105 : vector<8x1xi32> to vector<8x4096xi32>
      %eq3A_107 = arith.cmpi eq, %iota3A, %eq3A_106 : vector<8x4096xi32>
      %jit3A_108 = arith.constant 0.000000e+00 : f32
      %broadcast_in_dim3A_109 = vector.broadcast %jit3A_108 : f32 to vector<8x4096xf32>
      %select_n3A_110 = arith.select %eq3A_107, %get3A_1, %broadcast_in_dim3A_109 : vector<8x4096xi1>, vector<8x4096xf32>
      %reduce_sum3A = arith.constant dense<0.000000e+00> : vector<8xf32>
      %reduce_sum3A_111 = vector.multi_reduction <add>, %select_n3A_110, %reduce_sum3A [1] : vector<8x4096xf32> to vector<8xf32>
      %broadcast_in_dim3A_112 = vector.shape_cast %reduce_sum3A_111 : vector<8xf32> to vector<8x1xf32>
      %jit3A_113 = arith.constant 0.000000e+00 : f32
      %broadcast_in_dim3A_114 = vector.broadcast %jit3A_113 : f32 to vector<8x4096xf32>
      %select_n3A_115 = arith.select %eq3A_107, %get3A_4, %broadcast_in_dim3A_114 : vector<8x4096xi1>, vector<8x4096xf32>
      %reduce_sum3A_116 = arith.constant dense<0.000000e+00> : vector<8xf32>
      %reduce_sum3A_117 = vector.multi_reduction <add>, %select_n3A_115, %reduce_sum3A_116 [1] : vector<8x4096xf32> to vector<8xf32>
      %broadcast_in_dim3A_118 = vector.shape_cast %reduce_sum3A_117 : vector<8xf32> to vector<8x1xf32>
      %jit3A_119 = arith.constant 0.000000e+00 : f32
      %broadcast_in_dim3A_120 = vector.broadcast %jit3A_119 : f32 to vector<8x4096xf32>
      %select_n3A_121 = arith.select %eq3A_107, %get3A_7, %broadcast_in_dim3A_120 : vector<8x4096xi1>, vector<8x4096xf32>
      %reduce_sum3A_122 = arith.constant dense<0.000000e+00> : vector<8xf32>
      %reduce_sum3A_123 = vector.multi_reduction <add>, %select_n3A_121, %reduce_sum3A_122 [1] : vector<8x4096xf32> to vector<8xf32>
      %broadcast_in_dim3A_124 = vector.shape_cast %reduce_sum3A_123 : vector<8xf32> to vector<8x1xf32>
      %sub3A_125 = vector.broadcast %broadcast_in_dim3A_112 : vector<8x1xf32> to vector<8x4096xf32>
      %sub3A_126 = arith.subf %get3A_1, %sub3A_125 : vector<8x4096xf32>
      %sub3A_127 = vector.broadcast %broadcast_in_dim3A_118 : vector<8x1xf32> to vector<8x4096xf32>
      %sub3A_128 = arith.subf %get3A_4, %sub3A_127 : vector<8x4096xf32>
      %sub3A_129 = vector.broadcast %broadcast_in_dim3A_124 : vector<8x1xf32> to vector<8x4096xf32>
      %sub3A_130 = arith.subf %get3A_7, %sub3A_129 : vector<8x4096xf32>
      %mul3A_131 = arith.mulf %sub3A_126, %sub3A_126 : vector<8x4096xf32>
      %mul3A_132 = arith.mulf %sub3A_128, %sub3A_128 : vector<8x4096xf32>
      %add3A_133 = arith.addf %mul3A_131, %mul3A_132 : vector<8x4096xf32>
      %mul3A_134 = arith.mulf %sub3A_130, %sub3A_130 : vector<8x4096xf32>
      %add3A_135 = arith.addf %add3A_133, %mul3A_134 : vector<8x4096xf32>
      %min3A = arith.minimumf %get3A_97, %add3A_135 : vector<8x4096xf32>
      %swap3A_136 = arith.constant 0 : index
      %swap3A_137 = arith.constant 0 : index
      %swap3A_138 = vector.load %arg6[%swap3A_136, %swap3A_137] : memref<8x4096xf32, #tpu.memory_space<vmem>>, vector<8x4096xf32>
      tpu.vector_store %arg6[%swap3A_136, %swap3A_137], %min3A {strides = array<i32>} : memref<8x4096xf32, #tpu.memory_space<vmem>>, vector<8x4096xf32>,
      %jit3A_139 = arith.constant 128 : i32
      %eq3A_140 = arith.constant 0 : i32
      %eq3A_141 = arith.cmpi eq, %jit3A_139, %eq3A_140 : i32
      %jit3A_142 = arith.constant 1 : i32
      %select_n3A_143 = arith.select %eq3A_141, %jit3A_142, %jit3A_139 : i32
      %rem3A = arith.remsi %scan3A_91, %select_n3A_143 : i32
      %ne3A = arith.constant 0 : i32
      %ne3A_144 = arith.cmpi ne, %rem3A, %ne3A : i32
      %lt3A = arith.constant 0 : i32
      %lt3A_145 = arith.cmpi slt, %rem3A, %lt3A : i32
      %lt3A_146 = arith.constant 0 : i32
      %lt3A_147 = arith.cmpi slt, %select_n3A_143, %lt3A_146 : i32
      %ne3A_148 = arith.xori %lt3A_145, %lt3A_147 : i1
      %and3A = arith.andi %ne3A_148, %ne3A_144 : i1
      %add3A_149 = arith.addi %rem3A, %select_n3A_143 : i32
      %select_n3A_150 = arith.select %and3A, %add3A_149, %rem3A : i32
      %eq3A_151 = vector.broadcast %select_n3A_150 : i32 to vector<8x128xi32>
      %eq3A_152 = arith.cmpi eq, %iota3A_20, %eq3A_151 : vector<8x128xi32>
      %broadcast_in_dim3A_153 = vector.shape_cast %broadcast_in_dim3A_112 : vector<8x1xf32> to vector<8x1xf32>
      %broadcast_in_dim3A_154 = vector.broadcast %broadcast_in_dim3A_153 : vector<8x1xf32> to vector<8x128xf32>
      %select_n3A_155 = arith.select %eq3A_152, %broadcast_in_dim3A_154, %scan3A_92 : vector<8x128xi1>, vector<8x128xf32>
      %broadcast_in_dim3A_156 = vector.shape_cast %broadcast_in_dim3A_118 : vector<8x1xf32> to vector<8x1xf32>
      %broadcast_in_dim3A_157 = vector.broadcast %broadcast_in_dim3A_156 : vector<8x1xf32> to vector<8x128xf32>
      %select_n3A_158 = arith.select %eq3A_152, %broadcast_in_dim3A_157, %scan3A_93 : vector<8x128xi1>, vector<8x128xf32>
      %broadcast_in_dim3A_159 = vector.shape_cast %broadcast_in_dim3A_124 : vector<8x1xf32> to vector<8x1xf32>
      %broadcast_in_dim3A_160 = vector.broadcast %broadcast_in_dim3A_159 : vector<8x1xf32> to vector<8x128xf32>
      %select_n3A_161 = arith.select %eq3A_152, %broadcast_in_dim3A_160, %scan3A_94 : vector<8x128xi1>, vector<8x128xf32>
      scf.yield %select_n3A_155, %select_n3A_158, %select_n3A_161 : vector<8x128xf32>, vector<8x128xf32>, vector<8x128xf32>
    }
    %scan3A_26 = arith.constant 127 : i32
    %eq3A = arith.constant 0 : i32
    %eq3A_27 = vector.broadcast %eq3A : i32 to vector<8x128xi32>
    %eq3A_28 = arith.cmpi eq, %iota3A_20, %eq3A_27 : vector<8x128xi32>
    %broadcast_in_dim3A_29 = vector.shape_cast %slice3A : vector<8x1xf32> to vector<8x1xf32>
    %broadcast_in_dim3A_30 = vector.broadcast %broadcast_in_dim3A_29 : vector<8x1xf32> to vector<8x128xf32>
    %select_n3A = arith.select %eq3A_28, %broadcast_in_dim3A_30, %scan3A_25#0 : vector<8x128xi1>, vector<8x128xf32>
    %broadcast_in_dim3A_31 = vector.shape_cast %slice3A_8 : vector<8x1xf32> to vector<8x1xf32>
    %broadcast_in_dim3A_32 = vector.broadcast %broadcast_in_dim3A_31 : vector<8x1xf32> to vector<8x128xf32>
    %select_n3A_33 = arith.select %eq3A_28, %broadcast_in_dim3A_32, %scan3A_25#1 : vector<8x128xi1>, vector<8x128xf32>
    %broadcast_in_dim3A_34 = vector.shape_cast %slice3A_9 : vector<8x1xf32> to vector<8x1xf32>
    %broadcast_in_dim3A_35 = vector.broadcast %broadcast_in_dim3A_34 : vector<8x1xf32> to vector<8x128xf32>
    %select_n3A_36 = arith.select %eq3A_28, %broadcast_in_dim3A_35, %scan3A_25#2 : vector<8x128xi1>, vector<8x128xf32>
    %swap3A_37 = arith.constant 0 : index
    %swap3A_38 = arith.constant 0 : index
    %swap3A_39 = vector.load %arg3[%swap3A_37, %swap3A_38] : memref<8x512xf32, #tpu.memory_space<vmem>>, vector<8x128xf32>
    tpu.vector_store %arg3[%swap3A_37, %swap3A_38], %select_n3A {strides = array<i32>} : memref<8x512xf32, #tpu.memory_space<vmem>>, vector<8x128xf32>,
    %swap3A_40 = arith.constant 0 : index
    %swap3A_41 = arith.constant 0 : index
    %swap3A_42 = vector.load %arg4[%swap3A_40, %swap3A_41] : memref<8x512xf32, #tpu.memory_space<vmem>>, vector<8x128xf32>
    tpu.vector_store %arg4[%swap3A_40, %swap3A_41], %select_n3A_33 {strides = array<i32>} : memref<8x512xf32, #tpu.memory_space<vmem>>, vector<8x128xf32>,
    %swap3A_43 = arith.constant 0 : index
    %swap3A_44 = arith.constant 0 : index
    %swap3A_45 = vector.load %arg5[%swap3A_43, %swap3A_44] : memref<8x512xf32, #tpu.memory_space<vmem>>, vector<8x128xf32>
    tpu.vector_store %arg5[%swap3A_43, %swap3A_44], %select_n3A_36 {strides = array<i32>} : memref<8x512xf32, #tpu.memory_space<vmem>>, vector<8x128xf32>,
    %scan3A_46 = arith.constant 128 : i32
    %scan3A_47 = arith.constant 128 : i32
    %scan3A_48 = arith.addi %scan3A_46, %scan3A_47 : i32
    %scan3A_49 = arith.constant 1 : i32
    %scan3A_50:3 = scf.for %scan3A_91 = %scan3A_46 to %scan3A_48 step %scan3A_49 iter_args(%scan3A_92 = %broadcast_in_dim3A_21, %scan3A_93 = %broadcast_in_dim3A_21, %scan3A_94 = %broadcast_in_dim3A_21) -> (vector<8x128xf32>, vector<8x128xf32>, vector<8x128xf32>)  : i32 {
      %get3A_95 = arith.constant 0 : index
      %get3A_96 = arith.constant 0 : index
      %get3A_97 = vector.load %arg6[%get3A_95, %get3A_96] : memref<8x4096xf32, #tpu.memory_space<vmem>>, vector<8x4096xf32>
      %reduce_max3A = arith.constant dense<0xFF800000> : vector<8xf32>
      %reduce_max3A_98 = vector.multi_reduction <maximumf>, %get3A_97, %reduce_max3A [1] : vector<8x4096xf32> to vector<8xf32>
      %broadcast_in_dim3A_99 = vector.shape_cast %reduce_max3A_98 : vector<8xf32> to vector<8x1xf32>
      %eq3A_100 = vector.broadcast %broadcast_in_dim3A_99 : vector<8x1xf32> to vector<8x4096xf32>
      %eq3A_101 = arith.cmpf oeq, %get3A_97, %eq3A_100 : vector<8x4096xf32>
      %jit3A = arith.constant 4096 : i32
      %broadcast_in_dim3A_102 = vector.broadcast %jit3A : i32 to vector<8x4096xi32>
      %select_n3A_103 = arith.select %eq3A_101, %iota3A, %broadcast_in_dim3A_102 : vector<8x4096xi1>, vector<8x4096xi32>
      %reduce_min3A = arith.constant dense<2147483647> : vector<8xi32>
      %reduce_min3A_104 = vector.multi_reduction <minsi>, %select_n3A_103, %reduce_min3A [1] : vector<8x4096xi32> to vector<8xi32>
      %broadcast_in_dim3A_105 = vector.shape_cast %reduce_min3A_104 : vector<8xi32> to vector<8x1xi32>
      %eq3A_106 = vector.broadcast %broadcast_in_dim3A_105 : vector<8x1xi32> to vector<8x4096xi32>
      %eq3A_107 = arith.cmpi eq, %iota3A, %eq3A_106 : vector<8x4096xi32>
      %jit3A_108 = arith.constant 0.000000e+00 : f32
      %broadcast_in_dim3A_109 = vector.broadcast %jit3A_108 : f32 to vector<8x4096xf32>
      %select_n3A_110 = arith.select %eq3A_107, %get3A_1, %broadcast_in_dim3A_109 : vector<8x4096xi1>, vector<8x4096xf32>
      %reduce_sum3A = arith.constant dense<0.000000e+00> : vector<8xf32>
      %reduce_sum3A_111 = vector.multi_reduction <add>, %select_n3A_110, %reduce_sum3A [1] : vector<8x4096xf32> to vector<8xf32>
      %broadcast_in_dim3A_112 = vector.shape_cast %reduce_sum3A_111 : vector<8xf32> to vector<8x1xf32>
      %jit3A_113 = arith.constant 0.000000e+00 : f32
      %broadcast_in_dim3A_114 = vector.broadcast %jit3A_113 : f32 to vector<8x4096xf32>
      %select_n3A_115 = arith.select %eq3A_107, %get3A_4, %broadcast_in_dim3A_114 : vector<8x4096xi1>, vector<8x4096xf32>
      %reduce_sum3A_116 = arith.constant dense<0.000000e+00> : vector<8xf32>
      %reduce_sum3A_117 = vector.multi_reduction <add>, %select_n3A_115, %reduce_sum3A_116 [1] : vector<8x4096xf32> to vector<8xf32>
      %broadcast_in_dim3A_118 = vector.shape_cast %reduce_sum3A_117 : vector<8xf32> to vector<8x1xf32>
      %jit3A_119 = arith.constant 0.000000e+00 : f32
      %broadcast_in_dim3A_120 = vector.broadcast %jit3A_119 : f32 to vector<8x4096xf32>
      %select_n3A_121 = arith.select %eq3A_107, %get3A_7, %broadcast_in_dim3A_120 : vector<8x4096xi1>, vector<8x4096xf32>
      %reduce_sum3A_122 = arith.constant dense<0.000000e+00> : vector<8xf32>
      %reduce_sum3A_123 = vector.multi_reduction <add>, %select_n3A_121, %reduce_sum3A_122 [1] : vector<8x4096xf32> to vector<8xf32>
      %broadcast_in_dim3A_124 = vector.shape_cast %reduce_sum3A_123 : vector<8xf32> to vector<8x1xf32>
      %sub3A_125 = vector.broadcast %broadcast_in_dim3A_112 : vector<8x1xf32> to vector<8x4096xf32>
      %sub3A_126 = arith.subf %get3A_1, %sub3A_125 : vector<8x4096xf32>
      %sub3A_127 = vector.broadcast %broadcast_in_dim3A_118 : vector<8x1xf32> to vector<8x4096xf32>
      %sub3A_128 = arith.subf %get3A_4, %sub3A_127 : vector<8x4096xf32>
      %sub3A_129 = vector.broadcast %broadcast_in_dim3A_124 : vector<8x1xf32> to vector<8x4096xf32>
      %sub3A_130 = arith.subf %get3A_7, %sub3A_129 : vector<8x4096xf32>
      %mul3A_131 = arith.mulf %sub3A_126, %sub3A_126 : vector<8x4096xf32>
      %mul3A_132 = arith.mulf %sub3A_128, %sub3A_128 : vector<8x4096xf32>
      %add3A_133 = arith.addf %mul3A_131, %mul3A_132 : vector<8x4096xf32>
      %mul3A_134 = arith.mulf %sub3A_130, %sub3A_130 : vector<8x4096xf32>
      %add3A_135 = arith.addf %add3A_133, %mul3A_134 : vector<8x4096xf32>
      %min3A = arith.minimumf %get3A_97, %add3A_135 : vector<8x4096xf32>
      %swap3A_136 = arith.constant 0 : index
      %swap3A_137 = arith.constant 0 : index
      %swap3A_138 = vector.load %arg6[%swap3A_136, %swap3A_137] : memref<8x4096xf32, #tpu.memory_space<vmem>>, vector<8x4096xf32>
      tpu.vector_store %arg6[%swap3A_136, %swap3A_137], %min3A {strides = array<i32>} : memref<8x4096xf32, #tpu.memory_space<vmem>>, vector<8x4096xf32>,
      %jit3A_139 = arith.constant 128 : i32
      %eq3A_140 = arith.constant 0 : i32
      %eq3A_141 = arith.cmpi eq, %jit3A_139, %eq3A_140 : i32
      %jit3A_142 = arith.constant 1 : i32
      %select_n3A_143 = arith.select %eq3A_141, %jit3A_142, %jit3A_139 : i32
      %rem3A = arith.remsi %scan3A_91, %select_n3A_143 : i32
      %ne3A = arith.constant 0 : i32
      %ne3A_144 = arith.cmpi ne, %rem3A, %ne3A : i32
      %lt3A = arith.constant 0 : i32
      %lt3A_145 = arith.cmpi slt, %rem3A, %lt3A : i32
      %lt3A_146 = arith.constant 0 : i32
      %lt3A_147 = arith.cmpi slt, %select_n3A_143, %lt3A_146 : i32
      %ne3A_148 = arith.xori %lt3A_145, %lt3A_147 : i1
      %and3A = arith.andi %ne3A_148, %ne3A_144 : i1
      %add3A_149 = arith.addi %rem3A, %select_n3A_143 : i32
      %select_n3A_150 = arith.select %and3A, %add3A_149, %rem3A : i32
      %eq3A_151 = vector.broadcast %select_n3A_150 : i32 to vector<8x128xi32>
      %eq3A_152 = arith.cmpi eq, %iota3A_20, %eq3A_151 : vector<8x128xi32>
      %broadcast_in_dim3A_153 = vector.shape_cast %broadcast_in_dim3A_112 : vector<8x1xf32> to vector<8x1xf32>
      %broadcast_in_dim3A_154 = vector.broadcast %broadcast_in_dim3A_153 : vector<8x1xf32> to vector<8x128xf32>
      %select_n3A_155 = arith.select %eq3A_152, %broadcast_in_dim3A_154, %scan3A_92 : vector<8x128xi1>, vector<8x128xf32>
      %broadcast_in_dim3A_156 = vector.shape_cast %broadcast_in_dim3A_118 : vector<8x1xf32> to vector<8x1xf32>
      %broadcast_in_dim3A_157 = vector.broadcast %broadcast_in_dim3A_156 : vector<8x1xf32> to vector<8x128xf32>
      %select_n3A_158 = arith.select %eq3A_152, %broadcast_in_dim3A_157, %scan3A_93 : vector<8x128xi1>, vector<8x128xf32>
      %broadcast_in_dim3A_159 = vector.shape_cast %broadcast_in_dim3A_124 : vector<8x1xf32> to vector<8x1xf32>
      %broadcast_in_dim3A_160 = vector.broadcast %broadcast_in_dim3A_159 : vector<8x1xf32> to vector<8x128xf32>
      %select_n3A_161 = arith.select %eq3A_152, %broadcast_in_dim3A_160, %scan3A_94 : vector<8x128xi1>, vector<8x128xf32>
      scf.yield %select_n3A_155, %select_n3A_158, %select_n3A_161 : vector<8x128xf32>, vector<8x128xf32>, vector<8x128xf32>
    }
    %scan3A_51 = arith.constant 128 : i32
    %swap3A_52 = arith.constant 0 : index
    %swap3A_53 = arith.constant 128 : index
    %swap3A_54 = vector.load %arg3[%swap3A_52, %swap3A_53] : memref<8x512xf32, #tpu.memory_space<vmem>>, vector<8x128xf32>
    tpu.vector_store %arg3[%swap3A_52, %swap3A_53], %scan3A_50#0 {strides = array<i32>} : memref<8x512xf32, #tpu.memory_space<vmem>>, vector<8x128xf32>,
    %swap3A_55 = arith.constant 0 : index
    %swap3A_56 = arith.constant 128 : index
    %swap3A_57 = vector.load %arg4[%swap3A_55, %swap3A_56] : memref<8x512xf32, #tpu.memory_space<vmem>>, vector<8x128xf32>
    tpu.vector_store %arg4[%swap3A_55, %swap3A_56], %scan3A_50#1 {strides = array<i32>} : memref<8x512xf32, #tpu.memory_space<vmem>>, vector<8x128xf32>,
    %swap3A_58 = arith.constant 0 : index
    %swap3A_59 = arith.constant 128 : index
    %swap3A_60 = vector.load %arg5[%swap3A_58, %swap3A_59] : memref<8x512xf32, #tpu.memory_space<vmem>>, vector<8x128xf32>
    tpu.vector_store %arg5[%swap3A_58, %swap3A_59], %scan3A_50#2 {strides = array<i32>} : memref<8x512xf32, #tpu.memory_space<vmem>>, vector<8x128xf32>,
    %scan3A_61 = arith.constant 256 : i32
    %scan3A_62 = arith.constant 128 : i32
    %scan3A_63 = arith.addi %scan3A_61, %scan3A_62 : i32
    %scan3A_64 = arith.constant 1 : i32
    %scan3A_65:3 = scf.for %scan3A_91 = %scan3A_61 to %scan3A_63 step %scan3A_64 iter_args(%scan3A_92 = %broadcast_in_dim3A_21, %scan3A_93 = %broadcast_in_dim3A_21, %scan3A_94 = %broadcast_in_dim3A_21) -> (vector<8x128xf32>, vector<8x128xf32>, vector<8x128xf32>)  : i32 {
      %get3A_95 = arith.constant 0 : index
      %get3A_96 = arith.constant 0 : index
      %get3A_97 = vector.load %arg6[%get3A_95, %get3A_96] : memref<8x4096xf32, #tpu.memory_space<vmem>>, vector<8x4096xf32>
      %reduce_max3A = arith.constant dense<0xFF800000> : vector<8xf32>
      %reduce_max3A_98 = vector.multi_reduction <maximumf>, %get3A_97, %reduce_max3A [1] : vector<8x4096xf32> to vector<8xf32>
      %broadcast_in_dim3A_99 = vector.shape_cast %reduce_max3A_98 : vector<8xf32> to vector<8x1xf32>
      %eq3A_100 = vector.broadcast %broadcast_in_dim3A_99 : vector<8x1xf32> to vector<8x4096xf32>
      %eq3A_101 = arith.cmpf oeq, %get3A_97, %eq3A_100 : vector<8x4096xf32>
      %jit3A = arith.constant 4096 : i32
      %broadcast_in_dim3A_102 = vector.broadcast %jit3A : i32 to vector<8x4096xi32>
      %select_n3A_103 = arith.select %eq3A_101, %iota3A, %broadcast_in_dim3A_102 : vector<8x4096xi1>, vector<8x4096xi32>
      %reduce_min3A = arith.constant dense<2147483647> : vector<8xi32>
      %reduce_min3A_104 = vector.multi_reduction <minsi>, %select_n3A_103, %reduce_min3A [1] : vector<8x4096xi32> to vector<8xi32>
      %broadcast_in_dim3A_105 = vector.shape_cast %reduce_min3A_104 : vector<8xi32> to vector<8x1xi32>
      %eq3A_106 = vector.broadcast %broadcast_in_dim3A_105 : vector<8x1xi32> to vector<8x4096xi32>
      %eq3A_107 = arith.cmpi eq, %iota3A, %eq3A_106 : vector<8x4096xi32>
      %jit3A_108 = arith.constant 0.000000e+00 : f32
      %broadcast_in_dim3A_109 = vector.broadcast %jit3A_108 : f32 to vector<8x4096xf32>
      %select_n3A_110 = arith.select %eq3A_107, %get3A_1, %broadcast_in_dim3A_109 : vector<8x4096xi1>, vector<8x4096xf32>
      %reduce_sum3A = arith.constant dense<0.000000e+00> : vector<8xf32>
      %reduce_sum3A_111 = vector.multi_reduction <add>, %select_n3A_110, %reduce_sum3A [1] : vector<8x4096xf32> to vector<8xf32>
      %broadcast_in_dim3A_112 = vector.shape_cast %reduce_sum3A_111 : vector<8xf32> to vector<8x1xf32>
      %jit3A_113 = arith.constant 0.000000e+00 : f32
      %broadcast_in_dim3A_114 = vector.broadcast %jit3A_113 : f32 to vector<8x4096xf32>
      %select_n3A_115 = arith.select %eq3A_107, %get3A_4, %broadcast_in_dim3A_114 : vector<8x4096xi1>, vector<8x4096xf32>
      %reduce_sum3A_116 = arith.constant dense<0.000000e+00> : vector<8xf32>
      %reduce_sum3A_117 = vector.multi_reduction <add>, %select_n3A_115, %reduce_sum3A_116 [1] : vector<8x4096xf32> to vector<8xf32>
      %broadcast_in_dim3A_118 = vector.shape_cast %reduce_sum3A_117 : vector<8xf32> to vector<8x1xf32>
      %jit3A_119 = arith.constant 0.000000e+00 : f32
      %broadcast_in_dim3A_120 = vector.broadcast %jit3A_119 : f32 to vector<8x4096xf32>
      %select_n3A_121 = arith.select %eq3A_107, %get3A_7, %broadcast_in_dim3A_120 : vector<8x4096xi1>, vector<8x4096xf32>
      %reduce_sum3A_122 = arith.constant dense<0.000000e+00> : vector<8xf32>
      %reduce_sum3A_123 = vector.multi_reduction <add>, %select_n3A_121, %reduce_sum3A_122 [1] : vector<8x4096xf32> to vector<8xf32>
      %broadcast_in_dim3A_124 = vector.shape_cast %reduce_sum3A_123 : vector<8xf32> to vector<8x1xf32>
      %sub3A_125 = vector.broadcast %broadcast_in_dim3A_112 : vector<8x1xf32> to vector<8x4096xf32>
      %sub3A_126 = arith.subf %get3A_1, %sub3A_125 : vector<8x4096xf32>
      %sub3A_127 = vector.broadcast %broadcast_in_dim3A_118 : vector<8x1xf32> to vector<8x4096xf32>
      %sub3A_128 = arith.subf %get3A_4, %sub3A_127 : vector<8x4096xf32>
      %sub3A_129 = vector.broadcast %broadcast_in_dim3A_124 : vector<8x1xf32> to vector<8x4096xf32>
      %sub3A_130 = arith.subf %get3A_7, %sub3A_129 : vector<8x4096xf32>
      %mul3A_131 = arith.mulf %sub3A_126, %sub3A_126 : vector<8x4096xf32>
      %mul3A_132 = arith.mulf %sub3A_128, %sub3A_128 : vector<8x4096xf32>
      %add3A_133 = arith.addf %mul3A_131, %mul3A_132 : vector<8x4096xf32>
      %mul3A_134 = arith.mulf %sub3A_130, %sub3A_130 : vector<8x4096xf32>
      %add3A_135 = arith.addf %add3A_133, %mul3A_134 : vector<8x4096xf32>
      %min3A = arith.minimumf %get3A_97, %add3A_135 : vector<8x4096xf32>
      %swap3A_136 = arith.constant 0 : index
      %swap3A_137 = arith.constant 0 : index
      %swap3A_138 = vector.load %arg6[%swap3A_136, %swap3A_137] : memref<8x4096xf32, #tpu.memory_space<vmem>>, vector<8x4096xf32>
      tpu.vector_store %arg6[%swap3A_136, %swap3A_137], %min3A {strides = array<i32>} : memref<8x4096xf32, #tpu.memory_space<vmem>>, vector<8x4096xf32>,
      %jit3A_139 = arith.constant 128 : i32
      %eq3A_140 = arith.constant 0 : i32
      %eq3A_141 = arith.cmpi eq, %jit3A_139, %eq3A_140 : i32
      %jit3A_142 = arith.constant 1 : i32
      %select_n3A_143 = arith.select %eq3A_141, %jit3A_142, %jit3A_139 : i32
      %rem3A = arith.remsi %scan3A_91, %select_n3A_143 : i32
      %ne3A = arith.constant 0 : i32
      %ne3A_144 = arith.cmpi ne, %rem3A, %ne3A : i32
      %lt3A = arith.constant 0 : i32
      %lt3A_145 = arith.cmpi slt, %rem3A, %lt3A : i32
      %lt3A_146 = arith.constant 0 : i32
      %lt3A_147 = arith.cmpi slt, %select_n3A_143, %lt3A_146 : i32
      %ne3A_148 = arith.xori %lt3A_145, %lt3A_147 : i1
      %and3A = arith.andi %ne3A_148, %ne3A_144 : i1
      %add3A_149 = arith.addi %rem3A, %select_n3A_143 : i32
      %select_n3A_150 = arith.select %and3A, %add3A_149, %rem3A : i32
      %eq3A_151 = vector.broadcast %select_n3A_150 : i32 to vector<8x128xi32>
      %eq3A_152 = arith.cmpi eq, %iota3A_20, %eq3A_151 : vector<8x128xi32>
      %broadcast_in_dim3A_153 = vector.shape_cast %broadcast_in_dim3A_112 : vector<8x1xf32> to vector<8x1xf32>
      %broadcast_in_dim3A_154 = vector.broadcast %broadcast_in_dim3A_153 : vector<8x1xf32> to vector<8x128xf32>
      %select_n3A_155 = arith.select %eq3A_152, %broadcast_in_dim3A_154, %scan3A_92 : vector<8x128xi1>, vector<8x128xf32>
      %broadcast_in_dim3A_156 = vector.shape_cast %broadcast_in_dim3A_118 : vector<8x1xf32> to vector<8x1xf32>
      %broadcast_in_dim3A_157 = vector.broadcast %broadcast_in_dim3A_156 : vector<8x1xf32> to vector<8x128xf32>
      %select_n3A_158 = arith.select %eq3A_152, %broadcast_in_dim3A_157, %scan3A_93 : vector<8x128xi1>, vector<8x128xf32>
      %broadcast_in_dim3A_159 = vector.shape_cast %broadcast_in_dim3A_124 : vector<8x1xf32> to vector<8x1xf32>
      %broadcast_in_dim3A_160 = vector.broadcast %broadcast_in_dim3A_159 : vector<8x1xf32> to vector<8x128xf32>
      %select_n3A_161 = arith.select %eq3A_152, %broadcast_in_dim3A_160, %scan3A_94 : vector<8x128xi1>, vector<8x128xf32>
      scf.yield %select_n3A_155, %select_n3A_158, %select_n3A_161 : vector<8x128xf32>, vector<8x128xf32>, vector<8x128xf32>
    }
    %scan3A_66 = arith.constant 128 : i32
    %swap3A_67 = arith.constant 0 : index
    %swap3A_68 = arith.constant 256 : index
    %swap3A_69 = vector.load %arg3[%swap3A_67, %swap3A_68] : memref<8x512xf32, #tpu.memory_space<vmem>>, vector<8x128xf32>
    tpu.vector_store %arg3[%swap3A_67, %swap3A_68], %scan3A_65#0 {strides = array<i32>} : memref<8x512xf32, #tpu.memory_space<vmem>>, vector<8x128xf32>,
    %swap3A_70 = arith.constant 0 : index
    %swap3A_71 = arith.constant 256 : index
    %swap3A_72 = vector.load %arg4[%swap3A_70, %swap3A_71] : memref<8x512xf32, #tpu.memory_space<vmem>>, vector<8x128xf32>
    tpu.vector_store %arg4[%swap3A_70, %swap3A_71], %scan3A_65#1 {strides = array<i32>} : memref<8x512xf32, #tpu.memory_space<vmem>>, vector<8x128xf32>,
    %swap3A_73 = arith.constant 0 : index
    %swap3A_74 = arith.constant 256 : index
    %swap3A_75 = vector.load %arg5[%swap3A_73, %swap3A_74] : memref<8x512xf32, #tpu.memory_space<vmem>>, vector<8x128xf32>
    tpu.vector_store %arg5[%swap3A_73, %swap3A_74], %scan3A_65#2 {strides = array<i32>} : memref<8x512xf32, #tpu.memory_space<vmem>>, vector<8x128xf32>,
    %scan3A_76 = arith.constant 384 : i32
    %scan3A_77 = arith.constant 128 : i32
    %scan3A_78 = arith.addi %scan3A_76, %scan3A_77 : i32
    %scan3A_79 = arith.constant 1 : i32
    %scan3A_80:3 = scf.for %scan3A_91 = %scan3A_76 to %scan3A_78 step %scan3A_79 iter_args(%scan3A_92 = %broadcast_in_dim3A_21, %scan3A_93 = %broadcast_in_dim3A_21, %scan3A_94 = %broadcast_in_dim3A_21) -> (vector<8x128xf32>, vector<8x128xf32>, vector<8x128xf32>)  : i32 {
      %get3A_95 = arith.constant 0 : index
      %get3A_96 = arith.constant 0 : index
      %get3A_97 = vector.load %arg6[%get3A_95, %get3A_96] : memref<8x4096xf32, #tpu.memory_space<vmem>>, vector<8x4096xf32>
      %reduce_max3A = arith.constant dense<0xFF800000> : vector<8xf32>
      %reduce_max3A_98 = vector.multi_reduction <maximumf>, %get3A_97, %reduce_max3A [1] : vector<8x4096xf32> to vector<8xf32>
      %broadcast_in_dim3A_99 = vector.shape_cast %reduce_max3A_98 : vector<8xf32> to vector<8x1xf32>
      %eq3A_100 = vector.broadcast %broadcast_in_dim3A_99 : vector<8x1xf32> to vector<8x4096xf32>
      %eq3A_101 = arith.cmpf oeq, %get3A_97, %eq3A_100 : vector<8x4096xf32>
      %jit3A = arith.constant 4096 : i32
      %broadcast_in_dim3A_102 = vector.broadcast %jit3A : i32 to vector<8x4096xi32>
      %select_n3A_103 = arith.select %eq3A_101, %iota3A, %broadcast_in_dim3A_102 : vector<8x4096xi1>, vector<8x4096xi32>
      %reduce_min3A = arith.constant dense<2147483647> : vector<8xi32>
      %reduce_min3A_104 = vector.multi_reduction <minsi>, %select_n3A_103, %reduce_min3A [1] : vector<8x4096xi32> to vector<8xi32>
      %broadcast_in_dim3A_105 = vector.shape_cast %reduce_min3A_104 : vector<8xi32> to vector<8x1xi32>
      %eq3A_106 = vector.broadcast %broadcast_in_dim3A_105 : vector<8x1xi32> to vector<8x4096xi32>
      %eq3A_107 = arith.cmpi eq, %iota3A, %eq3A_106 : vector<8x4096xi32>
      %jit3A_108 = arith.constant 0.000000e+00 : f32
      %broadcast_in_dim3A_109 = vector.broadcast %jit3A_108 : f32 to vector<8x4096xf32>
      %select_n3A_110 = arith.select %eq3A_107, %get3A_1, %broadcast_in_dim3A_109 : vector<8x4096xi1>, vector<8x4096xf32>
      %reduce_sum3A = arith.constant dense<0.000000e+00> : vector<8xf32>
      %reduce_sum3A_111 = vector.multi_reduction <add>, %select_n3A_110, %reduce_sum3A [1] : vector<8x4096xf32> to vector<8xf32>
      %broadcast_in_dim3A_112 = vector.shape_cast %reduce_sum3A_111 : vector<8xf32> to vector<8x1xf32>
      %jit3A_113 = arith.constant 0.000000e+00 : f32
      %broadcast_in_dim3A_114 = vector.broadcast %jit3A_113 : f32 to vector<8x4096xf32>
      %select_n3A_115 = arith.select %eq3A_107, %get3A_4, %broadcast_in_dim3A_114 : vector<8x4096xi1>, vector<8x4096xf32>
      %reduce_sum3A_116 = arith.constant dense<0.000000e+00> : vector<8xf32>
      %reduce_sum3A_117 = vector.multi_reduction <add>, %select_n3A_115, %reduce_sum3A_116 [1] : vector<8x4096xf32> to vector<8xf32>
      %broadcast_in_dim3A_118 = vector.shape_cast %reduce_sum3A_117 : vector<8xf32> to vector<8x1xf32>
      %jit3A_119 = arith.constant 0.000000e+00 : f32
      %broadcast_in_dim3A_120 = vector.broadcast %jit3A_119 : f32 to vector<8x4096xf32>
      %select_n3A_121 = arith.select %eq3A_107, %get3A_7, %broadcast_in_dim3A_120 : vector<8x4096xi1>, vector<8x4096xf32>
      %reduce_sum3A_122 = arith.constant dense<0.000000e+00> : vector<8xf32>
      %reduce_sum3A_123 = vector.multi_reduction <add>, %select_n3A_121, %reduce_sum3A_122 [1] : vector<8x4096xf32> to vector<8xf32>
      %broadcast_in_dim3A_124 = vector.shape_cast %reduce_sum3A_123 : vector<8xf32> to vector<8x1xf32>
      %sub3A_125 = vector.broadcast %broadcast_in_dim3A_112 : vector<8x1xf32> to vector<8x4096xf32>
      %sub3A_126 = arith.subf %get3A_1, %sub3A_125 : vector<8x4096xf32>
      %sub3A_127 = vector.broadcast %broadcast_in_dim3A_118 : vector<8x1xf32> to vector<8x4096xf32>
      %sub3A_128 = arith.subf %get3A_4, %sub3A_127 : vector<8x4096xf32>
      %sub3A_129 = vector.broadcast %broadcast_in_dim3A_124 : vector<8x1xf32> to vector<8x4096xf32>
      %sub3A_130 = arith.subf %get3A_7, %sub3A_129 : vector<8x4096xf32>
      %mul3A_131 = arith.mulf %sub3A_126, %sub3A_126 : vector<8x4096xf32>
      %mul3A_132 = arith.mulf %sub3A_128, %sub3A_128 : vector<8x4096xf32>
      %add3A_133 = arith.addf %mul3A_131, %mul3A_132 : vector<8x4096xf32>
      %mul3A_134 = arith.mulf %sub3A_130, %sub3A_130 : vector<8x4096xf32>
      %add3A_135 = arith.addf %add3A_133, %mul3A_134 : vector<8x4096xf32>
      %min3A = arith.minimumf %get3A_97, %add3A_135 : vector<8x4096xf32>
      %swap3A_136 = arith.constant 0 : index
      %swap3A_137 = arith.constant 0 : index
      %swap3A_138 = vector.load %arg6[%swap3A_136, %swap3A_137] : memref<8x4096xf32, #tpu.memory_space<vmem>>, vector<8x4096xf32>
      tpu.vector_store %arg6[%swap3A_136, %swap3A_137], %min3A {strides = array<i32>} : memref<8x4096xf32, #tpu.memory_space<vmem>>, vector<8x4096xf32>,
      %jit3A_139 = arith.constant 128 : i32
      %eq3A_140 = arith.constant 0 : i32
      %eq3A_141 = arith.cmpi eq, %jit3A_139, %eq3A_140 : i32
      %jit3A_142 = arith.constant 1 : i32
      %select_n3A_143 = arith.select %eq3A_141, %jit3A_142, %jit3A_139 : i32
      %rem3A = arith.remsi %scan3A_91, %select_n3A_143 : i32
      %ne3A = arith.constant 0 : i32
      %ne3A_144 = arith.cmpi ne, %rem3A, %ne3A : i32
      %lt3A = arith.constant 0 : i32
      %lt3A_145 = arith.cmpi slt, %rem3A, %lt3A : i32
      %lt3A_146 = arith.constant 0 : i32
      %lt3A_147 = arith.cmpi slt, %select_n3A_143, %lt3A_146 : i32
      %ne3A_148 = arith.xori %lt3A_145, %lt3A_147 : i1
      %and3A = arith.andi %ne3A_148, %ne3A_144 : i1
      %add3A_149 = arith.addi %rem3A, %select_n3A_143 : i32
      %select_n3A_150 = arith.select %and3A, %add3A_149, %rem3A : i32
      %eq3A_151 = vector.broadcast %select_n3A_150 : i32 to vector<8x128xi32>
      %eq3A_152 = arith.cmpi eq, %iota3A_20, %eq3A_151 : vector<8x128xi32>
      %broadcast_in_dim3A_153 = vector.shape_cast %broadcast_in_dim3A_112 : vector<8x1xf32> to vector<8x1xf32>
      %broadcast_in_dim3A_154 = vector.broadcast %broadcast_in_dim3A_153 : vector<8x1xf32> to vector<8x128xf32>
      %select_n3A_155 = arith.select %eq3A_152, %broadcast_in_dim3A_154, %scan3A_92 : vector<8x128xi1>, vector<8x128xf32>
      %broadcast_in_dim3A_156 = vector.shape_cast %broadcast_in_dim3A_118 : vector<8x1xf32> to vector<8x1xf32>
      %broadcast_in_dim3A_157 = vector.broadcast %broadcast_in_dim3A_156 : vector<8x1xf32> to vector<8x128xf32>
      %select_n3A_158 = arith.select %eq3A_152, %broadcast_in_dim3A_157, %scan3A_93 : vector<8x128xi1>, vector<8x128xf32>
      %broadcast_in_dim3A_159 = vector.shape_cast %broadcast_in_dim3A_124 : vector<8x1xf32> to vector<8x1xf32>
      %broadcast_in_dim3A_160 = vector.broadcast %broadcast_in_dim3A_159 : vector<8x1xf32> to vector<8x128xf32>
      %select_n3A_161 = arith.select %eq3A_152, %broadcast_in_dim3A_160, %scan3A_94 : vector<8x128xi1>, vector<8x128xf32>
      scf.yield %select_n3A_155, %select_n3A_158, %select_n3A_161 : vector<8x128xf32>, vector<8x128xf32>, vector<8x128xf32>
    }
    %scan3A_81 = arith.constant 128 : i32
    %swap3A_82 = arith.constant 0 : index
    %swap3A_83 = arith.constant 384 : index
    %swap3A_84 = vector.load %arg3[%swap3A_82, %swap3A_83] : memref<8x512xf32, #tpu.memory_space<vmem>>, vector<8x128xf32>
    tpu.vector_store %arg3[%swap3A_82, %swap3A_83], %scan3A_80#0 {strides = array<i32>} : memref<8x512xf32, #tpu.memory_space<vmem>>, vector<8x128xf32>,
    %swap3A_85 = arith.constant 0 : index
    %swap3A_86 = arith.constant 384 : index
    %swap3A_87 = vector.load %arg4[%swap3A_85, %swap3A_86] : memref<8x512xf32, #tpu.memory_space<vmem>>, vector<8x128xf32>
    tpu.vector_store %arg4[%swap3A_85, %swap3A_86], %scan3A_80#1 {strides = array<i32>} : memref<8x512xf32, #tpu.memory_space<vmem>>, vector<8x128xf32>,
    %swap3A_88 = arith.constant 0 : index
    %swap3A_89 = arith.constant 384 : index
    %swap3A_90 = vector.load %arg5[%swap3A_88, %swap3A_89] : memref<8x512xf32, #tpu.memory_space<vmem>>, vector<8x128xf32>
    tpu.vector_store %arg5[%swap3A_88, %swap3A_89], %scan3A_80#2 {strides = array<i32>} : memref<8x512xf32, #tpu.memory_space<vmem>>, vector<8x128xf32>,
    return
  }
}

module attributes {stable_mosaic.version = 14 : i64} {
  func.func @_mlp_body(%arg0: i32, %arg1: memref<4096x128xf32, #tpu.memory_space<vmem>>, %arg2: memref<128x8xf32, #tpu.memory_space<vmem>>, %arg3: memref<128x256xf32, #tpu.memory_space<vmem>>, %arg4: memref<8x256xf32, #tpu.memory_space<vmem>>, %arg5: memref<1x256xf32, #tpu.memory_space<vmem>>, %arg6: memref<256x256xf32, #tpu.memory_space<vmem>>, %arg7: memref<1x256xf32, #tpu.memory_space<vmem>>, %arg8: memref<256x256xf32, #tpu.memory_space<vmem>>, %arg9: memref<8x256xf32, #tpu.memory_space<vmem>>, %arg10: memref<1x256xf32, #tpu.memory_space<vmem>>, %arg11: memref<256x256xf32, #tpu.memory_space<vmem>>, %arg12: memref<1x256xf32, #tpu.memory_space<vmem>>, %arg13: memref<128x256xf32, #tpu.memory_space<vmem>>) attributes {dimension_semantics = [#tpu.dimension_semantics<arbitrary>], iteration_bounds = array<i64: 32>, scalar_prefetch = 0 : i64, scratch_operands = 0 : i64, tpu.core_type = #tpu.core_type<tc>, window_params = [{transform_indices = @transform_0, window_bounds = array<i64: 4096, 128>}, {transform_indices = @transform_1, window_bounds = array<i64: 128, 8>}, {pipeline_mode = #tpu.pipeline_mode<synchronous>, transform_indices = @transform_2, window_bounds = array<i64: 128, 256>}, {pipeline_mode = #tpu.pipeline_mode<synchronous>, transform_indices = @transform_3, window_bounds = array<i64: 8, 256>}, {pipeline_mode = #tpu.pipeline_mode<synchronous>, transform_indices = @transform_4, window_bounds = array<i64: 1, 256>}, {pipeline_mode = #tpu.pipeline_mode<synchronous>, transform_indices = @transform_5, window_bounds = array<i64: 256, 256>}, {pipeline_mode = #tpu.pipeline_mode<synchronous>, transform_indices = @transform_6, window_bounds = array<i64: 1, 256>}, {pipeline_mode = #tpu.pipeline_mode<synchronous>, transform_indices = @transform_7, window_bounds = array<i64: 256, 256>}, {pipeline_mode = #tpu.pipeline_mode<synchronous>, transform_indices = @transform_8, window_bounds = array<i64: 8, 256>}, {pipeline_mode = #tpu.pipeline_mode<synchronous>, transform_indices = @transform_9, window_bounds = array<i64: 1, 256>}, {pipeline_mode = #tpu.pipeline_mode<synchronous>, transform_indices = @transform_10, window_bounds = array<i64: 256, 256>}, {pipeline_mode = #tpu.pipeline_mode<synchronous>, transform_indices = @transform_11, window_bounds = array<i64: 1, 256>}, {transform_indices = @transform_12, window_bounds = array<i64: 128, 256>}]} {
    %get3A = arith.constant 0 : index
    %get3A_0 = arith.constant 0 : index
    %get3A_1 = vector.load %arg1[%get3A, %get3A_0] : memref<4096x128xf32, #tpu.memory_space<vmem>>, vector<4096x128xf32>
    %get3A_2 = arith.constant 0 : index
    %get3A_3 = arith.constant 0 : index
    %get3A_4 = vector.load %arg2[%get3A_2, %get3A_3] : memref<128x8xf32, #tpu.memory_space<vmem>>, vector<128x8xf32>
    %get3A_5 = arith.constant 0 : index
    %get3A_6 = arith.constant 0 : index
    %get3A_7 = vector.load %arg4[%get3A_5, %get3A_6] : memref<8x256xf32, #tpu.memory_space<vmem>>, vector<8x256xf32>
    %dot_general3A = arith.constant dense<0.000000e+00> : vector<128x256xf32>
    %dot_general3A_8 = tpu.matmul %get3A_4, %get3A_7, %dot_general3A {dimension_numbers = #tpu.dot_dimension_numbers<[1], [0], [0], [1], [0, 0, 1, 1], [], []>, transpose_lhs_hint = false} : vector<128x8xf32>, vector<8x256xf32>, vector<128x256xf32> -> vector<128x256xf32>
    %get3A_9 = arith.constant 0 : index
    %get3A_10 = arith.constant 0 : index
    %get3A_11 = vector.load %arg9[%get3A_9, %get3A_10] : memref<8x256xf32, #tpu.memory_space<vmem>>, vector<8x256xf32>
    %dot_general3A_12 = arith.constant dense<0.000000e+00> : vector<128x256xf32>
    %dot_general3A_13 = tpu.matmul %get3A_4, %get3A_11, %dot_general3A_12 {dimension_numbers = #tpu.dot_dimension_numbers<[1], [0], [0], [1], [0, 0, 1, 1], [], []>, transpose_lhs_hint = false} : vector<128x8xf32>, vector<8x256xf32>, vector<128x256xf32> -> vector<128x256xf32>
    %get3A_14 = arith.constant 0 : index
    %get3A_15 = arith.constant 0 : index
    %get3A_16 = vector.load %arg3[%get3A_14, %get3A_15] : memref<128x256xf32, #tpu.memory_space<vmem>>, vector<128x256xf32>
    %dot_general3A_17 = arith.constant dense<0.000000e+00> : vector<4096x256xf32>
    %dot_general3A_18 = tpu.matmul %get3A_1, %get3A_16, %dot_general3A_17 {dimension_numbers = #tpu.dot_dimension_numbers<[1], [0], [0], [1], [0, 0, 1, 1], [], []>, transpose_lhs_hint = false} : vector<4096x128xf32>, vector<128x256xf32>, vector<4096x256xf32> -> vector<4096x256xf32>
    %get3A_19 = arith.constant 0 : index
    %get3A_20 = arith.constant 0 : index
    %get3A_21 = vector.load %arg5[%get3A_19, %get3A_20] : memref<1x256xf32, #tpu.memory_space<vmem>>, vector<1x256xf32>
    %add3A = vector.broadcast %get3A_21 : vector<1x256xf32> to vector<4096x256xf32>
    %add3A_22 = arith.addf %dot_general3A_18, %add3A : vector<4096x256xf32>
    %broadcast_in_dim3A = vector.shape_cast %dot_general3A_8 : vector<128x256xf32> to vector<128x1x256xf32>
    %broadcast_in_dim3A_23 = vector.shape_cast %broadcast_in_dim3A : vector<128x1x256xf32> to vector<128x1x256xf32>
    %broadcast_in_dim3A_24 = vector.broadcast %broadcast_in_dim3A_23 : vector<128x1x256xf32> to vector<128x32x256xf32>
    %reshape3A = vector.shape_cast %broadcast_in_dim3A_24 : vector<128x32x256xf32> to vector<4096x256xf32>
    %sub3A = arith.subf %add3A_22, %reshape3A : vector<4096x256xf32>
    %max3A = arith.constant 0.000000e+00 : f32
    %max3A_25 = vector.broadcast %max3A : f32 to vector<4096x256xf32>
    %max3A_26 = arith.maximumf %sub3A, %max3A_25 : vector<4096x256xf32>
    %get3A_27 = arith.constant 0 : index
    %get3A_28 = arith.constant 0 : index
    %get3A_29 = vector.load %arg6[%get3A_27, %get3A_28] : memref<256x256xf32, #tpu.memory_space<vmem>>, vector<256x256xf32>
    %dot_general3A_30 = arith.constant dense<0.000000e+00> : vector<4096x256xf32>
    %dot_general3A_31 = tpu.matmul %max3A_26, %get3A_29, %dot_general3A_30 {dimension_numbers = #tpu.dot_dimension_numbers<[1], [0], [0], [1], [0, 0, 1, 1], [], []>, transpose_lhs_hint = false} : vector<4096x256xf32>, vector<256x256xf32>, vector<4096x256xf32> -> vector<4096x256xf32>
    %get3A_32 = arith.constant 0 : index
    %get3A_33 = arith.constant 0 : index
    %get3A_34 = vector.load %arg7[%get3A_32, %get3A_33] : memref<1x256xf32, #tpu.memory_space<vmem>>, vector<1x256xf32>
    %add3A_35 = vector.broadcast %get3A_34 : vector<1x256xf32> to vector<4096x256xf32>
    %add3A_36 = arith.addf %dot_general3A_31, %add3A_35 : vector<4096x256xf32>
    %max3A_37 = arith.constant 0.000000e+00 : f32
    %max3A_38 = vector.broadcast %max3A_37 : f32 to vector<4096x256xf32>
    %max3A_39 = arith.maximumf %add3A_36, %max3A_38 : vector<4096x256xf32>
    %reshape3A_40 = vector.shape_cast %max3A_39 : vector<4096x256xf32> to vector<128x32x256xf32>
    %reduce_sum3A = arith.constant dense<0.000000e+00> : vector<128x256xf32>
    %reduce_sum3A_41 = vector.multi_reduction <add>, %reshape3A_40, %reduce_sum3A [1] : vector<128x32x256xf32> to vector<128x256xf32>
    %mul3A = arith.constant 3.125000e-02 : f32
    %mul3A_42 = vector.broadcast %mul3A : f32 to vector<128x256xf32>
    %mul3A_43 = arith.mulf %reduce_sum3A_41, %mul3A_42 : vector<128x256xf32>
    %slice3A = vector.extract_strided_slice %get3A_1 {offsets = [0, 0], sizes = [4096, 8], strides = [1, 1]} : vector<4096x128xf32> to vector<4096x8xf32>
    %broadcast_in_dim3A_44 = vector.shape_cast %mul3A_43 : vector<128x256xf32> to vector<128x1x256xf32>
    %broadcast_in_dim3A_45 = vector.shape_cast %broadcast_in_dim3A_44 : vector<128x1x256xf32> to vector<128x1x256xf32>
    %broadcast_in_dim3A_46 = vector.broadcast %broadcast_in_dim3A_45 : vector<128x1x256xf32> to vector<128x32x256xf32>
    %reshape3A_47 = vector.shape_cast %broadcast_in_dim3A_46 : vector<128x32x256xf32> to vector<4096x256xf32>
    %sub3A_48 = arith.subf %max3A_39, %reshape3A_47 : vector<4096x256xf32>
    %get3A_49 = arith.constant 0 : index
    %get3A_50 = arith.constant 0 : index
    %get3A_51 = vector.load %arg8[%get3A_49, %get3A_50] : memref<256x256xf32, #tpu.memory_space<vmem>>, vector<256x256xf32>
    %dot_general3A_52 = arith.constant dense<0.000000e+00> : vector<4096x256xf32>
    %dot_general3A_53 = tpu.matmul %sub3A_48, %get3A_51, %dot_general3A_52 {dimension_numbers = #tpu.dot_dimension_numbers<[1], [0], [0], [1], [0, 0, 1, 1], [], []>, transpose_lhs_hint = false} : vector<4096x256xf32>, vector<256x256xf32>, vector<4096x256xf32> -> vector<4096x256xf32>
    %get3A_54 = arith.constant 0 : index
    %get3A_55 = arith.constant 0 : index
    %get3A_56 = vector.load %arg9[%get3A_54, %get3A_55] : memref<8x256xf32, #tpu.memory_space<vmem>>, vector<8x256xf32>
    %dot_general3A_57 = arith.constant dense<0.000000e+00> : vector<4096x256xf32>
    %dot_general3A_58 = tpu.matmul %slice3A, %get3A_56, %dot_general3A_57 {dimension_numbers = #tpu.dot_dimension_numbers<[1], [0], [0], [1], [0, 0, 1, 1], [], []>, transpose_lhs_hint = false} : vector<4096x8xf32>, vector<8x256xf32>, vector<4096x256xf32> -> vector<4096x256xf32>
    %add3A_59 = arith.addf %dot_general3A_53, %dot_general3A_58 : vector<4096x256xf32>
    %broadcast_in_dim3A_60 = vector.shape_cast %dot_general3A_13 : vector<128x256xf32> to vector<128x1x256xf32>
    %broadcast_in_dim3A_61 = vector.shape_cast %broadcast_in_dim3A_60 : vector<128x1x256xf32> to vector<128x1x256xf32>
    %broadcast_in_dim3A_62 = vector.broadcast %broadcast_in_dim3A_61 : vector<128x1x256xf32> to vector<128x32x256xf32>
    %reshape3A_63 = vector.shape_cast %broadcast_in_dim3A_62 : vector<128x32x256xf32> to vector<4096x256xf32>
    %sub3A_64 = arith.subf %add3A_59, %reshape3A_63 : vector<4096x256xf32>
    %get3A_65 = arith.constant 0 : index
    %get3A_66 = arith.constant 0 : index
    %get3A_67 = vector.load %arg10[%get3A_65, %get3A_66] : memref<1x256xf32, #tpu.memory_space<vmem>>, vector<1x256xf32>
    %add3A_68 = vector.broadcast %get3A_67 : vector<1x256xf32> to vector<4096x256xf32>
    %add3A_69 = arith.addf %sub3A_64, %add3A_68 : vector<4096x256xf32>
    %max3A_70 = arith.constant 0.000000e+00 : f32
    %max3A_71 = vector.broadcast %max3A_70 : f32 to vector<4096x256xf32>
    %max3A_72 = arith.maximumf %add3A_69, %max3A_71 : vector<4096x256xf32>
    %get3A_73 = arith.constant 0 : index
    %get3A_74 = arith.constant 0 : index
    %get3A_75 = vector.load %arg11[%get3A_73, %get3A_74] : memref<256x256xf32, #tpu.memory_space<vmem>>, vector<256x256xf32>
    %dot_general3A_76 = arith.constant dense<0.000000e+00> : vector<4096x256xf32>
    %dot_general3A_77 = tpu.matmul %max3A_72, %get3A_75, %dot_general3A_76 {dimension_numbers = #tpu.dot_dimension_numbers<[1], [0], [0], [1], [0, 0, 1, 1], [], []>, transpose_lhs_hint = false} : vector<4096x256xf32>, vector<256x256xf32>, vector<4096x256xf32> -> vector<4096x256xf32>
    %get3A_78 = arith.constant 0 : index
    %get3A_79 = arith.constant 0 : index
    %get3A_80 = vector.load %arg12[%get3A_78, %get3A_79] : memref<1x256xf32, #tpu.memory_space<vmem>>, vector<1x256xf32>
    %add3A_81 = vector.broadcast %get3A_80 : vector<1x256xf32> to vector<4096x256xf32>
    %add3A_82 = arith.addf %dot_general3A_77, %add3A_81 : vector<4096x256xf32>
    %logistic3A = arith.negf %add3A_82 : vector<4096x256xf32>
    %logistic3A_83 = math.exp %logistic3A : vector<4096x256xf32>
    %logistic3A_84 = arith.constant 1.000000e+00 : f32
    %logistic3A_85 = vector.broadcast %logistic3A_84 : f32 to vector<4096x256xf32>
    %logistic3A_86 = arith.addf %logistic3A_85, %logistic3A_83 : vector<4096x256xf32>
    %logistic3A_87 = arith.divf %logistic3A_85, %logistic3A_86 : vector<4096x256xf32>
    %mul3A_88 = arith.mulf %logistic3A_87, %max3A_39 : vector<4096x256xf32>
    %reshape3A_89 = vector.shape_cast %mul3A_88 : vector<4096x256xf32> to vector<128x32x256xf32>
    %reduce_sum3A_90 = arith.constant dense<0.000000e+00> : vector<128x256xf32>
    %reduce_sum3A_91 = vector.multi_reduction <add>, %reshape3A_89, %reduce_sum3A_90 [1] : vector<128x32x256xf32> to vector<128x256xf32>
    %swap3A = arith.constant 0 : index
    %swap3A_92 = arith.constant 0 : index
    %swap3A_93 = vector.load %arg13[%swap3A, %swap3A_92] : memref<128x256xf32, #tpu.memory_space<vmem>>, vector<128x256xf32>
    tpu.vector_store %arg13[%swap3A, %swap3A_92], %reduce_sum3A_91 {strides = array<i32>} : memref<128x256xf32, #tpu.memory_space<vmem>>, vector<128x256xf32>,
    return
  }
  func.func @transform_0(%arg0: i32) -> (i32, i32) {
    %c0_i32 = arith.constant 0 : i32
    %c0_i32_0 = arith.constant 0 : i32
    return %arg0, %c0_i32 : i32, i32
  }
  func.func @transform_1(%arg0: i32) -> (i32, i32) {
    %c0_i32 = arith.constant 0 : i32
    %c0_i32_0 = arith.constant 0 : i32
    return %arg0, %c0_i32 : i32, i32
  }
  func.func @transform_2(%arg0: i32) -> (i32, i32) {
    %c0_i32 = arith.constant 0 : i32
    %c0_i32_0 = arith.constant 0 : i32
    %c0_i32_1 = arith.constant 0 : i32
    return %c0_i32, %c0_i32_0 : i32, i32
  }
  func.func @transform_3(%arg0: i32) -> (i32, i32) {
    %c0_i32 = arith.constant 0 : i32
    %c0_i32_0 = arith.constant 0 : i32
    %c0_i32_1 = arith.constant 0 : i32
    return %c0_i32, %c0_i32_0 : i32, i32
  }
  func.func @transform_4(%arg0: i32) -> (i32, i32) {
    %c0_i32 = arith.constant 0 : i32
    %c0_i32_0 = arith.constant 0 : i32
    %c0_i32_1 = arith.constant 0 : i32
    return %c0_i32, %c0_i32_0 : i32, i32
  }
  func.func @transform_5(%arg0: i32) -> (i32, i32) {
    %c0_i32 = arith.constant 0 : i32
    %c0_i32_0 = arith.constant 0 : i32
    %c0_i32_1 = arith.constant 0 : i32
    return %c0_i32, %c0_i32_0 : i32, i32
  }
  func.func @transform_6(%arg0: i32) -> (i32, i32) {
    %c0_i32 = arith.constant 0 : i32
    %c0_i32_0 = arith.constant 0 : i32
    %c0_i32_1 = arith.constant 0 : i32
    return %c0_i32, %c0_i32_0 : i32, i32
  }
  func.func @transform_7(%arg0: i32) -> (i32, i32) {
    %c0_i32 = arith.constant 0 : i32
    %c0_i32_0 = arith.constant 0 : i32
    %c0_i32_1 = arith.constant 0 : i32
    return %c0_i32, %c0_i32_0 : i32, i32
  }
  func.func @transform_8(%arg0: i32) -> (i32, i32) {
    %c0_i32 = arith.constant 0 : i32
    %c0_i32_0 = arith.constant 0 : i32
    %c0_i32_1 = arith.constant 0 : i32
    return %c0_i32, %c0_i32_0 : i32, i32
  }
  func.func @transform_9(%arg0: i32) -> (i32, i32) {
    %c0_i32 = arith.constant 0 : i32
    %c0_i32_0 = arith.constant 0 : i32
    %c0_i32_1 = arith.constant 0 : i32
    return %c0_i32, %c0_i32_0 : i32, i32
  }
  func.func @transform_10(%arg0: i32) -> (i32, i32) {
    %c0_i32 = arith.constant 0 : i32
    %c0_i32_0 = arith.constant 0 : i32
    %c0_i32_1 = arith.constant 0 : i32
    return %c0_i32, %c0_i32_0 : i32, i32
  }
  func.func @transform_11(%arg0: i32) -> (i32, i32) {
    %c0_i32 = arith.constant 0 : i32
    %c0_i32_0 = arith.constant 0 : i32
    %c0_i32_1 = arith.constant 0 : i32
    return %c0_i32, %c0_i32_0 : i32, i32
  }
  func.func @transform_12(%arg0: i32) -> (i32, i32) {
    %c0_i32 = arith.constant 0 : i32
    %c0_i32_0 = arith.constant 0 : i32
    return %arg0, %c0_i32 : i32, i32
  }
}

</mosaic_0001>

<sc_bundles>
// kernel: kernel.6.cloned.1.call-start
scs
__scs_entry_jumppad:
0x0: {  	(pc) =	sbr.rel $0x88, $3  }
0x1: {  	(tag) =	ssettag $0x0;
	lr =	simm.s32 $0x1  }
0x2: {  	[smem:$0x3F97] =	sst lr;
	_ =	strace $0xD0000000  }
0x3: {  	_ = 	snop  }
0x4: {  	_ = 	snop  }
0x5: {  	_ = 	snop  }
0x6: {  	_ = 	snop  }
0x7: {  	_ = 	snop  }
__scs_overlays_trampoline_lowered:
0x8: {  	[smem:$0x3FA6] =	sst s0  }
0x9: {  	[smem:$0x3FA7] =	sst s1  }
0xa: {  	[smem:$0x3FA8] =	sst s2  }
0xb: {  	[smem:$0x3FA9] =	sst s3  }
0xc: {  	[smem:$0x3FAA] =	sst s4  }
0xd: {  	[smem:$0x3FAB] =	sst s5  }
0xe: {  	[smem:$0x3FAC] =	sst s6  }
0xf: {  	[smem:$0x3FAD] =	sst s7  }
0x10: {  	[smem:$0x3FAE] =	sst s8  }
0x11: {  	[smem:$0x3FAF] =	sst s9;
	s0 =	simm.s32 @!p0 $0x0  }
0x12: {  	s1 =	sld [smem:$0x3F95];
	s0 =	simm.s32 @p0 $0x1  }
0x13: {  	[smem:$0x3FB0] =	sst s0;
	s0 =	simm.s32 @!p1 $0x0  }
0x14: {  	s2 =	sld [smem:$0x3F94];
	s0 =	simm.s32 @p1 $0x1  }
0x15: {  	[smem:$0x3FB1] =	sst s0;
	s0 =	simm.s32 @!p2 $0x0  }
0x16: {  	s3 =	sld [smem:$0x3FDB];
	s0 =	simm.s32 @p2 $0x1  }
0x17: {  	s4 =	simm.s32 $0x1BF5;
	[smem:$0x3FB3] =	sst s0  }
0x18: {  	s0 =	sld [smem:$0x3F96];
	_ =	swait.ge [sflag:s4], $0x0  }
0x19: {  	s7 =	sld [smem:$0x3F97]  }
0x1a: {  	s8 =	sadd.s32 $0xFFFFE003, lr  }
0x1b: {  	s9 =	sadd.s32 $0xFFFFFEF7, lr;
	s5 =	simm.s32 $0xFFFFFFFF;
	p2 =	slt.u32 s8, $0xFFFFF086  }
0x1c: {  	p1 =	slt.u32 s9, $0xF7A;
	s5 =	simm.s32 @!p2 $0x0  }
0x1d: {  	s5 =	simm.s32 @p1 $0x1;
	p0 =	seq.s32 s7, s2  }
0x1e: {  	s7 =	smul.u32 @!p0 $0xF7A, s2;
	p2 =	seq.s32 @!p0 s5, $0x0  }
0x1f: {  	s9 =	smul.u32 $0xF7A, s1;
	s8 =	simm.s32 @!p0 $0x1BF5;
	p2 =	por !p2, p0  }
0x20: {  	[sflag:s8] =	ssyncset.s32 @!p0 $0xFFFFF086;
	s6 =	sadd.s32 @!p0 s3, s7;
	s7 =	simm.s32 @!p0 $0x108  }
0x21: {  	s3 =	sadd.s32 s3, s9;
	s6 =	sadd.s32 @!p0 $0x88, s6;
	s7 =	simm.s32 @p2 $0x1082  }
0x22: {  	[simem:s7], [sflag:s8] =	dma.local @!p0 [hbm:s6], $0xF7A  }
0x23: {  	s9 =	sor.u32 $0xD0000000, s2;
	s6 =	simm.s32 $0x108;
	_ =	swait.ge @!p0 [sflag:s8], $0x0  }
0x24: {  	s3 =	sadd.s32 $0x88, s3;
	s6 =	simm.s32 @!p1 $0x1082;
	[sflag:s4] =	ssyncset.s32 $0xFFFFF086  }
0x25: {  	[simem:s6], [sflag:s4] =	dma.local [hbm:s3], $0xF7A  }
0x26: {  	[smem:$0x3F97] =	sst s1;
	(tag) =	ssettag s2;
	_ =	strace s9  }
0x27: {  	s1 =	sld [smem:$0x3FA7]  }
0x28: {  	s2 =	sld [smem:$0x3FA8]  }
0x29: {  	s4 =	sld [smem:$0x3FAA]  }
0x2a: {  	p0 =	seq.s32 s5, $0x0;
	s5 =	sld [smem:$0x3FAB]  }
0x2b: {  	s6 =	sld [smem:$0x3FAC]  }
0x2c: {  	s7 =	sld [smem:$0x3FAD]  }
0x2d: {  	s3 =	simm.s32 $0x108;
	s8 =	sld [smem:$0x3FAE]  }
0x2e: {  	s3 =	simm.s32 @!p0 $0x1082;
	s9 =	sld [smem:$0x3FAF]  }
0x2f: {  	lr =	sadd.s32 s0, s3;
	s0 =	sld [smem:$0x3FA6]  }
0x30: {  	s3 =	sld [smem:$0x3FA9]  }
0x31: {  	[smem:$0x3FB2] =	sst s10  }
0x32: {  	s10 =	sld [smem:$0x3FB0];
	_ =	sdelay $0x3  }
0x33: {  	p0 =	seq.s32 s10, $0x1;
	s10 =	sld [smem:$0x3FB2];
	_ =	sdelay $0x3  }
0x34: {  	[smem:$0x3FB2] =	sst s10  }
0x35: {  	s10 =	sld [smem:$0x3FB1];
	_ =	sdelay $0x3  }
0x36: {  	p1 =	seq.s32 s10, $0x1;
	s10 =	sld [smem:$0x3FB2];
	_ =	sdelay $0x3  }
0x37: {  	[smem:$0x3FB2] =	sst s10  }
0x38: {  	s10 =	sld [smem:$0x3FB3]  }
0x39: {  	_ = 	snop;
	(pc) =	sbr.ind lr, $3  }
0x3a: {  	_ = 	snop  }
0x3b: {  	_ = 	snop  }
0x3c: {  	p2 =	seq.s32 s10, $0x1;
	s10 =	sld [smem:$0x3FB2]  }
0x3d: {  	_ =	shalt  }
0x3e: {  	_ =	shalt  }
0x3f: {  	_ =	shalt  }
0x40: {  	_ =	shalt  }
0x41: {  	_ =	shalt  }
0x42: {  	_ =	shalt  }
0x43: {  	_ =	shalt  }
0x44: {  	_ =	shalt  }
0x45: {  	_ =	shalt  }
0x46: {  	_ =	shalt  }
0x47: {  	_ =	shalt  }
0x48: {  	_ =	shalt  }
0x49: {  	_ =	shalt  }
0x4a: {  	_ =	shalt  }
0x4b: {  	_ =	shalt  }
0x4c: {  	_ =	shalt  }
0x4d: {  	_ =	shalt  }
0x4e: {  	_ =	shalt  }
0x4f: {  	_ =	shalt  }
0x50: {  	_ =	shalt  }
0x51: {  	_ =	shalt  }
0x52: {  	_ =	shalt  }
0x53: {  	_ =	shalt  }
0x54: {  	_ =	shalt  }
0x55: {  	_ =	shalt  }
0x56: {  	_ =	shalt  }
0x57: {  	_ =	shalt  }
0x58: {  	_ =	shalt  }
0x59: {  	_ =	shalt  }
0x5a: {  	_ =	shalt  }
0x5b: {  	_ =	shalt  }
0x5c: {  	_ =	shalt  }
0x5d: {  	_ =	shalt  }
0x5e: {  	_ =	shalt  }
0x5f: {  	_ =	shalt  }
0x60: {  	_ =	shalt  }
0x61: {  	_ =	shalt  }
0x62: {  	_ =	shalt  }
0x63: {  	_ =	shalt  }
0x64: {  	_ =	shalt  }
0x65: {  	_ =	shalt  }
0x66: {  	_ =	shalt  }
0x67: {  	_ =	shalt  }
0x68: {  	_ =	shalt  }
0x69: {  	_ =	shalt  }
0x6a: {  	_ =	shalt  }
0x6b: {  	_ =	shalt  }
0x6c: {  	_ =	shalt  }
0x6d: {  	_ =	shalt  }
0x6e: {  	_ =	shalt  }
0x6f: {  	_ =	shalt  }
0x70: {  	_ =	shalt  }
0x71: {  	_ =	shalt  }
0x72: {  	_ =	shalt  }
0x73: {  	_ =	shalt  }
0x74: {  	_ =	shalt  }
0x75: {  	_ =	shalt  }
0x76: {  	_ =	shalt  }
0x77: {  	_ =	shalt  }
0x78: {  	_ =	shalt  }
0x79: {  	_ =	shalt  }
0x7a: {  	_ =	shalt  }
0x7b: {  	_ =	shalt  }
0x7c: {  	_ =	shalt  }
0x7d: {  	_ =	shalt  }
0x7e: {  	_ =	shalt  }
0x7f: {  	_ =	shalt  }
0x80: {  	_ =	shalt  }
0x81: {  	_ =	shalt  }
0x82: {  	_ =	shalt  }
0x83: {  	_ =	shalt  }
0x84: {  	_ =	shalt  }
0x85: {  	_ =	shalt  }
0x86: {  	_ =	shalt  }
0x87: {  	_ =	shalt  }
.Lfunc_end0:
.L_simem_size_0:
called_computation_lowered:
.L_overlay_start_0:
0x88: {  	s2 =	sld [smem:$0x3FD9]  }
0x89: {  	s3 =	sld [smem:$0x3FFE];
	_ =	sdelay $0x1  }
0x8a: {  	s1 =	srdreg.scid  }
0x8b: {  	s0 =	sand.u32 $0x1, s1  }
0x8c: {  	s14 =	sshll.u32 s0, $0xA;
	s2 =	sadd.s32 s3, s2  }
0x8d: {  	s2 =	sadd.s32 s2, s14  }
0x8e: {  	[smem:$0x3FBE] =	sst s2  }
0x8f: {  	_ = 	snop  }
0x90: {  	s2 =	sld [smem:$0x3FD0];
	_ =	sdelay $0x2  }
0x91: {  	s15 =	simm.s32 $0xA;
	s4 =	simm.s32 $0x10  }
0x92: {  	[smem:s4], [sflag:s15] =	dma.local [hbm:s2], $0x1  }
0x93: {  	_ =	swait.eq [sflag:s15], $0x1  }
0x94: {  	[sflag:s15] =	ssyncset.done $0x0  }
0x95: {  	s16 =	sld [smem:$0x10];
	[sflag:s15] =	ssyncadd.s32 $0xFFFFFFFF  }
0x96: {  	s17 =	sld [smem:$0x11];
	(tm) =	ssettm $0x1  }
0x97: {  	s18 =	sld [smem:$0x3FFB];
	_ =	sdelay $0x3  }
0x98: {  	_ =	strace s18  }
0x99: {  	s4 =	sld [smem:$0x3FFC];
	_ =	sdelay $0x3  }
0x9a: {  	_ =	strace s4  }
0x9b: {  	s4 =	sld [smem:$0x3FFD];
	_ =	sdelay $0x3  }
0x9c: {  	_ =	strace s4  }
0x9d: {  	_ =	strace $0x8FFFFFFF  }
0x9e: {  	s19 =	sld [smem:$0x3FDB];
	_ =	sdelay $0x1  }
0x9f: {  	s5 =	simm.s32 $_scs_section_size  }
0xa0: {  	s6 =	simm.s32 $_size__tile_overlayer_lowered;
	s7 =	simm.s32 $_tile_overlayer_lowered  }
0xa1: {  	s22 =	simm.s32 $0x1BFF;
	s21 =	sshll.u32 s7, $0x1;
	s4 =	sadd.s32 s5, s19  }
0xa2: {  	s8 =	simm.s32 $0x0;
	s20 =	sshll.u32 s6, $0x1;
	s6 =	sadd.s32 s21, s4  }
0xa3: {  	[timem:s8], [sflag:s22] =	dma.local [hbm:s6], s20  }
0xa4: {  	_ =	swait.ge [sflag:s22], s20  }
0xa5: {  	s5 =	ssub.s32 $0x0, s20;
	[sflag:s22] =	ssyncset.done $0x0  }
0xa6: {  	[sflag:s22] =	ssyncadd.s32 s5;
	_ =	sdelay $0x1  }
0xa7: {  	s23 =	simm.s32 $0x1B8B  }
0xa8: {  	_ =	swait.ge [sflag:s23], $0x1  }
0xa9: {  	[sflag:s23] =	ssyncset.done $0x0  }
0xaa: {  	s25 =	simm.s32 $0x1B8E;
	s24 =	sld [smem:$0x3FFE];
	[sflag:s23] =	ssyncadd.s32 $0xFFFFFFFF  }
0xab: {  	s26 =	simm.s32 $execute0_lowered;
	[smem:$0x3FD2] =	sst s25  }
0xac: {  	s6 =	sshll.u32 s26, $0x1;
	_ =	strace $0x80000046;
	[dreg:$0x1] =	wrdreg $0xFFFFFFFF  }
0xad: {  	s28 =	simm.s32 $_size_execute0_lowered;
	s4 =	sadd.s32 s4, s6;
	[dreg:$0x0] =	wrdreg $0x0  }
0xae: {  	s6 =	sshll.u32 s28, $0x1;
	[dreg:$0x2] =	wrdreg s4  }
0xaf: {  	[dreg:$0x3] =	wrdreg s6  }
0xb0: {  	[dreg:$0x4] =	wrdreg $0xC0  }
0xb1: {  	_ =	task [dreg:s8], $0x5FFFF  }
0xb2: {  	[dreg:$0x1] =	wrdreg $0xFFFFFFFF  }
0xb3: {  	[dreg:$0x0] =	wrdreg $0x60  }
0xb4: {  	[dreg:$0x2] =	wrdreg s24  }
0xb5: {  	[dreg:$0x3] =	wrdreg s16  }
0xb6: {  	[dreg:$0x4] =	wrdreg s17  }
0xb7: {  	[dreg:$0x5] =	wrdreg $0x9  }
0xb8: {  	_ =	task.clear_ibuf [dreg:s8], $0x6FFFF;
	_ =	strace $0x90000046  }
0xb9: {  	s29 =	simm.s32 $0x9;
	_ =	strace $0x80000048  }
0xba: {  	_ =	swait.ge [sflag:s29], $0x1  }
0xbb: {  	[sflag:s29] =	ssyncadd.s32 $0xFFFFFFFF  }
0xbc: {  	_ =	strace $0x90000048  }
0xbd: {  	_ =	sfence  }
0xbe: {  	s30 =	sld [smem:$0x0];
	_ =	sdelay $0x2  }
0xbf: {  	s31 =	sshll.u32 s1, $0xD;
	s1 =	sshrl.u32 s1, $0x2  }
0xc0: {  	s3 =	sand.u32 $0x4000, s31;
	s1 =	sadd.s32 s1, s30  }
0xc1: {  	s0 =	sor.u32 s3, s0;
	s1 =	sshll.u32 s1, $0x11  }
0xc2: {  	s0 =	sor.u32 s1, s0  }
0xc3: {  	s0 =	sadd.s32 $0x8F2B, s0  }
0xc4: {  	[sflag:s0] =	ssyncadd.remote.s32 $0x1  }
0xc5: {  	_ =	sfence.sel $0xFFFF  }
0xc6: {  	[dreg:$0x0] =	wrdreg $0xFFFFFFFF;
	(pc) =	sbr.abs _section_cstart, $3  }
0xc7: {  	[dreg:$0x1] =	wrdreg $0xFFFFFFFF  }
0xc8: {  	_ =	task.clear_ibuf [dreg:s8], $0x2FFFF;
	_ =	strace $0x9FFFFFFF  }
0xc9: {  	(tm) =	ssettm $0x7FFFFFFF  }
tec
execute0_lowered:
.L_overlay_start_1:
0x0: {  	(tag) =	ssettag $0x1  }
0x1: {  	s0 =	rddreg [dreg:$0x0]  }
0x2: {  	s1 =	rddreg [dreg:$0x1];
	s4 =	stileid.u32  }
0x3: {  	s2 =	srdreg.scid;
	s9 =	rddreg [dreg:$0x2]  }
0x4: {  	s12 =	simm.s32 $0x400;
	s13 =	simm.s32 $0x1;
	s18 =	simm.s32 $0x3100  }
0x5: {  	s19 =	simm.s32 $0x3180;
	s20 =	simm.s32 $0x7200;
	s21 =	simm.s32 $0xB280  }
0x6: {  	s22 =	simm.s32 $0xB880;
	s23 =	simm.s32 $0x0;
	s3 =	sand.u32 $0x1, s2  }
0x7: {  	s28 =	sshll.u32 s4, $0x1;
	s2 =	simm.s32 $0x0;
	s4 =	sshrl.u32 s4, $0x1  }
0x8: {  	s10 =	sor.u32 s3, s28;
	[smem:$0x7FF] =	sst s2;
	s6 =	sshll.u32 s4, $0x4  }
0x9: {  	v1 =	vlaneseq.u32;
	v3 =	vimm.s32 $0x0;
	s3 =	ssub.s32 $0x2, s3;
	s7 =	sshll.u32 s4, $0xC;
	s5 =	sshll.u32 s10, $0x7  }
0xa: {  	v4 =	vimm.s32 $0x1;
	v5 =	vimm.s32 $0x2;
	v6 =	vimm.s32 $0x3;
	_ =	strace $0x80000047;
	s29 =	sadd.s32 s6, s0;
	s30 =	sshrl.u32 s3, $0x1  }
.Ltmp0:
0xb: {  	v7 =	vimm.s32 $0x4;
	v8 =	vimm.s32 $0x5;
	v9 =	vimm.s32 $0x6;
	s31 =	sshll.u32 s10, $0x9;
	s5 =	sand.u32 $0x180, s5;
	(pc) =	sbr.rel .LBB2_1-.Ltmp0, $4  }
0xc: {  	v10 =	vimm.s32 $0x7;
	v11 =	vimm.s32 $0x8;
	v12 =	vimm.s32 $0x9;
	s11 =	ssub.s32 s3, s30;
	s3 =	sadd.s32 $0x3200, s29;
	s4 =	sadd.s32 $0x5200, s29  }
0xd: {  	v13 =	vimm.s32 $0xA;
	v14 =	vimm.s32 $0xB;
	v15 =	vimm.s32 $0xC;
	s9 =	sadd.s32 s9, s31;
	s8 =	sor.u32 s6, s5;
	s5 =	sadd.s32 $0x4200, s29  }
0xe: {  	v16 =	vimm.s32 $0xD;
	v17 =	vimm.s32 $0xE;
	v18 =	vimm.s32 $0xF;
	s10 =	smax.u32 s11, $0x1;
	s11 =	simm.s32 $0x80;
	s0 =	sadd.s32 s8, s0  }
0xf: {  	v19 =	vimm.f32 $3.000000010e+38;
	v2 =	vmul.u32 $0x400, v1;
	v0 =	vmov s7;
	s8 =	sadd.s32 s1, s8;
	s6 =	sadd.s32 $0x6200, s0;
	s7 =	sadd.s32 $0x6400, s0  }
.LBB2_17:
0x10: {  	s23 =	sadd.s32 $0x1, s23  }
0x11: {  	p0 =	sne.s32 s23, s10  }
.Ltmp1:
0x12: {  	_ = 	snop;
	(pc) =	sbr.rel @!p0 .LBB2_18-.Ltmp1, $4  }
0x13: {  	[hbm4b:s9+s2] =	stream.linear.scatter [tilespmem:s22], [sflag:$0x1], $0x1000, $0x38;
	[tilespmem:$0xC880] =	vst v63  }
0x14: {  	_ =	swait.ge [sflag:s13], $0x1000  }
0x15: {  	[sflag:s13] =	ssyncset.done $0x0  }
0x16: {  	[sflag:s13] =	ssyncadd.s32 $0xFFFFF000  }
.LBB2_1:
0x17: {  	[tilespmem:s2], [sflag:$0x1] =	stream.strided.gather [hbm4b:s3+s11], $0x1000, s12, s11, $0x38;
	[tilespmem:$0xC880] =	vst v63  }
0x18: {  	_ =	swait.ge [sflag:s13], $0x1000  }
0x19: {  	[sflag:s13] =	ssyncset.done $0x0  }
0x1a: {  	s0 =	simm.s32 $0x1000;
	[sflag:s13] =	ssyncadd.s32 $0xFFFFF000  }
0x1b: {  	[tilespmem:s0], [sflag:$0x1] =	stream.strided.gather [hbm4b:s4+s11], $0x1000, s12, s11, $0x38;
	[tilespmem:$0xC880] =	vst v63  }
0x1c: {  	_ =	swait.ge [sflag:s13], $0x1000  }
0x1d: {  	[sflag:s13] =	ssyncset.done $0x0  }
0x1e: {  	s29 =	simm.s32 $0x2000;
	[sflag:s13] =	ssyncadd.s32 $0xFFFFF000  }
0x1f: {  	[tilespmem:s29], [sflag:$0x1] =	stream.strided.gather [hbm4b:s5+s11], $0x1000, s12, s11, $0x38;
	[tilespmem:$0xC880] =	vst v63  }
0x20: {  	_ =	swait.ge [sflag:s13], $0x1000  }
0x21: {  	[sflag:s13] =	ssyncset.done $0x0  }
0x22: {  	s30 =	simm.s32 $0x3000;
	[sflag:s13] =	ssyncadd.s32 $0xFFFFF000  }
0x23: {  	[tilespmem:s30], [sflag:$0x1] =	stream.linear.gather [hbm4b:s6+s2], $0x80, $0x38;
	[tilespmem:$0xC880] =	vst v63  }
0x24: {  	_ =	swait.ge [sflag:s13], $0x80  }
0x25: {  	[sflag:s13] =	ssyncset.done $0x0  }
0x26: {  	s31 =	simm.s32 $0x3080;
	[sflag:s13] =	ssyncadd.s32 $0xFFFFFF80  }
0x27: {  	[tilespmem:s31], [sflag:$0x1] =	stream.linear.gather [hbm4b:s7+s2], $0x80, $0x38;
	[tilespmem:$0xC880] =	vst v63  }
0x28: {  	_ =	swait.ge [sflag:s13], $0x80  }
0x29: {  	[sflag:s13] =	ssyncset.done $0x0  }
.Ltmp2:
0x2a: {  	[sflag:s13] =	ssyncadd.s32 $0xFFFFFF80;
	(pc) =	sbr.rel .LBB2_2-.Ltmp2, $4  }
0x2b: {  	[tilespmem:s18], [sflag:$0x1] =	stream.linear.gather [hbm4b:s8+s2], $0x80, $0x38;
	[tilespmem:$0xC880] =	vst v63  }
0x2c: {  	_ =	swait.ge [sflag:s13], $0x80  }
0x2d: {  	[sflag:s13] =	ssyncset.done $0x0  }
0x2e: {  	s24 =	simm.s32 $0x0;
	[sflag:s13] =	ssyncadd.s32 $0xFFFFFF80  }
.LBB2_16:
0x2f: {  	s24 =	sadd.s32 $0x1, s24  }
0x30: {  	p0 =	sne.s32 s24, $0x8  }
.Ltmp3:
0x31: {  	_ = 	snop;
	(pc) =	sbr.rel @!p0 .LBB2_17-.Ltmp3, $1  }
0x32: {  	_ =	sdelay $0x3  }
.LBB2_2:
0x33: {  	s25 =	sshll.u32 s24, $0x4  }
0x34: {  	s26 =	simm.s32 $0xF;
	s28 =	simm.s32 $0x0;
	v20 =	vld [tilespmem:s25+$0x3000]  }
0x35: {  	s29 =	simm.s32 $0x1000;
	s30 =	simm.s32 $0x2000;
	s31 =	simm.s32 $0x2000;
	v21 =	vld [tilespmem:s25+$0x3080]  }
0x36: {  	v24 =	vimm.s32 $0x0;
	s1 =	simm.s32 $0x1000;
	s0 =	simm.s32 $0x0;
	s14 =	simm.s32 $0xF;
	v23 =	vimm.s32 $0x0;
	v22 =	vld [tilespmem:s25+$0x3100]  }
.LBB2_3:
0x37: {  	v26 =	vld [tilespmem:s0+$0x0]  }
0x38: {  	v27 =	vld [tilespmem:s1+$0x0]  }
0x39: {  	v25 =	vld [tilespmem:s31+$0x0];
	_ =	sdelay $0x3  }
0x3a: {  	v28 =	vperm.xlane v26, v24  }
0x3b: {  	v29 =	vperm.xlane v27, v24;
	v30 =	vperm.xlane v25, v24  }
0x3c: {  	v31 =	vperm.xlane v26, v4;
	v32 =	vperm.xlane v27, v4  }
0x3d: {  	v33 =	vperm.xlane v25, v4;
	v52 =	vperm.xlane v26, v5  }
0x3e: {  	s15 =	sadd.s32 $0xFFFFFFF1, s14;
	v53 =	vperm.xlane v27, v5;
	v54 =	vperm.xlane v25, v5  }
0x3f: {  	s16 =	sadd.s32 $0xFFFFFFF2, s14;
	v35 =	vmov s15;
	v36 =	vperm.xlane v26, v6;
	v37 =	vperm.xlane v27, v6  }
0x40: {  	s17 =	sadd.s32 $0xFFFFFFF3, s14;
	v39 =	vmov s16;
	v55 =	vperm.xlane v25, v6;
	v59 =	vperm.xlane v26, v7  }
0x41: {  	v41 =	vmov s17;
	v60 =	vperm.xlane v27, v7;
	v61 =	vperm.xlane v25, v7  }
0x42: {  	v46 =	vperm.xlane v26, v8;
	v28 =	vsub.f32 v20, v28;
	v29 =	vsub.f32 v21, v29  }
0x43: {  	v47 =	vperm.xlane v27, v8;
	v30 =	vsub.f32 v22, v30;
	v31 =	vsub.f32 v20, v31  }
0x44: {  	v48 =	vperm.xlane v25, v8;
	v32 =	vsub.f32 v21, v32;
	v50 =	vsub.f32 v22, v33  }
0x45: {  	v33 =	vadd.s32 v2, v23;
	v36 =	vsub.f32 v20, v36;
	v37 =	vsub.f32 v21, v37  }
0x46: {  	v56 =	vsub.f32 v22, v55;
	v28 =	vmul.f32 v28, v28;
	v29 =	vmul.f32 v29, v29  }
0x47: {  	v62 =	vsub.f32 v22, v61;
	v31 =	vmul.f32 v31, v31;
	v32 =	vmul.f32 v32, v32  }
0x48: {  	v49 =	vmul.f32 v30, v30;
	v58 =	vmul.f32 v37, v37;
	v37 =	vsub.f32 v20, v59  }
0x49: {  	v30 =	vmul.f32 v50, v50;
	v28 =	vadd.f32 v29, v28;
	v51 =	vadd.f32 v32, v31  }
0x4a: {  	v57 =	vmul.f32 v36, v36;
	v31 =	vsub.f32 v20, v52;
	v32 =	vsub.f32 v21, v53  }
0x4b: {  	v63 =	vmul.f32 v37, v37;
	v28 =	vadd.f32 v49, v28;
	v29 =	vadd.f32 v30, v51  }
0x4c: {  	v30 =	vsub.f32 v22, v54;
	v31 =	vmul.f32 v31, v31;
	v32 =	vmul.f32 v32, v32  }
0x4d: {  	v53 =	vperm.xlane v25, v9;
	v49 =	vsub.f32 v22, v48;
	vm2 =	vle.f32 v28, $3.999999910e-02  }
0x4e: {  	vm3 =	vle.f32 v29, $3.999999910e-02;
	v31 =	vadd.f32 v32, v31;
	v30 =	vmul.f32 v30, v30  }
0x4f: {  	v32 =	vadd.f32 v58, v57;
	v57 =	vperm.xlane v27, v10;
	v34 =	vsel vm2, $0x1, v3  }
0x50: {  	v58 =	vperm.xlane v25, v10;
	v38 =	vsel vm3, $0x1, v3;
	v23 =	vadd.s32 v34, v23  }
0x51: {  	v30 =	vadd.f32 v30, v31;
	v31 =	vmul.f32 v56, v56;
	v56 =	vperm.xlane v26, v10  }
0x52: {  	v59 =	vsub.f32 v22, v58;
	v58 =	vperm.xlane v26, v15;
	v34 =	vadd.s32 v2, v23  }
0x53: {  	v23 =	vadd.s32 v38, v23;
	v38 =	vsub.f32 v21, v60;
	vm4 =	vle.f32 v30, $3.999999910e-02  }
0x54: {  	v31 =	vadd.f32 v31, v32;
	v32 =	vmul.f32 v62, v62;
	v61 =	vmul.f32 v59, v59  }
0x55: {  	v40 =	vadd.s32 v2, v23;
	v62 =	vperm.xlane v26, v11;
	v59 =	vperm.xlane v27, v15  }
0x56: {  	v42 =	vsel vm4, $0x1, v3;
	v45 =	vmul.f32 v38, v38;
	v38 =	vsub.f32 v20, v46  }
0x57: {  	s17 =	sadd.s32 $0xFFFFFFF5, s14;
	v46 =	vperm.xlane v27, v9;
	v23 =	vadd.s32 v42, v23;
	vm0 =	vle.f32 v31, $3.999999910e-02  }
0x58: {  	v42 =	vsub.f32 v21, v47;
	[tilespmem:v33+s19+$0x0] =	vst.idx.msk vm2, v28;
	v28 =	vmov s17;
	v36 =	vadd.f32 v45, v63  }
0x59: {  	v43 =	vadd.s32 v2, v23;
	v50 =	vmul.f32 v38, v38;
	v45 =	vperm.xlane v26, v9  }
0x5a: {  	v44 =	vsel vm0, $0x1, v3;
	v55 =	vsub.f32 v21, v46;
	[tilespmem:v33+s20+$0x0] =	vst.idx.msk vm2, v35;
	v33 =	vsub.f32 v20, v56  }
0x5b: {  	s16 =	sadd.s32 $0xFFFFFFF4, s14;
	v35 =	vsub.f32 v21, v57;
	v63 =	vperm.xlane v27, v11;
	v46 =	vperm.xlane v25, v11  }
0x5c: {  	v51 =	vmul.f32 v42, v42;
	v42 =	vmov s16;
	v23 =	vadd.s32 v44, v23;
	[tilespmem:v34+s19+$0x0] =	vst.idx.msk vm3, v29  }
0x5d: {  	v32 =	vadd.f32 v32, v36;
	v44 =	vadd.s32 v2, v23;
	v36 =	vmul.f32 v49, v49  }
0x5e: {  	s16 =	sadd.s32 $0xFFFFFFF6, s14;
	v54 =	vsub.f32 v20, v45;
	v45 =	vmul.f32 v55, v55;
	v33 =	vmul.f32 v33, v33  }
0x5f: {  	v35 =	vmul.f32 v35, v35;
	v29 =	vmov s16;
	[tilespmem:v34+s20+$0x0] =	vst.idx.msk vm3, v39;
	v34 =	vsub.f32 v20, v62  }
0x60: {  	v49 =	vperm.xlane v26, v12;
	v55 =	vperm.xlane v26, v14;
	v62 =	vsub.f32 v21, v59  }
0x61: {  	v59 =	vperm.xlane v27, v17;
	v37 =	vadd.f32 v51, v50;
	v50 =	vperm.xlane v27, v12  }
0x62: {  	s17 =	sadd.s32 $0xFFFFFFF7, s14;
	[tilespmem:v40+s19+$0x0] =	vst.idx.msk vm4, v30;
	v51 =	vperm.xlane v25, v12;
	vm1 =	vle.f32 v32, $3.999999910e-02;
	v38 =	vmul.f32 v54, v54  }
0x63: {  	v33 =	vadd.f32 v35, v33;
	[tilespmem:v40+s20+$0x0] =	vst.idx.msk vm4, v41;
	v40 =	vmov s17;
	v35 =	vsub.f32 v22, v46  }
0x64: {  	v34 =	vmul.f32 v34, v34;
	v39 =	vsub.f32 v20, v49;
	v54 =	vperm.xlane v25, v13  }
0x65: {  	v49 =	vperm.xlane v25, v14;
	v52 =	vsel vm1, $0x1, v3;
	v36 =	vadd.f32 v36, v37  }
0x66: {  	v37 =	vsub.f32 v22, v53;
	v41 =	vsub.f32 v21, v50;
	v53 =	vperm.xlane v27, v13  }
0x67: {  	v23 =	vadd.s32 v52, v23;
	v38 =	vadd.f32 v45, v38;
	v35 =	vmul.f32 v35, v35  }
0x68: {  	v33 =	vadd.f32 v61, v33;
	v52 =	vperm.xlane v26, v13;
	v39 =	vmul.f32 v39, v39  }
0x69: {  	v46 =	vsub.f32 v22, v54;
	v57 =	vsub.f32 v22, v49;
	v61 =	vperm.xlane v25, v15  }
0x6a: {  	vm13 =	vle.f32 v36, $3.999999910e-02;
	v47 =	vadd.s32 v2, v23;
	v37 =	vmul.f32 v37, v37  }
0x6b: {  	v41 =	vmul.f32 v41, v41;
	v60 =	vsel vm13, $0x1, v3;
	vm15 =	vle.f32 v33, $3.999999910e-02  }
0x6c: {  	v56 =	vmul.f32 v46, v46;
	v46 =	vsub.f32 v22, v61;
	v37 =	vadd.f32 v37, v38  }
0x6d: {  	v23 =	vadd.s32 v60, v23;
	v38 =	vsub.f32 v21, v63;
	v48 =	vsel vm15, $0x1, v3  }
0x6e: {  	v39 =	vadd.f32 v41, v39;
	v41 =	vsub.f32 v20, v55;
	v60 =	vmul.f32 v57, v57  }
0x6f: {  	v63 =	vperm.xlane v26, v16;
	vm14 =	vle.f32 v37, $3.999999910e-02;
	v38 =	vmul.f32 v38, v38  }
0x70: {  	[tilespmem:v43+s19+$0x0] =	vst.idx.msk vm0, v31;
	v30 =	vadd.s32 v2, v23;
	v46 =	vmul.f32 v46, v46;
	v45 =	vsel vm14, $0x1, v3  }
0x71: {  	v41 =	vmul.f32 v41, v41;
	v23 =	vadd.s32 v45, v23;
	v34 =	vadd.f32 v38, v34  }
0x72: {  	v38 =	vsub.f32 v22, v51;
	v45 =	vsub.f32 v21, v53;
	v53 =	vperm.xlane v25, v16  }
0x73: {  	v31 =	vadd.s32 v48, v23;
	v48 =	vperm.xlane v27, v14;
	v34 =	vadd.f32 v35, v34  }
0x74: {  	v35 =	vsub.f32 v20, v52;
	v45 =	vmul.f32 v45, v45;
	v38 =	vmul.f32 v38, v38  }
0x75: {  	v52 =	vperm.xlane v27, v16;
	v57 =	vsub.f32 v22, v53;
	v53 =	vperm.xlane v25, v17  }
0x76: {  	v23 =	vadd.s32 v2, v23;
	v27 =	vperm.xlane v27, v18;
	v25 =	vperm.xlane v25, v18  }
0x77: {  	v48 =	vsub.f32 v21, v48;
	v35 =	vmul.f32 v35, v35;
	v38 =	vadd.f32 v38, v39  }
0x78: {  	v39 =	vsub.f32 v20, v58;
	v49 =	vsub.f32 v21, v52;
	v58 =	vperm.xlane v26, v17  }
0x79: {  	[tilespmem:v43+s20+$0x0] =	vst.idx.msk vm0, v42;
	vm8 =	vle.f32 v34, $3.999999910e-02;
	v61 =	vmul.f32 v57, v57;
	v26 =	vperm.xlane v26, v18  }
0x7a: {  	v27 =	vsub.f32 v21, v27;
	v25 =	vsub.f32 v22, v25;
	v48 =	vmul.f32 v48, v48  }
0x7b: {  	v35 =	vadd.f32 v45, v35;
	v39 =	vmul.f32 v39, v39;
	v45 =	vsub.f32 v20, v63  }
0x7c: {  	[tilespmem:v44+s19+$0x0] =	vst.idx.msk vm1, v32;
	v55 =	vmul.f32 v49, v49;
	v43 =	vsub.f32 v20, v58;
	vm9 =	vle.f32 v38, $3.999999910e-02  }
0x7d: {  	v26 =	vsub.f32 v20, v26;
	v27 =	vmul.f32 v27, v27;
	v25 =	vmul.f32 v25, v25  }
0x7e: {  	v41 =	vadd.f32 v48, v41;
	v48 =	vmul.f32 v62, v62;
	v62 =	vsub.f32 v21, v59  }
0x7f: {  	[tilespmem:v44+s20+$0x0] =	vst.idx.msk vm1, v28;
	v49 =	vsel vm9, $0x1, v3;
	v35 =	vadd.f32 v56, v35;
	v54 =	vmul.f32 v45, v45  }
0x80: {  	s16 =	sadd.s32 $0xFFFFFFF8, s14;
	[tilespmem:v47+s19+$0x0] =	vst.idx.msk vm13, v36;
	v56 =	vsel vm8, $0x1, v3;
	v43 =	vmul.f32 v43, v43;
	v26 =	vmul.f32 v26, v26  }
0x81: {  	s17 =	sadd.s32 $0xFFFFFFF9, s14;
	[tilespmem:v47+s20+$0x0] =	vst.idx.msk vm13, v29;
	v41 =	vadd.f32 v60, v41;
	v39 =	vadd.f32 v48, v39;
	v60 =	vmov s16  }
0x82: {  	[tilespmem:v30+s19+$0x0] =	vst.idx.msk vm14, v37;
	v32 =	vadd.s32 v56, v31;
	v31 =	vadd.s32 v2, v31;
	v48 =	vmov s17  }
0x83: {  	v50 =	vmul.f32 v62, v62;
	s16 =	sadd.s32 $0xFFFFFFFA, s14;
	v42 =	vadd.f32 v55, v54;
	v29 =	vadd.s32 v49, v32  }
0x84: {  	[tilespmem:v30+s20+$0x0] =	vst.idx.msk vm14, v40;
	v32 =	vadd.s32 v2, v32;
	vm10 =	vle.f32 v35, $3.999999910e-02;
	v54 =	vmov s16  }
0x85: {  	[tilespmem:v23+s19+$0x0] =	vst.idx.msk vm15, v33;
	v55 =	vsub.f32 v22, v53;
	v26 =	vadd.f32 v27, v26;
	v51 =	vsel vm10, $0x1, v3  }
0x86: {  	[tilespmem:v23+s20+$0x0] =	vst.idx.msk vm15, v60;
	vm11 =	vle.f32 v41, $3.999999910e-02;
	v30 =	vadd.s32 v51, v29;
	v29 =	vadd.s32 v2, v29  }
0x87: {  	s17 =	sadd.s32 $0xFFFFFFFB, s14;
	v39 =	vadd.f32 v46, v39;
	v63 =	vadd.f32 v61, v42;
	v56 =	vsel vm11, $0x1, v3;
	[tilespmem:v31+s19+$0x0] =	vst.idx.msk vm8, v34  }
0x88: {  	v23 =	vmov s17;
	v57 =	vadd.s32 v56, v30;
	v30 =	vadd.s32 v2, v30;
	[tilespmem:v31+s20+$0x0] =	vst.idx.msk vm8, v48  }
0x89: {  	v52 =	vadd.f32 v50, v43;
	v28 =	vmul.f32 v55, v55;
	vm12 =	vle.f32 v39, $3.999999910e-02;
	[tilespmem:v32+s19+$0x0] =	vst.idx.msk vm9, v38  }
0x8a: {  	v58 =	vsel vm12, $0x1, v3;
	vm13 =	vle.f32 v63, $3.999999910e-02;
	v31 =	vadd.s32 v2, v57;
	[tilespmem:v32+s20+$0x0] =	vst.idx.msk vm9, v54  }
0x8b: {  	v28 =	vadd.f32 v28, v52;
	v59 =	vadd.s32 v58, v57;
	v27 =	vsel vm13, $0x1, v3;
	[tilespmem:v29+s19+$0x0] =	vst.idx.msk vm10, v35  }
0x8c: {  	s16 =	sadd.s32 $0xFFFFFFFC, s14;
	[tilespmem:v29+s20+$0x0] =	vst.idx.msk vm10, v23;
	v23 =	vadd.s32 v27, v59;
	v27 =	vadd.s32 v2, v59  }
0x8d: {  	v25 =	vadd.f32 v25, v26;
	v26 =	vmov s16;
	vm14 =	vle.f32 v28, $3.999999910e-02;
	[tilespmem:v30+s19+$0x0] =	vst.idx.msk vm11, v41  }
0x8e: {  	s17 =	sadd.s32 $0xFFFFFFFD, s14;
	v60 =	vsel vm14, $0x1, v3;
	[tilespmem:v30+s20+$0x0] =	vst.idx.msk vm11, v26;
	v26 =	vadd.s32 v2, v23  }
0x8f: {  	v61 =	vmov s17;
	vm15 =	vle.f32 v25, $3.999999910e-02;
	v23 =	vadd.s32 v60, v23;
	[tilespmem:v31+s19+$0x0] =	vst.idx.msk vm12, v39  }
0x90: {  	s16 =	sadd.s32 $0xFFFFFFFE, s14;
	v62 =	vadd.s32 v2, v23;
	[tilespmem:v31+s20+$0x0] =	vst.idx.msk vm12, v61  }
0x91: {  	p0 =	sne.s32 s14, $0xFFF;
	[tilespmem:v27+s19+$0x0] =	vst.idx.msk vm13, v63;
	v63 =	vmov s16  }
.Ltmp4:
0x92: {  	s17 =	sadd.s32 $0xFFFFFFFF, s14;
	[tilespmem:v27+s20+$0x0] =	vst.idx.msk vm13, v63;
	(pc) =	sbr.rel @p0 .LBB2_3-.Ltmp4, $4  }
0x93: {  	v27 =	vmov s17;
	[tilespmem:v26+s19+$0x0] =	vst.idx.msk vm14, v28  }
0x94: {  	[tilespmem:v26+s20+$0x0] =	vst.idx.msk vm14, v27  }
0x95: {  	s0 =	sadd.s32 $0x10, s0;
	v26 =	vmov s14;
	[tilespmem:v62+s19+$0x0] =	vst.idx.msk vm15, v25;
	v25 =	vsel vm15, $0x1, v3  }
0x96: {  	s1 =	sadd.s32 $0x10, s1;
	s31 =	sadd.s32 $0x10, s31;
	s14 =	sadd.s32 $0x10, s14;
	[tilespmem:v62+s20+$0x0] =	vst.idx.msk vm15, v26;
	v23 =	vadd.s32 v25, v23  }
.LBB2_4:
0x97: {  	v27 =	vld [tilespmem:s28+$0x0]  }
0x98: {  	v28 =	vld [tilespmem:s29+$0x0]  }
0x99: {  	v26 =	vld [tilespmem:s30+$0x0];
	_ =	sdelay $0x3  }
0x9a: {  	v25 =	vperm.xlane v27, v3  }
0x9b: {  	v29 =	vperm.xlane v28, v3;
	v30 =	vperm.xlane v26, v3  }
0x9c: {  	v41 =	vperm.xlane v27, v4;
	v31 =	vperm.xlane v28, v4  }
0x9d: {  	v42 =	vperm.xlane v26, v4;
	v33 =	vperm.xlane v27, v5  }
0x9e: {  	v34 =	vperm.xlane v28, v5;
	v36 =	vperm.xlane v26, v5  }
0x9f: {  	v46 =	vperm.xlane v27, v6;
	v37 =	vperm.xlane v28, v6  }
0xa0: {  	v38 =	vperm.xlane v26, v6;
	v51 =	vperm.xlane v27, v7  }
0xa1: {  	v52 =	vperm.xlane v28, v7;
	v39 =	vperm.xlane v26, v7  }
0xa2: {  	v54 =	vperm.xlane v27, v8;
	v25 =	vsub.f32 v20, v25;
	v29 =	vsub.f32 v21, v29  }
0xa3: {  	v61 =	vperm.xlane v27, v9;
	v30 =	vsub.f32 v22, v30;
	v31 =	vsub.f32 v21, v31  }
0xa4: {  	v62 =	vperm.xlane v28, v9;
	v32 =	vsub.f32 v22, v42;
	v33 =	vsub.f32 v20, v33  }
0xa5: {  	v63 =	vperm.xlane v27, v11;
	v34 =	vsub.f32 v21, v34;
	v43 =	vsub.f32 v22, v36  }
0xa6: {  	v49 =	vsub.f32 v21, v37;
	v25 =	vmul.f32 v25, v25;
	v29 =	vmul.f32 v29, v29  }
0xa7: {  	v50 =	vsub.f32 v22, v38;
	v40 =	vmul.f32 v30, v30;
	v31 =	vmul.f32 v31, v31  }
0xa8: {  	v37 =	vsub.f32 v21, v52;
	v32 =	vmul.f32 v32, v32;
	v44 =	vmul.f32 v33, v33  }
0xa9: {  	s31 =	sadd.s32 $0xFFFFFFF3, s26;
	v39 =	vsub.f32 v22, v39;
	v45 =	vmul.f32 v34, v34;
	v48 =	vmul.f32 v43, v43  }
0xaa: {  	v38 =	vmov s31;
	v33 =	vmul.f32 v49, v49;
	v36 =	vmul.f32 v50, v50  }
0xab: {  	v30 =	vsub.f32 v20, v41;
	v37 =	vmul.f32 v37, v37;
	v41 =	vperm.xlane v26, v8  }
0xac: {  	v34 =	vsub.f32 v20, v46;
	v55 =	vmul.f32 v39, v39;
	v43 =	vperm.xlane v27, v10  }
0xad: {  	v46 =	vperm.xlane v26, v10;
	v49 =	vperm.xlane v26, v11;
	v25 =	vadd.f32 v29, v25  }
0xae: {  	v30 =	vmul.f32 v30, v30;
	v56 =	vsub.f32 v22, v41;
	v41 =	vsub.f32 v21, v62  }
0xaf: {  	v34 =	vmul.f32 v34, v34;
	v43 =	vsub.f32 v20, v43;
	v46 =	vsub.f32 v22, v46  }
0xb0: {  	s0 =	sadd.s32 $0xFFFFFFF1, s26;
	v62 =	vperm.xlane v27, v14;
	v25 =	vadd.f32 v40, v25;
	v31 =	vadd.f32 v31, v30  }
0xb1: {  	v30 =	vmov s0;
	v40 =	vperm.xlane v28, v8;
	v58 =	vmul.f32 v56, v56  }
0xb2: {  	v33 =	vadd.f32 v33, v34;
	v41 =	vmul.f32 v41, v41;
	v43 =	vmul.f32 v43, v43  }
0xb3: {  	v34 =	vsub.f32 v20, v54;
	v54 =	vperm.xlane v28, v12;
	v56 =	vperm.xlane v26, v12  }
0xb4: {  	vm0 =	vgt.f32 v25, $3.999999910e-02;
	v25 =	vmul.u32 $0x60, v1;
	v40 =	vsub.f32 v21, v40  }
0xb5: {  	v36 =	vadd.f32 v36, v33;
	v34 =	vmul.f32 v34, v34;
	v35 =	vsel vm0, $0x1, v3  }
0xb6: {  	s17 =	sadd.s32 $0xFFFFFFF2, s26;
	v29 =	vadd.s32 v25, v24;
	v35 =	vadd.s32 v35, v24;
	v24 =	vadd.f32 v32, v31  }
0xb7: {  	s1 =	sadd.s32 $0xFFFFFFF4, s26;
	v32 =	vadd.f32 v45, v44;
	v31 =	vmov s17;
	v40 =	vmul.f32 v40, v40  }
0xb8: {  	vm3 =	vgt.f32 v36, $3.999999910e-02;
	v36 =	vmov s1;
	v44 =	vperm.xlane v28, v10  }
0xb9: {  	v45 =	vperm.xlane v26, v9;
	v59 =	vsel vm3, $0x1, v3;
	vm1 =	vgt.f32 v24, $3.999999910e-02  }
0xba: {  	v24 =	vadd.s32 v25, v35;
	v32 =	vadd.f32 v48, v32;
	v34 =	vadd.f32 v40, v34  }
0xbb: {  	v40 =	vsub.f32 v20, v61;
	v44 =	vsub.f32 v21, v44;
	v47 =	vsel vm1, $0x1, v3  }
0xbc: {  	v45 =	vsub.f32 v22, v45;
	v48 =	vmul.f32 v46, v46;
	v35 =	vadd.s32 v47, v35  }
0xbd: {  	vm2 =	vgt.f32 v32, $3.999999910e-02;
	v32 =	vsub.f32 v20, v51;
	v40 =	vmul.f32 v40, v40  }
0xbe: {  	v34 =	vadd.f32 v58, v34;
	v44 =	vmul.f32 v44, v44;
	v47 =	vperm.xlane v28, v11  }
0xbf: {  	v45 =	vmul.f32 v45, v45;
	v51 =	vsub.f32 v22, v49;
	v58 =	vperm.xlane v27, v13  }
0xc0: {  	v49 =	vperm.xlane v26, v14;
	v53 =	vsel vm2, $0x1, v3;
	v33 =	vadd.s32 v25, v35  }
0xc1: {  	v32 =	vmul.f32 v32, v32;
	v35 =	vadd.s32 v53, v35;
	v40 =	vadd.f32 v41, v40  }
0xc2: {  	vm5 =	vgt.f32 v34, $3.999999910e-02;
	v43 =	vadd.f32 v44, v43;
	v41 =	vsub.f32 v20, v63  }
0xc3: {  	v47 =	vsub.f32 v21, v47;
	v53 =	vperm.xlane v27, v12;
	v63 =	vperm.xlane v28, v14  }
0xc4: {  	s14 =	sadd.s32 $0xFFFFFFF5, s26;
	v39 =	vadd.s32 v59, v35;
	v42 =	vsel vm5, $0x1, v3;
	v59 =	vperm.xlane v28, v13  }
0xc5: {  	v32 =	vadd.f32 v37, v32;
	v37 =	vmov s14;
	v40 =	vadd.f32 v45, v40  }
0xc6: {  	s15 =	sadd.s32 $0xFFFFFFF6, s26;
	v50 =	vadd.f32 v48, v43;
	v41 =	vmul.f32 v41, v41;
	v52 =	vmul.f32 v47, v47  }
0xc7: {  	v43 =	vsub.f32 v22, v56;
	v47 =	vmov s15;
	v45 =	vsub.f32 v21, v59  }
0xc8: {  	v57 =	vadd.f32 v55, v32;
	v32 =	vadd.s32 v25, v35;
	v35 =	vadd.s32 v25, v39  }
0xc9: {  	vm7 =	vgt.f32 v40, $3.999999910e-02;
	vm6 =	vgt.f32 v50, $3.999999910e-02;
	v41 =	vadd.f32 v52, v41  }
0xca: {  	v55 =	vmul.f32 v51, v51;
	v40 =	vsub.f32 v20, v53;
	v43 =	vmul.f32 v43, v43  }
0xcb: {  	v50 =	vsub.f32 v21, v63;
	v51 =	vperm.xlane v27, v15;
	v52 =	vperm.xlane v28, v15  }
0xcc: {  	v63 =	vperm.xlane v27, v17;
	v45 =	vmul.f32 v45, v45;
	v59 =	vsel vm7, $0x1, v3  }
0xcd: {  	vm4 =	vgt.f32 v57, $3.999999910e-02;
	v57 =	vsub.f32 v21, v54;
	v41 =	vadd.f32 v55, v41  }
0xce: {  	v40 =	vmul.f32 v40, v40;
	v53 =	vsub.f32 v20, v51;
	v54 =	vsub.f32 v21, v52  }
0xcf: {  	v55 =	vperm.xlane v26, v15;
	v51 =	vperm.xlane v26, v17;
	v60 =	vsel vm4, $0x1, v3  }
0xd0: {  	v39 =	vadd.s32 v60, v39;
	v44 =	vmul.f32 v57, v57;
	v60 =	vperm.xlane v26, v13  }
0xd1: {  	vm8 =	vgt.f32 v41, $3.999999910e-02;
	v41 =	vsub.f32 v20, v62;
	v56 =	vmul.f32 v54, v54  }
0xd2: {  	s31 =	sadd.s32 $0xFFFFFFF9, s26;
	v57 =	vperm.xlane v27, v16;
	v62 =	vsel vm6, $0x1, v3;
	v27 =	vperm.xlane v27, v18  }
0xd3: {  	[tilespmem:v29+s21+$0x0] =	vst.idx.msk vm0, v30;
	v54 =	vmov s31;
	v30 =	vsub.f32 v22, v51;
	v34 =	vadd.s32 v25, v39  }
0xd4: {  	v39 =	vadd.s32 v42, v39;
	v42 =	vsub.f32 v20, v58;
	v40 =	vadd.f32 v44, v40  }
0xd5: {  	v58 =	vperm.xlane v28, v16;
	v61 =	vsub.f32 v22, v60;
	v44 =	vsub.f32 v22, v49  }
0xd6: {  	s17 =	sadd.s32 $0xFFFFFFF8, s26;
	v41 =	vmul.f32 v41, v41;
	v60 =	vperm.xlane v26, v16;
	v46 =	vadd.s32 v59, v39  }
0xd7: {  	s1 =	sadd.s32 $0xFFFFFFFA, s26;
	v39 =	vadd.s32 v25, v39;
	v49 =	vmov s17;
	v27 =	vsub.f32 v20, v27  }
0xd8: {  	v30 =	vmul.f32 v30, v30;
	v26 =	vperm.xlane v26, v18;
	v59 =	vmov s1  }
0xd9: {  	s16 =	sadd.s32 $0xFFFFFFF7, s26;
	v42 =	vmul.f32 v42, v42;
	v40 =	vadd.f32 v43, v40;
	v48 =	vmul.f32 v61, v61  }
0xda: {  	v44 =	vmul.f32 v44, v44;
	v43 =	vsub.f32 v20, v57;
	v61 =	vmov s16  }
0xdb: {  	v27 =	vmul.f32 v27, v27;
	v42 =	vadd.f32 v45, v42;
	v45 =	vmul.f32 v50, v50  }
0xdc: {  	v26 =	vsub.f32 v22, v26;
	v50 =	vsel vm8, $0x1, v3;
	vm9 =	vgt.f32 v40, $3.999999910e-02  }
0xdd: {  	v40 =	vmul.f32 v53, v53;
	v43 =	vmul.f32 v43, v43;
	v41 =	vadd.f32 v45, v41  }
0xde: {  	v26 =	vmul.f32 v26, v26;
	v42 =	vadd.f32 v48, v42;
	v45 =	vsub.f32 v22, v55  }
0xdf: {  	v48 =	vperm.xlane v28, v17;
	v41 =	vadd.f32 v44, v41;
	v44 =	vsub.f32 v21, v58  }
0xe0: {  	v28 =	vperm.xlane v28, v18;
	v40 =	vadd.f32 v56, v40;
	v45 =	vmul.f32 v45, v45  }
0xe1: {  	vm10 =	vgt.f32 v42, $3.999999910e-02;
	v42 =	vsub.f32 v22, v60;
	v44 =	vmul.f32 v44, v44  }
0xe2: {  	[tilespmem:v24+s21+$0x0] =	vst.idx.msk vm1, v31;
	v55 =	vsel vm9, $0x1, v3;
	v28 =	vsub.f32 v21, v28;
	v40 =	vadd.f32 v45, v40  }
0xe3: {  	[tilespmem:v33+s21+$0x0] =	vst.idx.msk vm2, v38;
	v56 =	vsel vm10, $0x1, v3;
	vm11 =	vgt.f32 v41, $3.999999910e-02;
	v43 =	vadd.f32 v44, v43  }
0xe4: {  	[tilespmem:v32+s21+$0x0] =	vst.idx.msk vm3, v36;
	vm12 =	vgt.f32 v40, $3.999999910e-02;
	v40 =	vsub.f32 v20, v63;
	v44 =	vsub.f32 v21, v48  }
0xe5: {  	v42 =	vmul.f32 v42, v42;
	v45 =	vadd.s32 v62, v46;
	v28 =	vmul.f32 v28, v28  }
0xe6: {  	v46 =	vadd.s32 v25, v46;
	v40 =	vmul.f32 v40, v40;
	v52 =	vmul.f32 v44, v44  }
0xe7: {  	v29 =	vadd.s32 v50, v45;
	v53 =	vadd.s32 v25, v45;
	v27 =	vadd.f32 v28, v27  }
0xe8: {  	[tilespmem:v35+s21+$0x0] =	vst.idx.msk vm4, v37;
	v57 =	vsel vm11, $0x1, v3;
	v33 =	vadd.s32 v55, v29;
	v24 =	vadd.f32 v52, v40  }
0xe9: {  	v29 =	vadd.s32 v25, v29;
	v42 =	vadd.f32 v42, v43;
	v26 =	vadd.f32 v26, v27  }
0xea: {  	v58 =	vadd.s32 v25, v33;
	v24 =	vadd.f32 v30, v24;
	v30 =	vadd.s32 v56, v33  }
0xeb: {  	[tilespmem:v34+s21+$0x0] =	vst.idx.msk vm5, v47;
	vm13 =	vgt.f32 v42, $3.999999910e-02;
	vm15 =	vgt.f32 v26, $3.999999910e-02;
	v28 =	vadd.s32 v57, v30  }
0xec: {  	[tilespmem:v39+s21+$0x0] =	vst.idx.msk vm7, v61;
	v30 =	vadd.s32 v25, v30;
	vm14 =	vgt.f32 v24, $3.999999910e-02;
	v24 =	vsel vm12, $0x1, v3  }
0xed: {  	[tilespmem:v46+s21+$0x0] =	vst.idx.msk vm6, v49;
	v27 =	vsel vm13, $0x1, v3;
	v24 =	vadd.s32 v24, v28;
	v28 =	vadd.s32 v25, v28  }
0xee: {  	s14 =	sadd.s32 $0xFFFFFFFB, s26;
	[tilespmem:v53+s21+$0x0] =	vst.idx.msk vm8, v54;
	v26 =	vsel vm14, $0x1, v3;
	v27 =	vadd.s32 v27, v24;
	v24 =	vadd.s32 v25, v24  }
0xef: {  	s15 =	sadd.s32 $0xFFFFFFFC, s26;
	v60 =	vmov s14;
	[tilespmem:v29+s21+$0x0] =	vst.idx.msk vm9, v59;
	v26 =	vadd.s32 v26, v27;
	v27 =	vadd.s32 v25, v27  }
0xf0: {  	p0 =	sne.s32 s26, $0x3F;
	s16 =	sadd.s32 $0xFFFFFFFD, s26;
	v61 =	vmov s15;
	[tilespmem:v58+s21+$0x0] =	vst.idx.msk vm10, v60;
	v25 =	vadd.s32 v25, v26  }
.Ltmp5:
0xf1: {  	s17 =	sadd.s32 $0xFFFFFFFE, s26;
	v62 =	vmov s16;
	[tilespmem:v30+s21+$0x0] =	vst.idx.msk vm11, v61;
	(pc) =	sbr.rel @p0 .LBB2_4-.Ltmp5, $4  }
0xf2: {  	s31 =	sadd.s32 $0xFFFFFFFF, s26;
	v63 =	vmov s17;
	[tilespmem:v28+s21+$0x0] =	vst.idx.msk vm12, v62  }
0xf3: {  	[tilespmem:v24+s21+$0x0] =	vst.idx.msk vm13, v63;
	v24 =	vmov s31  }
0xf4: {  	s28 =	sadd.s32 $0x10, s28;
	[tilespmem:v27+s21+$0x0] =	vst.idx.msk vm14, v24;
	v24 =	vmov s26;
	v27 =	vsel vm15, $0x1, v3  }
0xf5: {  	s29 =	sadd.s32 $0x10, s29;
	s30 =	sadd.s32 $0x10, s30;
	s26 =	sadd.s32 $0x10, s26;
	[tilespmem:v25+s21+$0x0] =	vst.idx.msk vm15, v24;
	v24 =	vadd.s32 v27, v26  }
.Ltmp6:
0xf6: {  	(pc) =	sbr.rel .LBB2_6-.Ltmp6, $2  }
0xf7: {  	_ =	sdelay $0x2  }
0xf8: {  	s0 =	simm.s32 $0x0;
	s1 =	simm.s32 $0x0  }
.LBB2_14:
0xf9: {  	v20 =	vld [tilespmem:s26+$0x7200]  }
0xfa: {  	v21 =	vld [tilespmem:s26+$0x7210];
	_ =	sdelay $0x3  }
0xfb: {  	s15 =	smul.u32 $0x180, s1;
	v20 =	vadd.s32 v0, v20  }
0xfc: {  	v21 =	vadd.s32 v0, v21;
	[tilespmem:s14+$0xB880] =	vst v20  }
0xfd: {  	s15 =	sshra.s32 s15, $0x2;
	[tilespmem:s14+$0xB890] =	vst v21;
	v20 =	vadd.s32 s28, v1  }
0xfe: {  	v21 =	vld [tilespmem:s15+$0xB280];
	vm0 =	vlt.s32 v20, $0x20  }
0xff: {  	v20 =	vadd.s32 s14, v20;
	_ =	sdelay $0x3  }
0x100: {  	v22 =	vor.u32 $0x10, v1;
	v21 =	vadd.s32 v0, v21  }
0x101: {  	[tilespmem:v20+s22+$0x0] =	vst.idx.msk vm0, v21;
	v20 =	vadd.s32 s28, v22  }
0x102: {  	v21 =	vld [tilespmem:s15+$0xB290];
	vm15 =	vlt.s32 v20, $0x20  }
0x103: {  	v20 =	vadd.s32 s14, v20;
	_ =	sdelay $0x3  }
0x104: {  	v21 =	vadd.s32 v0, v21  }
0x105: {  	[tilespmem:v20+s22+$0x0] =	vst.idx.msk vm15, v21  }
.LBB2_15:
0x106: {  	s1 =	sadd.s32 $0x1, s1  }
0x107: {  	p0 =	sne.s32 s1, $0x10  }
.Ltmp7:
0x108: {  	_ = 	snop;
	(pc) =	sbr.rel @!p0 .LBB2_16-.Ltmp7, $2  }
0x109: {  	_ =	sdelay $0x2  }
0x10a: {  	s0 =	sadd.s32 $0x400, s0  }
.LBB2_6:
0x10b: {  	v20 =	vmov s1  }
0x10c: {  	v20 =	vperm.xlane v23, v20;
	_ =	sdelay $0x1  }
0x10d: {  	v20 =	vxor.u32 $0x80000000, v20  }
0x10e: {  	(xrf0) =	vmax.scan.msk.u32 $0xffff, v20;
	_ =	sdelay $0x5  }
0x10f: {  	v20, _, _ =	vpop (xrf0)  }
0x110: {  	(v2sf) =	vpush v20, $0xF;
	_ =	sdelay $0xe  }
0x111: {  	s15 =	spop (v2sf)  }
0x112: {  	s26 =	sshll.u32 s1, $0xA;
	s28 =	sxor.u32 $0x80000000, s15  }
0x113: {  	s14 =	sadd.s32 s26, s28  }
0x114: {  	p0 =	slt.s32 s28, $0x21;
	v20 =	vadd.s32 s14, v1  }
.Ltmp8:
0x115: {  	_ = 	snop;
	(pc) =	sbr.rel @p0 .LBB2_14-.Ltmp8, $3  }
0x116: {  	_ =	sdelay $0x1  }
0x117: {  	s31 =	sor.u32 s25, s1  }
0x118: {  	s14 =	sshll.u32 s31, $0x5;
	[tilespmem:v20+s19+$0x0] =	vst.idx.msk $0xffff, v19  }
0x119: {  	s28 =	sadd.s32 $0x80000010, s15;
	s17 =	sand.u32 $0xF, s15  }
0x11a: {  	s29 =	sshra.s32 s28, $0x1F;
	p0 =	slt.s32 s28, $0x1;
	p1 =	sne.s32 s17, $0x0  }
.Ltmp9:
0x11b: {  	s31 =	sshrl.u32 s29, $0x1C;
	p0 =	por !p0, !p1;
	(pc) =	sbr.rel .LBB2_8-.Ltmp9, $4  }
0x11c: {  	s15 =	sadd.s32 s31, s28;
	p0 =	por !p0, !p0;
	s28 =	simm.s32 $0x1  }
0x11d: {  	s15 =	sshra.s32 s15, $0x4;
	s28 =	simm.s32 @!p0 $0x0  }
0x11e: {  	s28 =	ssub.s32 s15, s28  }
0x11f: {  	s30 =	simm.s32 $0x0;
	s29 =	simm.s32 $0x0;
	p0 =	slt.s32 s28, $0x1  }
.LBB2_9:
0x120: {  	v21 =	vimm.s32 $0xC0000000  }
.LBB2_13:
0x121: {  	(xrf0) =	vmin.scan.msk.f32 $0xffff, v20;
	_ =	sdelay $0x5  }
0x122: {  	v22, _, _ =	vpop (xrf0)  }
0x123: {  	v22 =	vbroadcast v22, $0xF;
	_ =	sdelay $0x1  }
0x124: {  	vm0 =	veq.f32 v20, v22  }
0x125: {  	v20 =	vnsel vm0, $0xC0000000, v21  }
0x126: {  	(xrf0) =	vmin.scan.msk.u32 $0xffff, v20;
	_ =	sdelay $0x5  }
0x127: {  	v20, _, _ =	vpop (xrf0)  }
0x128: {  	(v2sf) =	vpush v20, $0xF;
	_ =	sdelay $0xe  }
0x129: {  	s15 =	spop (v2sf)  }
0x12a: {  	s15 =	sadd.s32 s15, s26  }
0x12b: {  	s15 =	sadd.s32 $0x80000000, s15  }
0x12c: {  	v20 =	vmov s15;
	_ =	sdelay $0x4  }
0x12d: {  	s31 =	sor.u32 s14, s30;
	v21 =	vld.idx.msk [tilespmem:v20+s20+$0x0], $0xffff  }
0x12e: {  	s30 =	sadd.s32 $0x1, s30;
	v22 =	vmov s31  }
0x12f: {  	p1 =	seq.s32 s30, $0x20  }
.Ltmp10:
0x130: {  	_ = 	snop;
	(pc) =	sbr.rel @p1 .LBB2_15-.Ltmp10, $4  }
0x131: {  	_ = 	snop  }
0x132: {  	v21 =	vadd.s32 v0, v21  }
0x133: {  	[tilespmem:v22+s22+$0x0] =	vst.idx.msk $0x1, v21  }
0x134: {  	[tilespmem:v20+s19+$0x0] =	vst.idx.msk $0x1, v19  }
.LBB2_8:
.Ltmp11:
0x135: {  	(pc) =	sbr.rel @p0 .LBB2_9-.Ltmp11, $2  }
0x136: {  	_ =	sdelay $0x2  }
0x137: {  	v20 =	vimm.f32 $3.000000010e+38;
	v21 =	vimm.s32 $0x40000000  }
0x138: {  	s15 =	sadd.s32 $0x0, s0;
	p1 =	sne.s32 s28, $0x1  }
.Ltmp12:
0x139: {  	s31 =	sand.u32 $0x70, s29;
	s15 =	sand.u32 $0xFFFFFF80, s15;
	(pc) =	sbr.rel @!p1 .LBB2_12-.Ltmp12, $3  }
0x13a: {  	s15 =	sor.u32 s31, s15  }
0x13b: {  	v24 =	vld [tilespmem:s15+$0x3180];
	_ =	sdelay $0x1  }
0x13c: {  	v22 =	vor.u32 s29, v1;
	s31 =	sadd.s32 $0xFFFFFFFF, s28;
	s15 =	simm.s32 $0x10  }
.LBB2_11:
0x13d: {  	s16 =	sadd.s32 s15, s0;
	v25 =	vor.u32 s15, v1;
	p1 =	sne.s32 s31, $0x1;
	s31 =	sadd.s32 $0xFFFFFFFF, s31  }
.Ltmp13:
0x13e: {  	s17 =	sand.u32 $0x70, s15;
	s16 =	sand.u32 $0xFFFFFF80, s16;
	(pc) =	sbr.rel @p1 .LBB2_11-.Ltmp13, $3  }
0x13f: {  	s16 =	sor.u32 s17, s16;
	vm0 =	vlt.f32 v24, v20  }
0x140: {  	v20 =	vsel vm0, v24, v20;
	v24 =	vld [tilespmem:s16+$0x3180];
	v21 =	vsel vm0, v22, v21;
	v22 =	vmov v25;
	_ =	sdelay $0x1  }
0x141: {  	s15 =	sadd.s32 $0x10, s15  }
.LBB2_12:
.Ltmp14:
0x142: {  	_ = 	snop;
	(pc) =	sbr.rel .LBB2_13-.Ltmp14, $4  }
0x143: {  	_ = 	snop  }
0x144: {  	vm0 =	vlt.f32 v24, v20  }
0x145: {  	v21 =	vsel vm0, v22, v21  }
0x146: {  	v20 =	vsel vm0, v24, v20;
	v21 =	vxor.u32 $0x80000000, v21  }
.LBB2_18:
0x147: {  	_ =	sfence.sel $0x180000  }
0x148: {  	[bflag:$0x0] =	sbarrier.arrive $0xFFFF  }
0x149: {  	_ =	strace $0x90000047  }
0x14a: {  	s0 =	stileid.u32;
	[bflag:$0x2] =	sbarrier.arrive $0xFFFF  }
0x14b: {  	p0 =	sne.s32 s0, $0x0;
	s0 =	rddreg [dreg:$0x3]  }
0x14c: {  	s0 =	sadd.s32 @!p0 $0x100000, s0  }
0x14d: {  	[sflag:s0] =	ssyncadd.tile.s32 @!p0 $0x1;
	_ =	shalt  }
.Lfunc_end2:
_tile_overlayer_lowered:
.L_overlay_start_2:
0x14e: {  	(tag) =	ssettag $0x2  }
0x14f: {  	s0 =	rddreg [dreg:$0x0];
	s2 =	stileid.u32  }
0x150: {  	s1 =	rddreg [dreg:$0x1];
	p0 =	sne.s32 s2, $0x0  }
0x151: {  	s3 =	rddreg [dreg:$0x2];
	[bflag:$0x3] =	sbarrier.arrive $0xFFFF;
	s2 =	simm.s32 @!p0 $0x1C01  }
0x152: {  	[timem:s3], [sflag:s2] =	dma.local @!p0 [hbm:s0], s1  }
0x153: {  	s0 =	simm.s32 @!p0 $0x1  }
0x154: {  	_ =	swait.ge @!p0 [sflag:s0], s1  }
0x155: {  	s1 =	ssub.s32 @!p0 $0x0, s1;
	[sflag:s0] =	ssyncset.done @!p0 $0x0  }
0x156: {  	[sflag:s0] =	ssyncadd.s32 @!p0 s1  }
0x157: {  	[bflag:$0x3] =	sbarrier.arrive $0xFFFF  }
0x158: {  	_ =	shalt  }

// kernel: kernel.9.cloned.1.call-start
scs
__scs_entry_jumppad:
0x0: {  	(pc) =	sbr.rel $0x88, $3  }
0x1: {  	(tag) =	ssettag $0x0;
	lr =	simm.s32 $0x1  }
0x2: {  	[smem:$0x3F97] =	sst lr;
	_ =	strace $0xD0000000  }
0x3: {  	_ = 	snop  }
0x4: {  	_ = 	snop  }
0x5: {  	_ = 	snop  }
0x6: {  	_ = 	snop  }
0x7: {  	_ = 	snop  }
__scs_overlays_trampoline_lowered:
0x8: {  	[smem:$0x3FA6] =	sst s0  }
0x9: {  	[smem:$0x3FA7] =	sst s1  }
0xa: {  	[smem:$0x3FA8] =	sst s2  }
0xb: {  	[smem:$0x3FA9] =	sst s3  }
0xc: {  	[smem:$0x3FAA] =	sst s4  }
0xd: {  	[smem:$0x3FAB] =	sst s5  }
0xe: {  	[smem:$0x3FAC] =	sst s6  }
0xf: {  	[smem:$0x3FAD] =	sst s7  }
0x10: {  	[smem:$0x3FAE] =	sst s8  }
0x11: {  	[smem:$0x3FAF] =	sst s9;
	s0 =	simm.s32 @!p0 $0x0  }
0x12: {  	s1 =	sld [smem:$0x3F95];
	s0 =	simm.s32 @p0 $0x1  }
0x13: {  	[smem:$0x3FB0] =	sst s0;
	s0 =	simm.s32 @!p1 $0x0  }
0x14: {  	s2 =	sld [smem:$0x3F94];
	s0 =	simm.s32 @p1 $0x1  }
0x15: {  	[smem:$0x3FB1] =	sst s0;
	s0 =	simm.s32 @!p2 $0x0  }
0x16: {  	s3 =	sld [smem:$0x3FDB];
	s0 =	simm.s32 @p2 $0x1  }
0x17: {  	s4 =	simm.s32 $0x1BF5;
	[smem:$0x3FB3] =	sst s0  }
0x18: {  	s0 =	sld [smem:$0x3F96];
	_ =	swait.ge [sflag:s4], $0x0  }
0x19: {  	s7 =	sld [smem:$0x3F97]  }
0x1a: {  	s8 =	sadd.s32 $0xFFFFE003, lr  }
0x1b: {  	s9 =	sadd.s32 $0xFFFFFEF7, lr;
	s5 =	simm.s32 $0xFFFFFFFF;
	p2 =	slt.u32 s8, $0xFFFFF086  }
0x1c: {  	p1 =	slt.u32 s9, $0xF7A;
	s5 =	simm.s32 @!p2 $0x0  }
0x1d: {  	s5 =	simm.s32 @p1 $0x1;
	p0 =	seq.s32 s7, s2  }
0x1e: {  	s7 =	smul.u32 @!p0 $0xF7A, s2;
	p2 =	seq.s32 @!p0 s5, $0x0  }
0x1f: {  	s9 =	smul.u32 $0xF7A, s1;
	s8 =	simm.s32 @!p0 $0x1BF5;
	p2 =	por !p2, p0  }
0x20: {  	[sflag:s8] =	ssyncset.s32 @!p0 $0xFFFFF086;
	s6 =	sadd.s32 @!p0 s3, s7;
	s7 =	simm.s32 @!p0 $0x108  }
0x21: {  	s3 =	sadd.s32 s3, s9;
	s6 =	sadd.s32 @!p0 $0x88, s6;
	s7 =	simm.s32 @p2 $0x1082  }
0x22: {  	[simem:s7], [sflag:s8] =	dma.local @!p0 [hbm:s6], $0xF7A  }
0x23: {  	s9 =	sor.u32 $0xD0000000, s2;
	s6 =	simm.s32 $0x108;
	_ =	swait.ge @!p0 [sflag:s8], $0x0  }
0x24: {  	s3 =	sadd.s32 $0x88, s3;
	s6 =	simm.s32 @!p1 $0x1082;
	[sflag:s4] =	ssyncset.s32 $0xFFFFF086  }
0x25: {  	[simem:s6], [sflag:s4] =	dma.local [hbm:s3], $0xF7A  }
0x26: {  	[smem:$0x3F97] =	sst s1;
	(tag) =	ssettag s2;
	_ =	strace s9  }
0x27: {  	s1 =	sld [smem:$0x3FA7]  }
0x28: {  	s2 =	sld [smem:$0x3FA8]  }
0x29: {  	s4 =	sld [smem:$0x3FAA]  }
0x2a: {  	p0 =	seq.s32 s5, $0x0;
	s5 =	sld [smem:$0x3FAB]  }
0x2b: {  	s6 =	sld [smem:$0x3FAC]  }
0x2c: {  	s7 =	sld [smem:$0x3FAD]  }
0x2d: {  	s3 =	simm.s32 $0x108;
	s8 =	sld [smem:$0x3FAE]  }
0x2e: {  	s3 =	simm.s32 @!p0 $0x1082;
	s9 =	sld [smem:$0x3FAF]  }
0x2f: {  	lr =	sadd.s32 s0, s3;
	s0 =	sld [smem:$0x3FA6]  }
0x30: {  	s3 =	sld [smem:$0x3FA9]  }
0x31: {  	[smem:$0x3FB2] =	sst s10  }
0x32: {  	s10 =	sld [smem:$0x3FB0];
	_ =	sdelay $0x3  }
0x33: {  	p0 =	seq.s32 s10, $0x1;
	s10 =	sld [smem:$0x3FB2];
	_ =	sdelay $0x3  }
0x34: {  	[smem:$0x3FB2] =	sst s10  }
0x35: {  	s10 =	sld [smem:$0x3FB1];
	_ =	sdelay $0x3  }
0x36: {  	p1 =	seq.s32 s10, $0x1;
	s10 =	sld [smem:$0x3FB2];
	_ =	sdelay $0x3  }
0x37: {  	[smem:$0x3FB2] =	sst s10  }
0x38: {  	s10 =	sld [smem:$0x3FB3]  }
0x39: {  	_ = 	snop;
	(pc) =	sbr.ind lr, $3  }
0x3a: {  	_ = 	snop  }
0x3b: {  	_ = 	snop  }
0x3c: {  	p2 =	seq.s32 s10, $0x1;
	s10 =	sld [smem:$0x3FB2]  }
0x3d: {  	_ =	shalt  }
0x3e: {  	_ =	shalt  }
0x3f: {  	_ =	shalt  }
0x40: {  	_ =	shalt  }
0x41: {  	_ =	shalt  }
0x42: {  	_ =	shalt  }
0x43: {  	_ =	shalt  }
0x44: {  	_ =	shalt  }
0x45: {  	_ =	shalt  }
0x46: {  	_ =	shalt  }
0x47: {  	_ =	shalt  }
0x48: {  	_ =	shalt  }
0x49: {  	_ =	shalt  }
0x4a: {  	_ =	shalt  }
0x4b: {  	_ =	shalt  }
0x4c: {  	_ =	shalt  }
0x4d: {  	_ =	shalt  }
0x4e: {  	_ =	shalt  }
0x4f: {  	_ =	shalt  }
0x50: {  	_ =	shalt  }
0x51: {  	_ =	shalt  }
0x52: {  	_ =	shalt  }
0x53: {  	_ =	shalt  }
0x54: {  	_ =	shalt  }
0x55: {  	_ =	shalt  }
0x56: {  	_ =	shalt  }
0x57: {  	_ =	shalt  }
0x58: {  	_ =	shalt  }
0x59: {  	_ =	shalt  }
0x5a: {  	_ =	shalt  }
0x5b: {  	_ =	shalt  }
0x5c: {  	_ =	shalt  }
0x5d: {  	_ =	shalt  }
0x5e: {  	_ =	shalt  }
0x5f: {  	_ =	shalt  }
0x60: {  	_ =	shalt  }
0x61: {  	_ =	shalt  }
0x62: {  	_ =	shalt  }
0x63: {  	_ =	shalt  }
0x64: {  	_ =	shalt  }
0x65: {  	_ =	shalt  }
0x66: {  	_ =	shalt  }
0x67: {  	_ =	shalt  }
0x68: {  	_ =	shalt  }
0x69: {  	_ =	shalt  }
0x6a: {  	_ =	shalt  }
0x6b: {  	_ =	shalt  }
0x6c: {  	_ =	shalt  }
0x6d: {  	_ =	shalt  }
0x6e: {  	_ =	shalt  }
0x6f: {  	_ =	shalt  }
0x70: {  	_ =	shalt  }
0x71: {  	_ =	shalt  }
0x72: {  	_ =	shalt  }
0x73: {  	_ =	shalt  }
0x74: {  	_ =	shalt  }
0x75: {  	_ =	shalt  }
0x76: {  	_ =	shalt  }
0x77: {  	_ =	shalt  }
0x78: {  	_ =	shalt  }
0x79: {  	_ =	shalt  }
0x7a: {  	_ =	shalt  }
0x7b: {  	_ =	shalt  }
0x7c: {  	_ =	shalt  }
0x7d: {  	_ =	shalt  }
0x7e: {  	_ =	shalt  }
0x7f: {  	_ =	shalt  }
0x80: {  	_ =	shalt  }
0x81: {  	_ =	shalt  }
0x82: {  	_ =	shalt  }
0x83: {  	_ =	shalt  }
0x84: {  	_ =	shalt  }
0x85: {  	_ =	shalt  }
0x86: {  	_ =	shalt  }
0x87: {  	_ =	shalt  }
.Lfunc_end0:
.L_simem_size_0:
called_computation.1_lowered:
.L_overlay_start_0:
0x88: {  	s2 =	sld [smem:$0x3FD9]  }
0x89: {  	s3 =	sld [smem:$0x3FFE];
	_ =	sdelay $0x1  }
0x8a: {  	s1 =	srdreg.scid  }
0x8b: {  	s0 =	sand.u32 $0x1, s1  }
0x8c: {  	s14 =	sshll.u32 s0, $0xA;
	s2 =	sadd.s32 s3, s2  }
0x8d: {  	s2 =	sadd.s32 s2, s14  }
0x8e: {  	[smem:$0x3FBE] =	sst s2  }
0x8f: {  	_ = 	snop  }
0x90: {  	s2 =	sld [smem:$0x3FD0];
	_ =	sdelay $0x2  }
0x91: {  	s15 =	simm.s32 $0xA;
	s4 =	simm.s32 $0x10  }
0x92: {  	[smem:s4], [sflag:s15] =	dma.local [hbm:s2], $0x1  }
0x93: {  	_ =	swait.eq [sflag:s15], $0x1  }
0x94: {  	[sflag:s15] =	ssyncset.done $0x0  }
0x95: {  	[sflag:s15] =	ssyncadd.s32 $0xFFFFFFFF  }
0x96: {  	s16 =	sld [smem:$0x11];
	(tm) =	ssettm $0x1  }
0x97: {  	s17 =	sld [smem:$0x3FFB];
	_ =	sdelay $0x3  }
0x98: {  	_ =	strace s17  }
0x99: {  	s3 =	sld [smem:$0x3FFC];
	_ =	sdelay $0x3  }
0x9a: {  	_ =	strace s3  }
0x9b: {  	s3 =	sld [smem:$0x3FFD];
	_ =	sdelay $0x3  }
0x9c: {  	_ =	strace s3  }
0x9d: {  	_ =	strace $0x8FFFFFFF  }
0x9e: {  	s18 =	sld [smem:$0x3FDB];
	_ =	sdelay $0x1  }
0x9f: {  	s19 =	simm.s32 $_scs_section_size  }
0xa0: {  	s5 =	simm.s32 $_size__tile_overlayer_lowered;
	s6 =	simm.s32 $_tile_overlayer_lowered  }
0xa1: {  	s22 =	simm.s32 $0x1BFF;
	s21 =	sshll.u32 s6, $0x1;
	s3 =	sadd.s32 s19, s18  }
0xa2: {  	s7 =	simm.s32 $0x0;
	s20 =	sshll.u32 s5, $0x1;
	s5 =	sadd.s32 s21, s3  }
0xa3: {  	[timem:s7], [sflag:s22] =	dma.local [hbm:s5], s20  }
0xa4: {  	_ =	swait.ge [sflag:s22], s20  }
0xa5: {  	s4 =	ssub.s32 $0x0, s20;
	[sflag:s22] =	ssyncset.done $0x0  }
0xa6: {  	[sflag:s22] =	ssyncadd.s32 s4;
	_ =	sdelay $0x1  }
0xa7: {  	s23 =	simm.s32 $0x1B8B  }
0xa8: {  	_ =	swait.ge [sflag:s23], $0x1  }
0xa9: {  	[sflag:s23] =	ssyncset.done $0x0  }
0xaa: {  	s25 =	simm.s32 $0x1B8E;
	s24 =	sld [smem:$0x3FFE];
	[sflag:s23] =	ssyncadd.s32 $0xFFFFFFFF  }
0xab: {  	s26 =	simm.s32 $execute0_lowered;
	[smem:$0x3FD2] =	sst s25  }
0xac: {  	s5 =	sshll.u32 s26, $0x1;
	_ =	strace $0x80000049;
	[dreg:$0x1] =	wrdreg $0xFFFFFFFF  }
0xad: {  	s28 =	simm.s32 $_size_execute0_lowered;
	s3 =	sadd.s32 s3, s5;
	[dreg:$0x0] =	wrdreg $0x0  }
0xae: {  	s5 =	sshll.u32 s28, $0x1;
	[dreg:$0x2] =	wrdreg s3  }
0xaf: {  	[dreg:$0x3] =	wrdreg s5  }
0xb0: {  	[dreg:$0x4] =	wrdreg $0xC0  }
0xb1: {  	_ =	task [dreg:s7], $0x5FFFF  }
0xb2: {  	[dreg:$0x1] =	wrdreg $0xFFFFFFFF  }
0xb3: {  	[dreg:$0x0] =	wrdreg $0x60  }
0xb4: {  	[dreg:$0x2] =	wrdreg s24  }
0xb5: {  	[dreg:$0x3] =	wrdreg s16  }
0xb6: {  	[dreg:$0x4] =	wrdreg $0x9  }
0xb7: {  	_ =	task.clear_ibuf [dreg:s7], $0x5FFFF;
	_ =	strace $0x90000049  }
0xb8: {  	s29 =	simm.s32 $0x9;
	_ =	strace $0x8000004B  }
0xb9: {  	_ =	swait.ge [sflag:s29], $0x1  }
0xba: {  	[sflag:s29] =	ssyncadd.s32 $0xFFFFFFFF  }
0xbb: {  	_ =	strace $0x9000004B  }
0xbc: {  	_ =	sfence  }
0xbd: {  	s30 =	sld [smem:$0x0];
	_ =	sdelay $0x2  }
0xbe: {  	s31 =	sshll.u32 s1, $0xD;
	s1 =	sshrl.u32 s1, $0x2  }
0xbf: {  	s3 =	sand.u32 $0x4000, s31;
	s1 =	sadd.s32 s1, s30  }
0xc0: {  	s0 =	sor.u32 s3, s0;
	s1 =	sshll.u32 s1, $0x11  }
0xc1: {  	s0 =	sor.u32 s1, s0  }
0xc2: {  	s0 =	sadd.s32 $0x8F2B, s0  }
0xc3: {  	[sflag:s0] =	ssyncadd.remote.s32 $0x1  }
0xc4: {  	_ =	sfence.sel $0xFFFF  }
0xc5: {  	[dreg:$0x0] =	wrdreg $0xFFFFFFFF;
	(pc) =	sbr.abs _section_cstart, $3  }
0xc6: {  	[dreg:$0x1] =	wrdreg $0xFFFFFFFF  }
0xc7: {  	_ =	task.clear_ibuf [dreg:s7], $0x2FFFF;
	_ =	strace $0x9FFFFFFF  }
0xc8: {  	(tm) =	ssettm $0x7FFFFFFF  }
0xc9: {  	_ =	shalt  }
tec
execute0_lowered:
.L_overlay_start_1:
0x0: {  	(tag) =	ssettag $0x1  }
0x1: {  	s4 =	rddreg [dreg:$0x0]  }
0x2: {  	s5 =	rddreg [dreg:$0x1]  }
0x3: {  	s0 =	rddreg [dreg:$0x2];
	s2 =	simm.s32 $0x0  }
0x4: {  	s1 =	stileid.u32;
	s3 =	srdreg.scid;
	s11 =	simm.s32 $0x0  }
0x5: {  	[smem:$0x7FF] =	sst s2;
	s6 =	sshll.u32 s1, $0x11;
	s7 =	sand.u32 $0x1, s3  }
0x6: {  	s3 =	sadd.s32 $0x6600, s4;
	s9 =	sshll.u32 s1, $0xA;
	_ =	strace $0x8000004A  }
0x7: {  	s6 =	sadd.s32 s6, s4;
	s30 =	ssub.s32 $0x2, s7;
	s10 =	sshll.u32 s7, $0x9  }
0x8: {  	s7 =	sshll.u32 s7, $0x10;
	s8 =	sshrl.u32 s30, $0x1;
	s31 =	sor.u32 s10, s9  }
0x9: {  	s6 =	sadd.s32 s7, s6;
	s7 =	simm.s32 $0x2;
	s9 =	simm.s32 $0x1000  }
0xa: {  	s10 =	simm.s32 $0x1;
	s8 =	ssub.s32 s30, s8;
	s4 =	sadd.s32 s5, s31  }
0xb: {  	s6 =	sadd.s32 $0x86600, s6;
	s5 =	smax.u32 s8, $0x1;
	s8 =	simm.s32 $0x80  }
.LBB2_1:
0xc: {  	[tilespmem:s2], [sflag:$0x2] =	stream.linear.gather [hbm4b:s4+s2], $0x1000, $0x38;
	[tilespmem:$0x5000] =	vst v63  }
0xd: {  	_ =	swait.ge [sflag:s7], $0x1000  }
0xe: {  	[sflag:s7] =	ssyncset.done $0x0  }
0xf: {  	s12 =	simm.s32 $0x0;
	[sflag:s7] =	ssyncadd.s32 $0xFFFFF000  }
0x10: {  	[tilespmem:s9], [sflag:$0x1] =	stream.indirect.gather [hbm4b:s3+s8], $0x80, s12, s8, $0xb8;
	[tilespmem:$0x5000] =	vst v63  }
0x11: {  	_ =	swait.ge [sflag:s10], $0x4000  }
0x12: {  	[sflag:s10] =	ssyncset.done $0x0  }
0x13: {  	[sflag:s10] =	ssyncadd.s32 $0xFFFFC000  }
0x14: {  	[hbm4b:s6+s2] =	stream.linear.scatter [tilespmem:s9], [sflag:$0x2], $0x4000, $0x38;
	[tilespmem:$0x5000] =	vst v63  }
0x15: {  	s13 =	simm.s32 $0x200;
	_ =	swait.ge [sflag:s7], $0x4000  }
0x16: {  	s14 =	simm.s32 $0x400;
	s12 =	sadd.s32 $0x800, s6;
	[sflag:s7] =	ssyncset.done $0x0  }
.LBB2_2:
0x17: {  	s15 =	sshra.s32 s13, $0x2  }
0x18: {  	[sflag:s7] =	ssyncadd.s32 $0xFFFFC000;
	s13 =	smov.u32 s14;
	s16 =	sadd.s32 $0x200, s14  }
0x19: {  	[tilespmem:s9], [sflag:$0x1] =	stream.indirect.gather [hbm4b:s3+s8], $0x80, s15, s8, $0xb8;
	[tilespmem:$0x5000] =	vst v63  }
0x1a: {  	p0 =	sne.s32 s14, $0x3E00;
	_ =	swait.ge [sflag:s10], $0x4000  }
.Ltmp0:
0x1b: {  	[sflag:s10] =	ssyncset.done $0x0;
	(pc) =	sbr.rel @p0 .LBB2_2-.Ltmp0, $4  }
0x1c: {  	[sflag:s10] =	ssyncadd.s32 $0xFFFFC000  }
0x1d: {  	[hbm4b:s12+s2] =	stream.linear.scatter [tilespmem:s9], [sflag:$0x2], $0x4000, $0x38;
	[tilespmem:$0x5000] =	vst v63  }
0x1e: {  	_ =	swait.ge [sflag:s7], $0x4000  }
0x1f: {  	s14 =	smov.u32 s16;
	s12 =	sadd.s32 $0x800, s12;
	[sflag:s7] =	ssyncset.done $0x0  }
0x20: {  	s13 =	sshra.s32 s13, $0x2;
	[sflag:s7] =	ssyncadd.s32 $0xFFFFC000  }
0x21: {  	[tilespmem:s9], [sflag:$0x1] =	stream.indirect.gather [hbm4b:s3+s8], $0x80, s13, s8, $0xb8;
	[tilespmem:$0x5000] =	vst v63  }
0x22: {  	s11 =	sadd.s32 $0x1, s11;
	_ =	swait.ge [sflag:s10], $0x4000  }
0x23: {  	p0 =	sne.s32 s11, s5;
	[sflag:s10] =	ssyncset.done $0x0  }
.Ltmp1:
0x24: {  	[sflag:s10] =	ssyncadd.s32 $0xFFFFC000;
	(pc) =	sbr.rel @p0 .LBB2_1-.Ltmp1, $4  }
0x25: {  	[hbm4b:s12+s2] =	stream.linear.scatter [tilespmem:s9], [sflag:$0x2], $0x4000, $0x38;
	[tilespmem:$0x5000] =	vst v63  }
0x26: {  	_ =	swait.ge [sflag:s7], $0x4000  }
0x27: {  	[sflag:s7] =	ssyncset.done $0x0  }
0x28: {  	[sflag:s7] =	ssyncadd.s32 $0xFFFFC000  }
0x29: {  	_ =	sfence.sel $0x180000  }
0x2a: {  	[bflag:$0x0] =	sbarrier.arrive $0xFFFF  }
0x2b: {  	p0 =	sne.s32 s1, $0x0;
	_ =	strace $0x9000004A  }
0x2c: {  	s0 =	sadd.s32 @!p0 $0x100000, s0;
	[bflag:$0x2] =	sbarrier.arrive $0xFFFF  }
0x2d: {  	[sflag:s0] =	ssyncadd.tile.s32 @!p0 $0x1;
	_ =	shalt  }
.Lfunc_end2:
_tile_overlayer_lowered:
.L_overlay_start_2:
0x2e: {  	(tag) =	ssettag $0x2  }
0x2f: {  	s0 =	rddreg [dreg:$0x0];
	s2 =	stileid.u32  }
0x30: {  	s1 =	rddreg [dreg:$0x1];
	p0 =	sne.s32 s2, $0x0  }
0x31: {  	s3 =	rddreg [dreg:$0x2];
	[bflag:$0x3] =	sbarrier.arrive $0xFFFF;
	s2 =	simm.s32 @!p0 $0x1C02  }
0x32: {  	[timem:s3], [sflag:s2] =	dma.local @!p0 [hbm:s0], s1  }
0x33: {  	s0 =	simm.s32 @!p0 $0x2  }
0x34: {  	_ =	swait.ge @!p0 [sflag:s0], s1  }
0x35: {  	s1 =	ssub.s32 @!p0 $0x0, s1;
	[sflag:s0] =	ssyncset.done @!p0 $0x0  }
0x36: {  	[sflag:s0] =	ssyncadd.s32 @!p0 s1  }
0x37: {  	[bflag:$0x3] =	sbarrier.arrive $0xFFFF  }
0x38: {  	_ =	shalt  }

</sc_bundles>
